<compile_context>
chip_gen: v7x
topology: tpu7x:2x2x1
jax: 0.10.2.dev20260603
libtpu: 0.0.44.dev20260713+nightly
codegen_flags: <defaults>
</compile_context>

<pallas_src>
import functools

import jax
import jax.numpy as jnp
from jax import lax
from jax.experimental import pallas as pl
from jax.experimental.pallas import tpu as pltpu
from jax.experimental.pallas import tpu_sc as plsc

LANES = 16
NBIG = 2048
NSMALL = 256
STRIDE = 3 * NBIG
HISTW = LANES * STRIDE
NELEM = 512 * 512
HALFN = NELEM // 2
CHUNK = 8192
NCHUNK = HALFN // CHUNK
R25 = NELEM // 4 + 1
R50 = NELEM // 2 + 1
R75 = (3 * NELEM) // 4 + 1
UNROLL = 16


def _luma_body(p_ref, t_ref, lp_ref, lt_ref, sp_ref, st_ref):
    p0 = p_ref[0, 0]
    p1 = p_ref[0, 1]
    p2 = p_ref[0, 2]
    lp_ref[0] = 0.299 * p0 + 0.587 * p1 + 0.114 * p2
    sp = jnp.sum(p0) + jnp.sum(p1) + jnp.sum(p2)
    sp_ref[0, 0, :] = jnp.full((128,), sp, jnp.float32)
    t0 = t_ref[0, 0]
    t1 = t_ref[0, 1]
    t2 = t_ref[0, 2]
    lt_ref[0] = 0.299 * t0 + 0.587 * t1 + 0.114 * t2
    st = jnp.sum(t0) + jnp.sum(t1) + jnp.sum(t2)
    st_ref[0, 0, :] = jnp.full((128,), st, jnp.float32)


def _sc_select_body(lp_hbm, lt_hbm, out_hbm, buf0, buf1, hist, myflat,
                    vtmp, sh_hist, sem0, sem1):
    c = lax.axis_index("c")
    s = lax.axis_index("s")
    img = c * 8 + (s >> 1)
    half = s & 1
    part = s ^ 1
    lanes = lax.iota(jnp.int32, 16)
    ones = jnp.ones((16,), jnp.int32)
    zeros16 = jnp.zeros((16,), jnp.int32)
    lanebase = lanes * STRIDE
    base = half * HALFN

    def start_dma(ci, buf, sem):
        off = base + ci * CHUNK

        @pl.when(img < 8)
        def _():
            pltpu.async_copy(lp_hbm.at[img, pl.ds(off, CHUNK)], buf, sem)

        @pl.when(img >= 8)
        def _():
            pltpu.async_copy(lt_hbm.at[img - 8, pl.ds(off, CHUNK)], buf, sem)

    def wait_dma(buf, sem):
        pltpu.make_async_copy(lp_hbm.at[0, pl.ds(0, CHUNK)], buf, sem).wait()

    def stream_pass(per_vreg, car, unroll=UNROLL):
        car = jax.tree.map(jnp.asarray, car)
        def chunk_process(buf, c):
            def body(i, c2):
                x = buf[pl.ds(i, 16)]
                return per_vreg(x, c2)
            return plsc.parallel_loop(0, CHUNK, 16, unroll=unroll,
                                      carry=c)(body)

        def pair_body(i, c):
            ci0 = 2 * i
            wait_dma(buf0, sem0)
            start_dma(ci0 + 1, buf1, sem1)
            c = chunk_process(buf0, c)
            wait_dma(buf1, sem1)

            @pl.when(ci0 + 2 < NCHUNK)
            def _():
                start_dma(ci0 + 2, buf0, sem0)

            c = chunk_process(buf1, c)
            return c

        start_dma(0, buf0, sem0)
        return lax.fori_loop(0, NCHUNK // 2, pair_body, car)

    def zero_hist():
        def body(i):
            hist[pl.ds(i, 16)] = zeros16
        plsc.parallel_loop(0, HISTW, 16, unroll=8)(body)

    def zero_cols(ncols_pow2):
        sh = ncols_pow2.bit_length() - 1
        msk = ncols_pow2 - 1

        def body(i):
            hist[pl.ds(((i >> sh) * STRIDE) + (i & msk), 16)] = zeros16
        plsc.parallel_loop(0, LANES * ncols_pow2, 16, unroll=8)(body)

    def lane_reduce(ncols):
        def body(cv):
            acc = zeros16
            for l in range(LANES):
                acc = acc + hist[pl.ds(l * STRIDE + cv, 16)]
            myflat[pl.ds(cv, 16)] = acc
        plsc.parallel_loop(0, ncols, 16, unroll=2)(body)

    def publish(ncols):
        pltpu.sync_copy(myflat.at[pl.ds(0, ncols)],
                        sh_hist.at[s, pl.ds(0, ncols)])

    def fetch(ncols):
        pltpu.sync_copy(sh_hist.at[part, pl.ds(0, ncols)],
                        hist.at[pl.ds(0, ncols)])

    def find_shared(nbins, segoff, r1, r2, r3):
        def body(i, car):
            cum, st = car
            o = segoff + i * 16
            v = myflat[pl.ds(o, 16)] + hist[pl.ds(o, 16)]
            pc = plsc.cumsum(v) + cum
            new = []
            for (b, cb), r in zip(st, (r1, r2, r3)):
                lt = pc < r
                b = b + jnp.sum(jnp.where(lt, ones, zeros16))
                cb = jnp.maximum(cb, jnp.max(jnp.where(lt, pc, zeros16)))
                new.append((b, cb))
            return jnp.max(pc), tuple(new)
        z = jnp.int32(0)
        _, st = lax.fori_loop(0, nbins // 16, body,
                              (z, ((z, z), (z, z), (z, z))))
        return st

    def find_multi(nbins, segoffs, ranks):
        def body(i, car):
            new = []
            for (cum, b, cb), o0, r in zip(car, segoffs, ranks):
                o = o0 + i * 16
                v = myflat[pl.ds(o, 16)] + hist[pl.ds(o, 16)]
                pc = plsc.cumsum(v) + cum
                lt = pc < r
                b = b + jnp.sum(jnp.where(lt, ones, zeros16))
                cb = jnp.maximum(cb, jnp.max(jnp.where(lt, pc, zeros16)))
                new.append((jnp.max(pc), b, cb))
            return tuple(new)
        z = jnp.int32(0)
        st = lax.fori_loop(0, nbins // 16, body, ((z,) * 3,) * 3)
        return tuple((b, cb) for _, b, cb in st)

    scope = jax.named_scope
    with scope("z1"):
        zero_cols(NBIG)

    def p1_vreg(x, car2):
        vmin, vmax = car2
        bits = lax.bitcast_convert_type(x, jnp.int32)
        plsc.addupdate_scatter(hist, [lanebase + (bits >> 19)], ones)
        return jnp.minimum(vmin, x), jnp.maximum(vmax, x)

    vmin0 = jnp.full((16,), jnp.inf, jnp.float32)
    vmax0 = jnp.full((16,), -jnp.inf, jnp.float32)
    with scope("p1"):
        vmin, vmax = stream_pass(p1_vreg, (vmin0, vmax0))
    mn = jnp.min(vmin)
    mx = jnp.max(vmax)

    with scope("m1"):
        lane_reduce(NBIG)
    mmv = jnp.where(lanes == 1, mx, mn)
    myflat[pl.ds(NBIG, 16)] = lax.bitcast_convert_type(mmv, jnp.int32)
    publish(NBIG + 128)
    plsc.subcore_barrier()
    fetch(NBIG + 128)
    pmm = lax.bitcast_convert_type(hist[pl.ds(NBIG, 16)], jnp.float32)
    mn = jnp.minimum(mn, jnp.min(pmm))
    mx = jnp.maximum(mx, jnp.max(pmm))
    plsc.subcore_barrier()

    with scope("f1"):
        ((b25, c25), (b50, c50), (b75, c75)) = find_shared(
            NBIG, 0, jnp.int32(R25), jnp.int32(R50), jnp.int32(R75))
    r2_25 = jnp.int32(R25) - c25
    r2_50 = jnp.int32(R50) - c50
    r2_75 = jnp.int32(R75) - c75

    with scope("z2"):
        zero_hist()

    def p2_vreg(x, car2):
        bits = lax.bitcast_convert_type(x, jnp.int32)
        top = bits >> 19
        addr = lanebase + ((bits >> 8) & (NBIG - 1))
        plsc.addupdate_scatter(hist, [addr], ones, mask=top == b25)
        plsc.addupdate_scatter(hist, [addr + NBIG], ones, mask=top == b50)
        plsc.addupdate_scatter(hist, [addr + 2 * NBIG], ones, mask=top == b75)
        return car2

    with scope("p2"):
        stream_pass(p2_vreg, 0, unroll=8)
    with scope("m2"):
        lane_reduce(3 * NBIG)
    publish(3 * NBIG)
    plsc.subcore_barrier()
    fetch(3 * NBIG)
    plsc.subcore_barrier()
    ((b2_25, c2_25), (b2_50, c2_50), (b2_75, c2_75)) = find_multi(
        NBIG, (0, NBIG, 2 * NBIG), (r2_25, r2_50, r2_75))
    r3_25 = r2_25 - c2_25
    r3_50 = r2_50 - c2_50
    r3_75 = r2_75 - c2_75
    pre25 = (b25 << 11) | b2_25
    pre50 = (b50 << 11) | b2_50
    pre75 = (b75 << 11) | b2_75

    with scope("z3"):
        zero_cols(4 * NSMALL)

    def p3_vreg(x, car2):
        bits = lax.bitcast_convert_type(x, jnp.int32)
        hi = bits >> 8
        addr = lanebase + (bits & (NSMALL - 1))
        plsc.addupdate_scatter(hist, [addr], ones, mask=hi == pre25)
        plsc.addupdate_scatter(hist, [addr + NSMALL], ones, mask=hi == pre50)
        plsc.addupdate_scatter(hist, [addr + 2 * NSMALL], ones,
                               mask=hi == pre75)
        return car2

    with scope("p3"):
        stream_pass(p3_vreg, 0, unroll=8)
    with scope("m3"):
        lane_reduce(3 * NSMALL)
    publish(3 * NSMALL)
    plsc.subcore_barrier()
    fetch(3 * NSMALL)
    ((b3_25, _), (b3_50, _), (b3_75, _)) = find_multi(
        NSMALL, (0, NSMALL, 2 * NSMALL), (r3_25, r3_50, r3_75))

    v25 = lax.bitcast_convert_type(
        jnp.broadcast_to((b25 << 19) | (b2_25 << 8) | b3_25, (16,)),
        jnp.float32)
    v50 = lax.bitcast_convert_type(
        jnp.broadcast_to((b50 << 19) | (b2_50 << 8) | b3_50, (16,)),
        jnp.float32)
    v75 = lax.bitcast_convert_type(
        jnp.broadcast_to((b75 << 19) | (b2_75 << 8) | b3_75, (16,)),
        jnp.float32)

    outv = jnp.where(lanes == 0, mn, jnp.zeros((16,), jnp.float32))
    outv = jnp.where(lanes == 1, v25, outv)
    outv = jnp.where(lanes == 2, v50, outv)
    outv = jnp.where(lanes == 3, v75, outv)
    outv = jnp.where(lanes == 4, mx, outv)
    vtmp[...] = outv

    @pl.when(half == 0)
    def _():
        pltpu.sync_copy(vtmp, out_hbm.at[img])


def _select_call(luma_p2, luma_t2):
    sel = functools.partial(
        pl.kernel,
        out_type=jax.ShapeDtypeStruct((16, 16), jnp.float32),
        mesh=plsc.VectorSubcoreMesh(core_axis_name="c", subcore_axis_name="s"),
        compiler_params=pltpu.CompilerParams(needs_layout_passes=False),
        scratch_types=[
            pltpu.VMEM((CHUNK,), jnp.float32),
            pltpu.VMEM((CHUNK,), jnp.float32),
            pltpu.VMEM((HISTW,), jnp.int32),
            pltpu.VMEM((STRIDE,), jnp.int32),
            pltpu.VMEM((16,), jnp.float32),
            pltpu.VMEM_SHARED((16, STRIDE), jnp.int32),
            pltpu.SemaphoreType.DMA,
            pltpu.SemaphoreType.DMA,
        ],
    )(_sc_select_body)
    return sel(luma_p2, luma_t2)


def _combine_body(sp_ref, st_ref, stats_ref, out_ref):
    inv_n = 1.0 / float(3 * 512 * 512)
    exposure = jnp.mean(jnp.abs(sp_ref[...] * inv_n - st_ref[...] * inv_n))
    st = stats_ref[...]
    d = jnp.abs(st[0:8, :] - st[8:16, :])
    lanemask = lax.broadcasted_iota(jnp.int32, (8, 16), 1) < 5
    hist = jnp.sum(jnp.where(lanemask, d, 0.0)) / 40.0
    out_ref[...] = jnp.full((1, 1), exposure + 0.5 * hist, jnp.float32)


def kernel(pred, target):
    luma_p, luma_t, sums_p, sums_t = pl.pallas_call(
        _luma_body,
        grid=(8,),
        in_specs=[
            pl.BlockSpec((1, 3, 512, 512), lambda i: (i, 0, 0, 0)),
            pl.BlockSpec((1, 3, 512, 512), lambda i: (i, 0, 0, 0)),
        ],
        out_specs=[
            pl.BlockSpec((1, 512, 512), lambda i: (i, 0, 0)),
            pl.BlockSpec((1, 512, 512), lambda i: (i, 0, 0)),
            pl.BlockSpec((1, 1, 128), lambda i: (i, 0, 0)),
            pl.BlockSpec((1, 1, 128), lambda i: (i, 0, 0)),
        ],
        out_shape=[
            jax.ShapeDtypeStruct((8, 512, 512), jnp.float32),
            jax.ShapeDtypeStruct((8, 512, 512), jnp.float32),
            jax.ShapeDtypeStruct((8, 1, 128), jnp.float32),
            jax.ShapeDtypeStruct((8, 1, 128), jnp.float32),
        ],
    )(pred, target)

    stats = _select_call(jnp.reshape(luma_p, (8, NELEM)),
                         jnp.reshape(luma_t, (8, NELEM)))

    out = pl.pallas_call(
        _combine_body,
        out_shape=jax.ShapeDtypeStruct((1, 1), jnp.float32),
    )(sums_p, sums_t, stats)
    return jnp.reshape(out, ())

# --- scband reference (transcript-rebuilt; emitter-appended) ---
"""Pipeline reference for scband-exposure-compensation-loss-16312285790283 (READ-ONLY COPY).

The authoritative reference and input builder live on the scoring server;
editing this copy changes nothing except your own understanding.
"""

import jax, jax.numpy as jnp
import numpy as np

PERCENTILES = [0, 25, 50, 75, 100]


def setup_inputs(seed: int = 0) -> dict:
    key = jax.random.key(seed)
    k1, k2 = jax.random.split(key)
    pred = jax.random.uniform(k1, (8, 3, 512, 512), dtype=jnp.float32)
    target = jax.random.uniform(k2, (8, 3, 512, 512), dtype=jnp.float32)
    return {"pred": pred, "target": target}


def reference(pred, target):
    # exposure term: L1 between per-image means
    pred_mean = jnp.mean(pred, axis=(1, 2, 3), keepdims=True)
    target_mean = jnp.mean(target, axis=(1, 2, 3), keepdims=True)
    exposure_loss = jnp.mean(jnp.abs(pred_mean - target_mean))

    # luma conversion (BT.601 weights)
    pred_luma = 0.299 * pred[:, 0:1] + 0.587 * pred[:, 1:2] + 0.114 * pred[:, 2:3]
    target_luma = 0.299 * target[:, 0:1] + 0.587 * target[:, 1:2] + 0.114 * target[:, 2:3]

    B = pred.shape[0]
    pred_sorted = jnp.sort(pred_luma.reshape(B, -1), axis=1)
    target_sorted = jnp.sort(target_luma.reshape(B, -1), axis=1)

    n = pred_sorted.shape[1]
    hist_loss = 0.0
    for p in PERCENTILES:
        idx = min(int(n * p / 100), n - 1)  # clamp: p=100 would index past the end in the torch code
        hist_loss = hist_loss + jnp.mean(
            jnp.abs(pred_sorted[:, idx:idx + 1] - target_sorted[:, idx:idx + 1])
        )
    hist_loss = hist_loss / len(PERCENTILES)

    return exposure_loss + 0.5 * hist_loss

if __name__ == "__main__":
    import jax
    _d = setup_inputs()
    print(jax.jit(kernel)(*tuple(_d.values())))

</pallas_src>

<mosaic_0001>
#map = affine_map<(d0, d1) -> (0, 0)>
module attributes {stable_mosaic.version = 14 : i64} {
  func.func @_sc_select_body(%arg0: i32, %arg1: i32, %arg2: memref<8x262144xf32, #tpu.memory_space<hbm>>, %arg3: memref<8x262144xf32, #tpu.memory_space<hbm>>, %arg4: memref<16x16xf32, #tpu.memory_space<hbm>>, %arg5: memref<8192xf32, #tpu.memory_space<vmem>>, %arg6: memref<8192xf32, #tpu.memory_space<vmem>>, %arg7: memref<98304xi32, #tpu.memory_space<vmem>>, %arg8: memref<6144xi32, #tpu.memory_space<vmem>>, %arg9: memref<16xf32, #tpu.memory_space<vmem>>, %arg10: memref<16x6144xi32, #tpu.memory_space<vmem_shared>>, %arg11: memref<!tpu.dma_semaphore, #tpu.memory_space<semaphore_mem>>, %arg12: memref<!tpu.dma_semaphore, #tpu.memory_space<semaphore_mem>>) attributes {dimension_semantics = [#tpu.dimension_semantics<core_parallel>, #tpu.dimension_semantics<subcore_parallel>], iteration_bounds = array<i64: 2, 16>, scalar_prefetch = 0 : i64, scratch_operands = 8 : i64, tpu.core_type = #tpu.core_type<sc_vector_subcore>, window_params = [{transform_indices = #map}, {transform_indices = #map}, {transform_indices = #map}]} {
    %mul3A = arith.constant 8 : i32
    %mul3A_0 = arith.muli %arg0, %mul3A : i32
    %shift_right_arithmetic3A = arith.constant 1 : i32
    %shift_right_arithmetic3A_1 = arith.shrsi %arg1, %shift_right_arithmetic3A : i32
    %add3A = arith.addi %mul3A_0, %shift_right_arithmetic3A_1 : i32
    %and3A = arith.constant 1 : i32
    %and3A_2 = arith.andi %arg1, %and3A : i32
    %xor3A = arith.constant 1 : i32
    %xor3A_3 = arith.xori %arg1, %xor3A : i32
    %iota3A = tpu.iota {dimensions = array<i32: 0>} : vector<16xi32>
    %broadcast_in_dim3A = arith.constant 1 : i32
    %broadcast_in_dim3A_4 = vector.broadcast %broadcast_in_dim3A : i32 to vector<16xi32>
    %broadcast_in_dim3A_5 = arith.constant 0 : i32
    %broadcast_in_dim3A_6 = vector.broadcast %broadcast_in_dim3A_5 : i32 to vector<16xi32>
    %mul3A_7 = arith.constant 6144 : i32
    %mul3A_8 = vector.broadcast %mul3A_7 : i32 to vector<16xi32>
    %mul3A_9 = arith.muli %iota3A, %mul3A_8 : vector<16xi32>
    %mul3A_10 = arith.constant 131072 : i32
    %mul3A_11 = arith.muli %and3A_2, %mul3A_10 : i32
    %parallel_loop3A = arith.constant 0 : i32
    %parallel_loop3A_12 = arith.constant 32768 : i32
    %parallel_loop3A_13 = arith.constant 16 : i32
    "tpu.trace_start"() <{level = 10 : i32, message = "z1"}> : () -> ()
    scf.for %parallel_loop3A_225 = %parallel_loop3A to %parallel_loop3A_12 step %parallel_loop3A_13  : i32 {
      %parallel_loop3A_226 = arith.constant 11 : i32
      %parallel_loop3A_227 = arith.shrsi %parallel_loop3A_225, %parallel_loop3A_226 : i32
      %parallel_loop3A_228 = arith.constant 6144 : i32
      %parallel_loop3A_229 = arith.muli %parallel_loop3A_227, %parallel_loop3A_228 : i32
      %parallel_loop3A_230 = arith.constant 2047 : i32
      %parallel_loop3A_231 = arith.andi %parallel_loop3A_225, %parallel_loop3A_230 : i32
      %parallel_loop3A_232 = arith.addi %parallel_loop3A_229, %parallel_loop3A_231 : i32
      %parallel_loop3A_233 = arith.index_cast %parallel_loop3A_232 : i32 to index
      %parallel_loop3A_234 = tpu.vector_load %arg7[%parallel_loop3A_233] {strides = array<i32>} : memref<98304xi32, #tpu.memory_space<vmem>>, vector<16xi32>,
      tpu.vector_store %arg7[%parallel_loop3A_233], %broadcast_in_dim3A_6 {strides = array<i32>} : memref<98304xi32, #tpu.memory_space<vmem>>, vector<16xi32>,
    } {sc.loop_unroll_factor = 8 : i64, sc.parallel_access}
    %broadcast_in_dim3A_14 = arith.constant 0x7F800000 : f32
    "tpu.trace_stop"() : () -> ()
    %broadcast_in_dim3A_15 = vector.broadcast %broadcast_in_dim3A_14 : f32 to vector<16xf32>
    %broadcast_in_dim3A_16 = arith.constant 0xFF800000 : f32
    %broadcast_in_dim3A_17 = vector.broadcast %broadcast_in_dim3A_16 : f32 to vector<16xf32>
    "tpu.trace_start"() <{level = 10 : i32, message = "p1"}> : () -> ()
    %add3A_18 = arith.constant 0 : i32
    %add3A_19 = arith.addi %mul3A_11, %add3A_18 : i32
    %lt3A = arith.constant 8 : i32
    %lt3A_20 = arith.cmpi slt, %add3A, %lt3A : i32
    %convert_element_type3A = arith.extui %lt3A_20 : i1 to i32
    %cond3A = arith.constant 0 : i32
    %cond3A_21 = arith.cmpi ne, %convert_element_type3A, %cond3A : i32
    scf.if %cond3A_21 {
      %dma_start3A = tpu.memref_slice %arg2[%add3A, %add3A_19] : memref<8x262144xf32, #tpu.memory_space<hbm>> -> memref<1x8192xf32, #tpu.memory_space<hbm>>
      %dma_start3A_225 = tpu.memref_squeeze %dma_start3A : memref<1x8192xf32, #tpu.memory_space<hbm>> -> memref<8192xf32, #tpu.memory_space<hbm>>
      %dma_start3A_226 = tpu.memref_slice %arg2[%add3A, %add3A_19] : memref<8x262144xf32, #tpu.memory_space<hbm>> -> memref<1x8192xf32, #tpu.memory_space<hbm>>
      %dma_start3A_227 = tpu.memref_squeeze %dma_start3A_226 : memref<1x8192xf32, #tpu.memory_space<hbm>> -> memref<8192xf32, #tpu.memory_space<hbm>>
      tpu.enqueue_dma source(%dma_start3A_227 : memref<8192xf32, #tpu.memory_space<hbm>>) target(%arg5 : memref<8192xf32, #tpu.memory_space<vmem>>) target_semaphore(%arg11 : memref<!tpu.dma_semaphore, #tpu.memory_space<semaphore_mem>>)
    } else {
    }
    %ge3A = arith.constant 8 : i32
    %ge3A_22 = arith.cmpi sge, %add3A, %ge3A : i32
    %convert_element_type3A_23 = arith.extui %ge3A_22 : i1 to i32
    %cond3A_24 = arith.constant 0 : i32
    %cond3A_25 = arith.cmpi ne, %convert_element_type3A_23, %cond3A_24 : i32
    scf.if %cond3A_25 {
      %sub3A_225 = arith.constant 8 : i32
      %sub3A_226 = arith.subi %add3A, %sub3A_225 : i32
      %dma_start3A = tpu.memref_slice %arg3[%sub3A_226, %add3A_19] : memref<8x262144xf32, #tpu.memory_space<hbm>> -> memref<1x8192xf32, #tpu.memory_space<hbm>>
      %dma_start3A_227 = tpu.memref_squeeze %dma_start3A : memref<1x8192xf32, #tpu.memory_space<hbm>> -> memref<8192xf32, #tpu.memory_space<hbm>>
      %dma_start3A_228 = tpu.memref_slice %arg3[%sub3A_226, %add3A_19] : memref<8x262144xf32, #tpu.memory_space<hbm>> -> memref<1x8192xf32, #tpu.memory_space<hbm>>
      %dma_start3A_229 = tpu.memref_squeeze %dma_start3A_228 : memref<1x8192xf32, #tpu.memory_space<hbm>> -> memref<8192xf32, #tpu.memory_space<hbm>>
      tpu.enqueue_dma source(%dma_start3A_229 : memref<8192xf32, #tpu.memory_space<hbm>>) target(%arg5 : memref<8192xf32, #tpu.memory_space<vmem>>) target_semaphore(%arg11 : memref<!tpu.dma_semaphore, #tpu.memory_space<semaphore_mem>>)
    } else {
    }
    %scan3A = arith.constant 0 : i32
    %scan3A_26 = arith.constant 8 : i32
    %scan3A_27 = arith.addi %scan3A, %scan3A_26 : i32
    %scan3A_28 = arith.constant 1 : i32
    %scan3A_29:2 = scf.for %scan3A_225 = %scan3A to %scan3A_27 step %scan3A_28 iter_args(%scan3A_226 = %broadcast_in_dim3A_15, %scan3A_227 = %broadcast_in_dim3A_17) -> (vector<16xf32>, vector<16xf32>)  : i32 {
      %mul3A_228 = arith.constant 2 : i32
      %mul3A_229 = arith.muli %mul3A_228, %scan3A_225 : i32
      %dma_wait3A = arith.constant 0 : i32
      %dma_wait3A_230 = arith.constant 0 : i32
      %dma_wait3A_231 = tpu.memref_slice %arg2[%dma_wait3A, %dma_wait3A_230] : memref<8x262144xf32, #tpu.memory_space<hbm>> -> memref<1x8192xf32, #tpu.memory_space<hbm>>
      %dma_wait3A_232 = tpu.memref_squeeze %dma_wait3A_231 : memref<1x8192xf32, #tpu.memory_space<hbm>> -> memref<8192xf32, #tpu.memory_space<hbm>>
      %dma_wait3A_233 = arith.constant 0 : i32
      %dma_wait3A_234 = tpu.memref_slice %arg2[%dma_wait3A, %dma_wait3A_233] : memref<8x262144xf32, #tpu.memory_space<hbm>> -> memref<1x8192xf32, #tpu.memory_space<hbm>>
      %dma_wait3A_235 = tpu.memref_squeeze %dma_wait3A_234 : memref<1x8192xf32, #tpu.memory_space<hbm>> -> memref<8192xf32, #tpu.memory_space<hbm>>
      tpu.wait_dma2 semaphore(%arg11 : memref<!tpu.dma_semaphore, #tpu.memory_space<semaphore_mem>>) src(%dma_wait3A_235 : memref<8192xf32, #tpu.memory_space<hbm>>) dst(%arg5 : memref<8192xf32, #tpu.memory_space<vmem>>)
      %add3A_236 = arith.constant 1 : i32
      %add3A_237 = arith.addi %mul3A_229, %add3A_236 : i32
      %mul3A_238 = arith.constant 8192 : i32
      %mul3A_239 = arith.muli %add3A_237, %mul3A_238 : i32
      %add3A_240 = arith.addi %mul3A_11, %mul3A_239 : i32
      %lt3A_241 = arith.constant 8 : i32
      %lt3A_242 = arith.cmpi slt, %add3A, %lt3A_241 : i32
      %convert_element_type3A_243 = arith.extui %lt3A_242 : i1 to i32
      %cond3A_244 = arith.constant 0 : i32
      %cond3A_245 = arith.cmpi ne, %convert_element_type3A_243, %cond3A_244 : i32
      scf.if %cond3A_245 {
        %dma_start3A = tpu.memref_slice %arg2[%add3A, %add3A_240] : memref<8x262144xf32, #tpu.memory_space<hbm>> -> memref<1x8192xf32, #tpu.memory_space<hbm>>
        %dma_start3A_273 = tpu.memref_squeeze %dma_start3A : memref<1x8192xf32, #tpu.memory_space<hbm>> -> memref<8192xf32, #tpu.memory_space<hbm>>
        %dma_start3A_274 = tpu.memref_slice %arg2[%add3A, %add3A_240] : memref<8x262144xf32, #tpu.memory_space<hbm>> -> memref<1x8192xf32, #tpu.memory_space<hbm>>
        %dma_start3A_275 = tpu.memref_squeeze %dma_start3A_274 : memref<1x8192xf32, #tpu.memory_space<hbm>> -> memref<8192xf32, #tpu.memory_space<hbm>>
        tpu.enqueue_dma source(%dma_start3A_275 : memref<8192xf32, #tpu.memory_space<hbm>>) target(%arg6 : memref<8192xf32, #tpu.memory_space<vmem>>) target_semaphore(%arg12 : memref<!tpu.dma_semaphore, #tpu.memory_space<semaphore_mem>>)
      } else {
      }
      %ge3A_246 = arith.constant 8 : i32
      %ge3A_247 = arith.cmpi sge, %add3A, %ge3A_246 : i32
      %convert_element_type3A_248 = arith.extui %ge3A_247 : i1 to i32
      %cond3A_249 = arith.constant 0 : i32
      %cond3A_250 = arith.cmpi ne, %convert_element_type3A_248, %cond3A_249 : i32
      scf.if %cond3A_250 {
        %sub3A_273 = arith.constant 8 : i32
        %sub3A_274 = arith.subi %add3A, %sub3A_273 : i32
        %dma_start3A = tpu.memref_slice %arg3[%sub3A_274, %add3A_240] : memref<8x262144xf32, #tpu.memory_space<hbm>> -> memref<1x8192xf32, #tpu.memory_space<hbm>>
        %dma_start3A_275 = tpu.memref_squeeze %dma_start3A : memref<1x8192xf32, #tpu.memory_space<hbm>> -> memref<8192xf32, #tpu.memory_space<hbm>>
        %dma_start3A_276 = tpu.memref_slice %arg3[%sub3A_274, %add3A_240] : memref<8x262144xf32, #tpu.memory_space<hbm>> -> memref<1x8192xf32, #tpu.memory_space<hbm>>
        %dma_start3A_277 = tpu.memref_squeeze %dma_start3A_276 : memref<1x8192xf32, #tpu.memory_space<hbm>> -> memref<8192xf32, #tpu.memory_space<hbm>>
        tpu.enqueue_dma source(%dma_start3A_277 : memref<8192xf32, #tpu.memory_space<hbm>>) target(%arg6 : memref<8192xf32, #tpu.memory_space<vmem>>) target_semaphore(%arg12 : memref<!tpu.dma_semaphore, #tpu.memory_space<semaphore_mem>>)
      } else {
      }
      %parallel_loop3A_251 = arith.constant 0 : i32
      %parallel_loop3A_252 = arith.constant 8192 : i32
      %parallel_loop3A_253 = arith.constant 16 : i32
      %parallel_loop3A_254:2 = scf.for %parallel_loop3A_273 = %parallel_loop3A_251 to %parallel_loop3A_252 step %parallel_loop3A_253 iter_args(%parallel_loop3A_274 = %scan3A_226, %parallel_loop3A_275 = %scan3A_227) -> (vector<16xf32>, vector<16xf32>)  : i32 {
        %parallel_loop3A_276 = arith.index_cast %parallel_loop3A_273 : i32 to index
        %parallel_loop3A_277 = tpu.vector_load %arg5[%parallel_loop3A_276] {strides = array<i32>} : memref<8192xf32, #tpu.memory_space<vmem>>, vector<16xf32>,
        %parallel_loop3A_278 = tpu.bitcast %parallel_loop3A_277 : vector<16xf32> -> vector<16xi32>
        %parallel_loop3A_279 = arith.constant 19 : i32
        %parallel_loop3A_280 = vector.broadcast %parallel_loop3A_279 : i32 to vector<16xi32>
        %parallel_loop3A_281 = arith.shrsi %parallel_loop3A_278, %parallel_loop3A_280 : vector<16xi32>
        %parallel_loop3A_282 = arith.addi %mul3A_9, %parallel_loop3A_281 : vector<16xi32>
        tpu.vector_store_idx %arg7[%parallel_loop3A_282], %broadcast_in_dim3A_4 {add = true} : memref<98304xi32, #tpu.memory_space<vmem>>[vector<16xi32>], vector<16xi32>,
        %parallel_loop3A_283 = arith.minimumf %parallel_loop3A_274, %parallel_loop3A_277 : vector<16xf32>
        %parallel_loop3A_284 = arith.maximumf %parallel_loop3A_275, %parallel_loop3A_277 : vector<16xf32>
        scf.yield %parallel_loop3A_283, %parallel_loop3A_284 : vector<16xf32>, vector<16xf32>
      } {sc.loop_unroll_factor = 16 : i64, sc.parallel_access}
      %dma_wait3A_255 = arith.constant 0 : i32
      %dma_wait3A_256 = arith.constant 0 : i32
      %dma_wait3A_257 = tpu.memref_slice %arg2[%dma_wait3A_255, %dma_wait3A_256] : memref<8x262144xf32, #tpu.memory_space<hbm>> -> memref<1x8192xf32, #tpu.memory_space<hbm>>
      %dma_wait3A_258 = tpu.memref_squeeze %dma_wait3A_257 : memref<1x8192xf32, #tpu.memory_space<hbm>> -> memref<8192xf32, #tpu.memory_space<hbm>>
      %dma_wait3A_259 = arith.constant 0 : i32
      %dma_wait3A_260 = tpu.memref_slice %arg2[%dma_wait3A_255, %dma_wait3A_259] : memref<8x262144xf32, #tpu.memory_space<hbm>> -> memref<1x8192xf32, #tpu.memory_space<hbm>>
      %dma_wait3A_261 = tpu.memref_squeeze %dma_wait3A_260 : memref<1x8192xf32, #tpu.memory_space<hbm>> -> memref<8192xf32, #tpu.memory_space<hbm>>
      tpu.wait_dma2 semaphore(%arg12 : memref<!tpu.dma_semaphore, #tpu.memory_space<semaphore_mem>>) src(%dma_wait3A_261 : memref<8192xf32, #tpu.memory_space<hbm>>) dst(%arg6 : memref<8192xf32, #tpu.memory_space<vmem>>)
      %add3A_262 = arith.constant 2 : i32
      %add3A_263 = arith.addi %mul3A_229, %add3A_262 : i32
      %lt3A_264 = arith.constant 16 : i32
      %lt3A_265 = arith.cmpi slt, %add3A_263, %lt3A_264 : i32
      %convert_element_type3A_266 = arith.extui %lt3A_265 : i1 to i32
      %cond3A_267 = arith.constant 0 : i32
      %cond3A_268 = arith.cmpi ne, %convert_element_type3A_266, %cond3A_267 : i32
      scf.if %cond3A_268 {
        %add3A_273 = arith.constant 2 : i32
        %add3A_274 = arith.addi %mul3A_229, %add3A_273 : i32
        %mul3A_275 = arith.constant 8192 : i32
        %mul3A_276 = arith.muli %add3A_274, %mul3A_275 : i32
        %add3A_277 = arith.addi %mul3A_11, %mul3A_276 : i32
        %lt3A_278 = arith.constant 8 : i32
        %lt3A_279 = arith.cmpi slt, %add3A, %lt3A_278 : i32
        %convert_element_type3A_280 = arith.extui %lt3A_279 : i1 to i32
        %cond3A_281 = arith.constant 0 : i32
        %cond3A_282 = arith.cmpi ne, %convert_element_type3A_280, %cond3A_281 : i32
        scf.if %cond3A_282 {
          %dma_start3A = tpu.memref_slice %arg2[%add3A, %add3A_277] : memref<8x262144xf32, #tpu.memory_space<hbm>> -> memref<1x8192xf32, #tpu.memory_space<hbm>>
          %dma_start3A_288 = tpu.memref_squeeze %dma_start3A : memref<1x8192xf32, #tpu.memory_space<hbm>> -> memref<8192xf32, #tpu.memory_space<hbm>>
          %dma_start3A_289 = tpu.memref_slice %arg2[%add3A, %add3A_277] : memref<8x262144xf32, #tpu.memory_space<hbm>> -> memref<1x8192xf32, #tpu.memory_space<hbm>>
          %dma_start3A_290 = tpu.memref_squeeze %dma_start3A_289 : memref<1x8192xf32, #tpu.memory_space<hbm>> -> memref<8192xf32, #tpu.memory_space<hbm>>
          tpu.enqueue_dma source(%dma_start3A_290 : memref<8192xf32, #tpu.memory_space<hbm>>) target(%arg5 : memref<8192xf32, #tpu.memory_space<vmem>>) target_semaphore(%arg11 : memref<!tpu.dma_semaphore, #tpu.memory_space<semaphore_mem>>)
        } else {
        }
        %ge3A_283 = arith.constant 8 : i32
        %ge3A_284 = arith.cmpi sge, %add3A, %ge3A_283 : i32
        %convert_element_type3A_285 = arith.extui %ge3A_284 : i1 to i32
        %cond3A_286 = arith.constant 0 : i32
        %cond3A_287 = arith.cmpi ne, %convert_element_type3A_285, %cond3A_286 : i32
        scf.if %cond3A_287 {
          %sub3A_288 = arith.constant 8 : i32
          %sub3A_289 = arith.subi %add3A, %sub3A_288 : i32
          %dma_start3A = tpu.memref_slice %arg3[%sub3A_289, %add3A_277] : memref<8x262144xf32, #tpu.memory_space<hbm>> -> memref<1x8192xf32, #tpu.memory_space<hbm>>
          %dma_start3A_290 = tpu.memref_squeeze %dma_start3A : memref<1x8192xf32, #tpu.memory_space<hbm>> -> memref<8192xf32, #tpu.memory_space<hbm>>
          %dma_start3A_291 = tpu.memref_slice %arg3[%sub3A_289, %add3A_277] : memref<8x262144xf32, #tpu.memory_space<hbm>> -> memref<1x8192xf32, #tpu.memory_space<hbm>>
          %dma_start3A_292 = tpu.memref_squeeze %dma_start3A_291 : memref<1x8192xf32, #tpu.memory_space<hbm>> -> memref<8192xf32, #tpu.memory_space<hbm>>
          tpu.enqueue_dma source(%dma_start3A_292 : memref<8192xf32, #tpu.memory_space<hbm>>) target(%arg5 : memref<8192xf32, #tpu.memory_space<vmem>>) target_semaphore(%arg11 : memref<!tpu.dma_semaphore, #tpu.memory_space<semaphore_mem>>)
        } else {
        }
      } else {
      }
      %parallel_loop3A_269 = arith.constant 0 : i32
      %parallel_loop3A_270 = arith.constant 8192 : i32
      %parallel_loop3A_271 = arith.constant 16 : i32
      %parallel_loop3A_272:2 = scf.for %parallel_loop3A_273 = %parallel_loop3A_269 to %parallel_loop3A_270 step %parallel_loop3A_271 iter_args(%parallel_loop3A_274 = %parallel_loop3A_254#0, %parallel_loop3A_275 = %parallel_loop3A_254#1) -> (vector<16xf32>, vector<16xf32>)  : i32 {
        %parallel_loop3A_276 = arith.index_cast %parallel_loop3A_273 : i32 to index
        %parallel_loop3A_277 = tpu.vector_load %arg6[%parallel_loop3A_276] {strides = array<i32>} : memref<8192xf32, #tpu.memory_space<vmem>>, vector<16xf32>,
        %parallel_loop3A_278 = tpu.bitcast %parallel_loop3A_277 : vector<16xf32> -> vector<16xi32>
        %parallel_loop3A_279 = arith.constant 19 : i32
        %parallel_loop3A_280 = vector.broadcast %parallel_loop3A_279 : i32 to vector<16xi32>
        %parallel_loop3A_281 = arith.shrsi %parallel_loop3A_278, %parallel_loop3A_280 : vector<16xi32>
        %parallel_loop3A_282 = arith.addi %mul3A_9, %parallel_loop3A_281 : vector<16xi32>
        tpu.vector_store_idx %arg7[%parallel_loop3A_282], %broadcast_in_dim3A_4 {add = true} : memref<98304xi32, #tpu.memory_space<vmem>>[vector<16xi32>], vector<16xi32>,
        %parallel_loop3A_283 = arith.minimumf %parallel_loop3A_274, %parallel_loop3A_277 : vector<16xf32>
        %parallel_loop3A_284 = arith.maximumf %parallel_loop3A_275, %parallel_loop3A_277 : vector<16xf32>
        scf.yield %parallel_loop3A_283, %parallel_loop3A_284 : vector<16xf32>, vector<16xf32>
      } {sc.loop_unroll_factor = 16 : i64, sc.parallel_access}
      scf.yield %parallel_loop3A_272#0, %parallel_loop3A_272#1 : vector<16xf32>, vector<16xf32>
    }
    %scan3A_30 = arith.constant 8 : i32
    "tpu.trace_stop"() : () -> ()
    %reduce_min3A = arith.constant true
    %reduce_min3A_31 = vector.broadcast %reduce_min3A : i1 to vector<16xi1>
    %reduce_min3A_32 = tpu.scan <min>, %scan3A_29#0 masked %reduce_min3A_31 : vector<16xf32>, vector<16xi1> -> vector<16xf32>
    %reduce_min3A_33 = vector.extract %reduce_min3A_32[15] : f32 from vector<16xf32>
    %reduce_max3A = arith.constant true
    %reduce_max3A_34 = vector.broadcast %reduce_max3A : i1 to vector<16xi1>
    %reduce_max3A_35 = tpu.scan <max>, %scan3A_29#1 masked %reduce_max3A_34 : vector<16xf32>, vector<16xi1> -> vector<16xf32>
    %reduce_max3A_36 = vector.extract %reduce_max3A_35[15] : f32 from vector<16xf32>
    %parallel_loop3A_37 = arith.constant 0 : i32
    %parallel_loop3A_38 = arith.constant 2048 : i32
    %parallel_loop3A_39 = arith.constant 16 : i32
    "tpu.trace_start"() <{level = 10 : i32, message = "m1"}> : () -> ()
    scf.for %parallel_loop3A_225 = %parallel_loop3A_37 to %parallel_loop3A_38 step %parallel_loop3A_39  : i32 {
      %parallel_loop3A_226 = arith.constant 0 : i32
      %parallel_loop3A_227 = arith.addi %parallel_loop3A_226, %parallel_loop3A_225 : i32
      %parallel_loop3A_228 = arith.index_cast %parallel_loop3A_227 : i32 to index
      %parallel_loop3A_229 = tpu.vector_load %arg7[%parallel_loop3A_228] {strides = array<i32>} : memref<98304xi32, #tpu.memory_space<vmem>>, vector<16xi32>,
      %parallel_loop3A_230 = arith.addi %broadcast_in_dim3A_6, %parallel_loop3A_229 : vector<16xi32>
      %parallel_loop3A_231 = arith.constant 6144 : i32
      %parallel_loop3A_232 = arith.addi %parallel_loop3A_231, %parallel_loop3A_225 : i32
      %parallel_loop3A_233 = arith.index_cast %parallel_loop3A_232 : i32 to index
      %parallel_loop3A_234 = tpu.vector_load %arg7[%parallel_loop3A_233] {strides = array<i32>} : memref<98304xi32, #tpu.memory_space<vmem>>, vector<16xi32>,
      %parallel_loop3A_235 = arith.addi %parallel_loop3A_230, %parallel_loop3A_234 : vector<16xi32>
      %parallel_loop3A_236 = arith.constant 12288 : i32
      %parallel_loop3A_237 = arith.addi %parallel_loop3A_236, %parallel_loop3A_225 : i32
      %parallel_loop3A_238 = arith.index_cast %parallel_loop3A_237 : i32 to index
      %parallel_loop3A_239 = tpu.vector_load %arg7[%parallel_loop3A_238] {strides = array<i32>} : memref<98304xi32, #tpu.memory_space<vmem>>, vector<16xi32>,
      %parallel_loop3A_240 = arith.addi %parallel_loop3A_235, %parallel_loop3A_239 : vector<16xi32>
      %parallel_loop3A_241 = arith.constant 18432 : i32
      %parallel_loop3A_242 = arith.addi %parallel_loop3A_241, %parallel_loop3A_225 : i32
      %parallel_loop3A_243 = arith.index_cast %parallel_loop3A_242 : i32 to index
      %parallel_loop3A_244 = tpu.vector_load %arg7[%parallel_loop3A_243] {strides = array<i32>} : memref<98304xi32, #tpu.memory_space<vmem>>, vector<16xi32>,
      %parallel_loop3A_245 = arith.addi %parallel_loop3A_240, %parallel_loop3A_244 : vector<16xi32>
      %parallel_loop3A_246 = arith.constant 24576 : i32
      %parallel_loop3A_247 = arith.addi %parallel_loop3A_246, %parallel_loop3A_225 : i32
      %parallel_loop3A_248 = arith.index_cast %parallel_loop3A_247 : i32 to index
      %parallel_loop3A_249 = tpu.vector_load %arg7[%parallel_loop3A_248] {strides = array<i32>} : memref<98304xi32, #tpu.memory_space<vmem>>, vector<16xi32>,
      %parallel_loop3A_250 = arith.addi %parallel_loop3A_245, %parallel_loop3A_249 : vector<16xi32>
      %parallel_loop3A_251 = arith.constant 30720 : i32
      %parallel_loop3A_252 = arith.addi %parallel_loop3A_251, %parallel_loop3A_225 : i32
      %parallel_loop3A_253 = arith.index_cast %parallel_loop3A_252 : i32 to index
      %parallel_loop3A_254 = tpu.vector_load %arg7[%parallel_loop3A_253] {strides = array<i32>} : memref<98304xi32, #tpu.memory_space<vmem>>, vector<16xi32>,
      %parallel_loop3A_255 = arith.addi %parallel_loop3A_250, %parallel_loop3A_254 : vector<16xi32>
      %parallel_loop3A_256 = arith.constant 36864 : i32
      %parallel_loop3A_257 = arith.addi %parallel_loop3A_256, %parallel_loop3A_225 : i32
      %parallel_loop3A_258 = arith.index_cast %parallel_loop3A_257 : i32 to index
      %parallel_loop3A_259 = tpu.vector_load %arg7[%parallel_loop3A_258] {strides = array<i32>} : memref<98304xi32, #tpu.memory_space<vmem>>, vector<16xi32>,
      %parallel_loop3A_260 = arith.addi %parallel_loop3A_255, %parallel_loop3A_259 : vector<16xi32>
      %parallel_loop3A_261 = arith.constant 43008 : i32
      %parallel_loop3A_262 = arith.addi %parallel_loop3A_261, %parallel_loop3A_225 : i32
      %parallel_loop3A_263 = arith.index_cast %parallel_loop3A_262 : i32 to index
      %parallel_loop3A_264 = tpu.vector_load %arg7[%parallel_loop3A_263] {strides = array<i32>} : memref<98304xi32, #tpu.memory_space<vmem>>, vector<16xi32>,
      %parallel_loop3A_265 = arith.addi %parallel_loop3A_260, %parallel_loop3A_264 : vector<16xi32>
      %parallel_loop3A_266 = arith.constant 49152 : i32
      %parallel_loop3A_267 = arith.addi %parallel_loop3A_266, %parallel_loop3A_225 : i32
      %parallel_loop3A_268 = arith.index_cast %parallel_loop3A_267 : i32 to index
      %parallel_loop3A_269 = tpu.vector_load %arg7[%parallel_loop3A_268] {strides = array<i32>} : memref<98304xi32, #tpu.memory_space<vmem>>, vector<16xi32>,
      %parallel_loop3A_270 = arith.addi %parallel_loop3A_265, %parallel_loop3A_269 : vector<16xi32>
      %parallel_loop3A_271 = arith.constant 55296 : i32
      %parallel_loop3A_272 = arith.addi %parallel_loop3A_271, %parallel_loop3A_225 : i32
      %parallel_loop3A_273 = arith.index_cast %parallel_loop3A_272 : i32 to index
      %parallel_loop3A_274 = tpu.vector_load %arg7[%parallel_loop3A_273] {strides = array<i32>} : memref<98304xi32, #tpu.memory_space<vmem>>, vector<16xi32>,
      %parallel_loop3A_275 = arith.addi %parallel_loop3A_270, %parallel_loop3A_274 : vector<16xi32>
      %parallel_loop3A_276 = arith.constant 61440 : i32
      %parallel_loop3A_277 = arith.addi %parallel_loop3A_276, %parallel_loop3A_225 : i32
      %parallel_loop3A_278 = arith.index_cast %parallel_loop3A_277 : i32 to index
      %parallel_loop3A_279 = tpu.vector_load %arg7[%parallel_loop3A_278] {strides = array<i32>} : memref<98304xi32, #tpu.memory_space<vmem>>, vector<16xi32>,
      %parallel_loop3A_280 = arith.addi %parallel_loop3A_275, %parallel_loop3A_279 : vector<16xi32>
      %parallel_loop3A_281 = arith.constant 67584 : i32
      %parallel_loop3A_282 = arith.addi %parallel_loop3A_281, %parallel_loop3A_225 : i32
      %parallel_loop3A_283 = arith.index_cast %parallel_loop3A_282 : i32 to index
      %parallel_loop3A_284 = tpu.vector_load %arg7[%parallel_loop3A_283] {strides = array<i32>} : memref<98304xi32, #tpu.memory_space<vmem>>, vector<16xi32>,
      %parallel_loop3A_285 = arith.addi %parallel_loop3A_280, %parallel_loop3A_284 : vector<16xi32>
      %parallel_loop3A_286 = arith.constant 73728 : i32
      %parallel_loop3A_287 = arith.addi %parallel_loop3A_286, %parallel_loop3A_225 : i32
      %parallel_loop3A_288 = arith.index_cast %parallel_loop3A_287 : i32 to index
      %parallel_loop3A_289 = tpu.vector_load %arg7[%parallel_loop3A_288] {strides = array<i32>} : memref<98304xi32, #tpu.memory_space<vmem>>, vector<16xi32>,
      %parallel_loop3A_290 = arith.addi %parallel_loop3A_285, %parallel_loop3A_289 : vector<16xi32>
      %parallel_loop3A_291 = arith.constant 79872 : i32
      %parallel_loop3A_292 = arith.addi %parallel_loop3A_291, %parallel_loop3A_225 : i32
      %parallel_loop3A_293 = arith.index_cast %parallel_loop3A_292 : i32 to index
      %parallel_loop3A_294 = tpu.vector_load %arg7[%parallel_loop3A_293] {strides = array<i32>} : memref<98304xi32, #tpu.memory_space<vmem>>, vector<16xi32>,
      %parallel_loop3A_295 = arith.addi %parallel_loop3A_290, %parallel_loop3A_294 : vector<16xi32>
      %parallel_loop3A_296 = arith.constant 86016 : i32
      %parallel_loop3A_297 = arith.addi %parallel_loop3A_296, %parallel_loop3A_225 : i32
      %parallel_loop3A_298 = arith.index_cast %parallel_loop3A_297 : i32 to index
      %parallel_loop3A_299 = tpu.vector_load %arg7[%parallel_loop3A_298] {strides = array<i32>} : memref<98304xi32, #tpu.memory_space<vmem>>, vector<16xi32>,
      %parallel_loop3A_300 = arith.addi %parallel_loop3A_295, %parallel_loop3A_299 : vector<16xi32>
      %parallel_loop3A_301 = arith.constant 92160 : i32
      %parallel_loop3A_302 = arith.addi %parallel_loop3A_301, %parallel_loop3A_225 : i32
      %parallel_loop3A_303 = arith.index_cast %parallel_loop3A_302 : i32 to index
      %parallel_loop3A_304 = tpu.vector_load %arg7[%parallel_loop3A_303] {strides = array<i32>} : memref<98304xi32, #tpu.memory_space<vmem>>, vector<16xi32>,
      %parallel_loop3A_305 = arith.addi %parallel_loop3A_300, %parallel_loop3A_304 : vector<16xi32>
      %parallel_loop3A_306 = arith.index_cast %parallel_loop3A_225 : i32 to index
      %parallel_loop3A_307 = tpu.vector_load %arg8[%parallel_loop3A_306] {strides = array<i32>} : memref<6144xi32, #tpu.memory_space<vmem>>, vector<16xi32>,
      tpu.vector_store %arg8[%parallel_loop3A_306], %parallel_loop3A_305 {strides = array<i32>} : memref<6144xi32, #tpu.memory_space<vmem>>, vector<16xi32>,
    } {sc.loop_unroll_factor = 2 : i64, sc.parallel_access}
    %eq3A = arith.constant 1 : i32
    "tpu.trace_stop"() : () -> ()
    %eq3A_40 = vector.broadcast %eq3A : i32 to vector<16xi32>
    %eq3A_41 = arith.cmpi eq, %iota3A, %eq3A_40 : vector<16xi32>
    %broadcast_in_dim3A_42 = vector.broadcast %reduce_max3A_36 : f32 to vector<16xf32>
    %broadcast_in_dim3A_43 = vector.broadcast %reduce_min3A_33 : f32 to vector<16xf32>
    %select_n3A = arith.select %eq3A_41, %broadcast_in_dim3A_42, %broadcast_in_dim3A_43 : vector<16xi1>, vector<16xf32>
    %bitcast_convert_type3A = tpu.bitcast %select_n3A : vector<16xf32> -> vector<16xi32>
    %swap3A = arith.constant 2048 : index
    %swap3A_44 = tpu.vector_load %arg8[%swap3A] {strides = array<i32>} : memref<6144xi32, #tpu.memory_space<vmem>>, vector<16xi32>,
    tpu.vector_store %arg8[%swap3A], %bitcast_convert_type3A {strides = array<i32>} : memref<6144xi32, #tpu.memory_space<vmem>>, vector<16xi32>,
    "tpu.region"() ({
      %run_scoped3A = tpu.sem_alloc : memref<!tpu.dma_semaphore, #tpu.memory_space<semaphore_mem>>
      %dma_start3A = arith.constant 0 : i32
      %dma_start3A_225 = tpu.memref_slice %arg8[%dma_start3A] : memref<6144xi32, #tpu.memory_space<vmem>> -> memref<2176xi32, #tpu.memory_space<vmem>>
      %dma_start3A_226 = arith.constant 0 : i32
      %dma_start3A_227 = tpu.memref_slice %arg10[%arg1, %dma_start3A_226] : memref<16x6144xi32, #tpu.memory_space<vmem_shared>> -> memref<1x2176xi32, #tpu.memory_space<vmem_shared>>
      %dma_start3A_228 = tpu.memref_squeeze %dma_start3A_227 : memref<1x2176xi32, #tpu.memory_space<vmem_shared>> -> memref<2176xi32, #tpu.memory_space<vmem_shared>>
      %dma_start3A_229 = arith.constant 0 : i32
      %dma_start3A_230 = tpu.memref_slice %arg10[%arg1, %dma_start3A_229] : memref<16x6144xi32, #tpu.memory_space<vmem_shared>> -> memref<1x2176xi32, #tpu.memory_space<vmem_shared>>
      %dma_start3A_231 = tpu.memref_squeeze %dma_start3A_230 : memref<1x2176xi32, #tpu.memory_space<vmem_shared>> -> memref<2176xi32, #tpu.memory_space<vmem_shared>>
      %dma_start3A_232 = arith.constant 0 : i32
      %dma_start3A_233 = tpu.memref_slice %arg8[%dma_start3A_232] : memref<6144xi32, #tpu.memory_space<vmem>> -> memref<2176xi32, #tpu.memory_space<vmem>>
      tpu.enqueue_dma source(%dma_start3A_233 : memref<2176xi32, #tpu.memory_space<vmem>>) target(%dma_start3A_231 : memref<2176xi32, #tpu.memory_space<vmem_shared>>) target_semaphore(%run_scoped3A : memref<!tpu.dma_semaphore, #tpu.memory_space<semaphore_mem>>)
      %dma_wait3A = arith.constant 0 : i32
      %dma_wait3A_234 = tpu.memref_slice %arg8[%dma_wait3A] : memref<6144xi32, #tpu.memory_space<vmem>> -> memref<2176xi32, #tpu.memory_space<vmem>>
      %dma_wait3A_235 = arith.constant 0 : i32
      %dma_wait3A_236 = tpu.memref_slice %arg10[%arg1, %dma_wait3A_235] : memref<16x6144xi32, #tpu.memory_space<vmem_shared>> -> memref<1x2176xi32, #tpu.memory_space<vmem_shared>>
      %dma_wait3A_237 = tpu.memref_squeeze %dma_wait3A_236 : memref<1x2176xi32, #tpu.memory_space<vmem_shared>> -> memref<2176xi32, #tpu.memory_space<vmem_shared>>
      %dma_wait3A_238 = arith.constant 0 : i32
      %dma_wait3A_239 = tpu.memref_slice %arg10[%arg1, %dma_wait3A_238] : memref<16x6144xi32, #tpu.memory_space<vmem_shared>> -> memref<1x2176xi32, #tpu.memory_space<vmem_shared>>
      %dma_wait3A_240 = tpu.memref_squeeze %dma_wait3A_239 : memref<1x2176xi32, #tpu.memory_space<vmem_shared>> -> memref<2176xi32, #tpu.memory_space<vmem_shared>>
      %dma_wait3A_241 = arith.constant 0 : i32
      %dma_wait3A_242 = tpu.memref_slice %arg8[%dma_wait3A_241] : memref<6144xi32, #tpu.memory_space<vmem>> -> memref<2176xi32, #tpu.memory_space<vmem>>
      tpu.wait_dma2 semaphore(%run_scoped3A : memref<!tpu.dma_semaphore, #tpu.memory_space<semaphore_mem>>) src(%dma_wait3A_242 : memref<2176xi32, #tpu.memory_space<vmem>>) dst(%dma_wait3A_240 : memref<2176xi32, #tpu.memory_space<vmem_shared>>)
      tpu.yield
    }) : () -> ()
    %barrier3A = arith.constant 0 : index
    tpu.barrier barrier_id(%barrier3A)
    "tpu.region"() ({
      %run_scoped3A = tpu.sem_alloc : memref<!tpu.dma_semaphore, #tpu.memory_space<semaphore_mem>>
      %dma_start3A = arith.constant 0 : i32
      %dma_start3A_225 = tpu.memref_slice %arg7[%dma_start3A] : memref<98304xi32, #tpu.memory_space<vmem>> -> memref<2176xi32, #tpu.memory_space<vmem>>
      %dma_start3A_226 = arith.constant 0 : i32
      %dma_start3A_227 = tpu.memref_slice %arg10[%xor3A_3, %dma_start3A_226] : memref<16x6144xi32, #tpu.memory_space<vmem_shared>> -> memref<1x2176xi32, #tpu.memory_space<vmem_shared>>
      %dma_start3A_228 = tpu.memref_squeeze %dma_start3A_227 : memref<1x2176xi32, #tpu.memory_space<vmem_shared>> -> memref<2176xi32, #tpu.memory_space<vmem_shared>>
      %dma_start3A_229 = arith.constant 0 : i32
      %dma_start3A_230 = tpu.memref_slice %arg7[%dma_start3A_229] : memref<98304xi32, #tpu.memory_space<vmem>> -> memref<2176xi32, #tpu.memory_space<vmem>>
      %dma_start3A_231 = arith.constant 0 : i32
      %dma_start3A_232 = tpu.memref_slice %arg10[%xor3A_3, %dma_start3A_231] : memref<16x6144xi32, #tpu.memory_space<vmem_shared>> -> memref<1x2176xi32, #tpu.memory_space<vmem_shared>>
      %dma_start3A_233 = tpu.memref_squeeze %dma_start3A_232 : memref<1x2176xi32, #tpu.memory_space<vmem_shared>> -> memref<2176xi32, #tpu.memory_space<vmem_shared>>
      tpu.enqueue_dma source(%dma_start3A_233 : memref<2176xi32, #tpu.memory_space<vmem_shared>>) target(%dma_start3A_230 : memref<2176xi32, #tpu.memory_space<vmem>>) target_semaphore(%run_scoped3A : memref<!tpu.dma_semaphore, #tpu.memory_space<semaphore_mem>>)
      %dma_wait3A = arith.constant 0 : i32
      %dma_wait3A_234 = tpu.memref_slice %arg7[%dma_wait3A] : memref<98304xi32, #tpu.memory_space<vmem>> -> memref<2176xi32, #tpu.memory_space<vmem>>
      %dma_wait3A_235 = arith.constant 0 : i32
      %dma_wait3A_236 = tpu.memref_slice %arg10[%xor3A_3, %dma_wait3A_235] : memref<16x6144xi32, #tpu.memory_space<vmem_shared>> -> memref<1x2176xi32, #tpu.memory_space<vmem_shared>>
      %dma_wait3A_237 = tpu.memref_squeeze %dma_wait3A_236 : memref<1x2176xi32, #tpu.memory_space<vmem_shared>> -> memref<2176xi32, #tpu.memory_space<vmem_shared>>
      %dma_wait3A_238 = arith.constant 0 : i32
      %dma_wait3A_239 = tpu.memref_slice %arg7[%dma_wait3A_238] : memref<98304xi32, #tpu.memory_space<vmem>> -> memref<2176xi32, #tpu.memory_space<vmem>>
      %dma_wait3A_240 = arith.constant 0 : i32
      %dma_wait3A_241 = tpu.memref_slice %arg10[%xor3A_3, %dma_wait3A_240] : memref<16x6144xi32, #tpu.memory_space<vmem_shared>> -> memref<1x2176xi32, #tpu.memory_space<vmem_shared>>
      %dma_wait3A_242 = tpu.memref_squeeze %dma_wait3A_241 : memref<1x2176xi32, #tpu.memory_space<vmem_shared>> -> memref<2176xi32, #tpu.memory_space<vmem_shared>>
      tpu.wait_dma2 semaphore(%run_scoped3A : memref<!tpu.dma_semaphore, #tpu.memory_space<semaphore_mem>>) src(%dma_wait3A_242 : memref<2176xi32, #tpu.memory_space<vmem_shared>>) dst(%dma_wait3A_239 : memref<2176xi32, #tpu.memory_space<vmem>>)
      tpu.yield
    }) : () -> ()
    %get3A = arith.constant 2048 : index
    %get3A_45 = tpu.vector_load %arg7[%get3A] {strides = array<i32>} : memref<98304xi32, #tpu.memory_space<vmem>>, vector<16xi32>,
    %bitcast_convert_type3A_46 = tpu.bitcast %get3A_45 : vector<16xi32> -> vector<16xf32>
    %reduce_min3A_47 = arith.constant true
    %reduce_min3A_48 = vector.broadcast %reduce_min3A_47 : i1 to vector<16xi1>
    %reduce_min3A_49 = tpu.scan <min>, %bitcast_convert_type3A_46 masked %reduce_min3A_48 : vector<16xf32>, vector<16xi1> -> vector<16xf32>
    %reduce_min3A_50 = vector.extract %reduce_min3A_49[15] : f32 from vector<16xf32>
    %min3A = arith.minimumf %reduce_min3A_33, %reduce_min3A_50 : f32
    %reduce_max3A_51 = arith.constant true
    %reduce_max3A_52 = vector.broadcast %reduce_max3A_51 : i1 to vector<16xi1>
    %reduce_max3A_53 = tpu.scan <max>, %bitcast_convert_type3A_46 masked %reduce_max3A_52 : vector<16xf32>, vector<16xi1> -> vector<16xf32>
    %reduce_max3A_54 = vector.extract %reduce_max3A_53[15] : f32 from vector<16xf32>
    %max3A = arith.maximumf %reduce_max3A_36, %reduce_max3A_54 : f32
    %barrier3A_55 = arith.constant 0 : index
    tpu.barrier barrier_id(%barrier3A_55)
    "tpu.trace_start"() <{level = 10 : i32, message = "f1"}> : () -> ()
    %scan3A_56 = arith.constant 65537 : i32
    %scan3A_57 = arith.constant 131073 : i32
    %scan3A_58 = arith.constant 196609 : i32
    %scan3A_59 = arith.constant 0 : i32
    %scan3A_60 = arith.constant 0 : i32
    %scan3A_61 = arith.constant 0 : i32
    %scan3A_62 = arith.constant 0 : i32
    %scan3A_63 = arith.constant 0 : i32
    %scan3A_64 = arith.constant 0 : i32
    %scan3A_65 = arith.constant 0 : i32
    %scan3A_66 = arith.constant 0 : i32
    %scan3A_67 = arith.constant 128 : i32
    %scan3A_68 = arith.addi %scan3A_66, %scan3A_67 : i32
    %scan3A_69 = arith.constant 1 : i32
    %scan3A_70:7 = scf.for %scan3A_225 = %scan3A_66 to %scan3A_68 step %scan3A_69 iter_args(%scan3A_226 = %scan3A_59, %scan3A_227 = %scan3A_60, %scan3A_228 = %scan3A_61, %scan3A_229 = %scan3A_62, %scan3A_230 = %scan3A_63, %scan3A_231 = %scan3A_64, %scan3A_232 = %scan3A_65) -> (i32, i32, i32, i32, i32, i32, i32)  : i32 {
      %mul3A_233 = arith.constant 16 : i32
      %mul3A_234 = arith.muli %scan3A_225, %mul3A_233 : i32
      %add3A_235 = arith.constant 0 : i32
      %add3A_236 = arith.addi %add3A_235, %mul3A_234 : i32
      %get3A_237 = arith.index_cast %add3A_236 : i32 to index
      %get3A_238 = tpu.vector_load %arg8[%get3A_237] {strides = array<i32>} : memref<6144xi32, #tpu.memory_space<vmem>>, vector<16xi32>,
      %get3A_239 = arith.index_cast %add3A_236 : i32 to index
      %get3A_240 = tpu.vector_load %arg7[%get3A_239] {strides = array<i32>} : memref<98304xi32, #tpu.memory_space<vmem>>, vector<16xi32>,
      %add3A_241 = arith.addi %get3A_238, %get3A_240 : vector<16xi32>
      %broadcast_in_dim3A_242 = arith.constant true
      %broadcast_in_dim3A_243 = vector.broadcast %broadcast_in_dim3A_242 : i1 to vector<16xi1>
      %masked_cumsum3A = tpu.scan <sum>, %add3A_241 masked %broadcast_in_dim3A_243 : vector<16xi32>, vector<16xi1> -> vector<16xi32>
      %add3A_244 = vector.broadcast %scan3A_226 : i32 to vector<16xi32>
      %add3A_245 = arith.addi %masked_cumsum3A, %add3A_244 : vector<16xi32>
      %lt3A_246 = vector.broadcast %scan3A_56 : i32 to vector<16xi32>
      %lt3A_247 = arith.cmpi slt, %add3A_245, %lt3A_246 : vector<16xi32>
      %select_n3A_248 = arith.select %lt3A_247, %broadcast_in_dim3A_4, %broadcast_in_dim3A_6 : vector<16xi1>, vector<16xi32>
      %reduce_sum3A = arith.constant true
      %reduce_sum3A_249 = vector.broadcast %reduce_sum3A : i1 to vector<16xi1>
      %reduce_sum3A_250 = tpu.scan <sum>, %select_n3A_248 masked %reduce_sum3A_249 : vector<16xi32>, vector<16xi1> -> vector<16xi32>
      %reduce_sum3A_251 = vector.extract %reduce_sum3A_250[15] : i32 from vector<16xi32>
      %add3A_252 = arith.addi %scan3A_227, %reduce_sum3A_251 : i32
      %select_n3A_253 = arith.select %lt3A_247, %add3A_245, %broadcast_in_dim3A_6 : vector<16xi1>, vector<16xi32>
      %reduce_max3A_254 = arith.constant true
      %reduce_max3A_255 = vector.broadcast %reduce_max3A_254 : i1 to vector<16xi1>
      %reduce_max3A_256 = arith.constant -2147483648 : i32
      %reduce_max3A_257 = vector.broadcast %reduce_max3A_256 : i32 to vector<16xi32>
      %reduce_max3A_258 = arith.xori %select_n3A_253, %reduce_max3A_257 : vector<16xi32>
      %reduce_max3A_259 = tpu.scan <max>, %reduce_max3A_258 masked %reduce_max3A_255 : vector<16xi32>, vector<16xi1> -> vector<16xi32>
      %reduce_max3A_260 = arith.xori %reduce_max3A_259, %reduce_max3A_257 : vector<16xi32>
      %reduce_max3A_261 = vector.extract %reduce_max3A_260[15] : i32 from vector<16xi32>
      %max3A_262 = arith.maxsi %scan3A_228, %reduce_max3A_261 : i32
      %lt3A_263 = vector.broadcast %scan3A_57 : i32 to vector<16xi32>
      %lt3A_264 = arith.cmpi slt, %add3A_245, %lt3A_263 : vector<16xi32>
      %select_n3A_265 = arith.select %lt3A_264, %broadcast_in_dim3A_4, %broadcast_in_dim3A_6 : vector<16xi1>, vector<16xi32>
      %reduce_sum3A_266 = arith.constant true
      %reduce_sum3A_267 = vector.broadcast %reduce_sum3A_266 : i1 to vector<16xi1>
      %reduce_sum3A_268 = tpu.scan <sum>, %select_n3A_265 masked %reduce_sum3A_267 : vector<16xi32>, vector<16xi1> -> vector<16xi32>
      %reduce_sum3A_269 = vector.extract %reduce_sum3A_268[15] : i32 from vector<16xi32>
      %add3A_270 = arith.addi %scan3A_229, %reduce_sum3A_269 : i32
      %select_n3A_271 = arith.select %lt3A_264, %add3A_245, %broadcast_in_dim3A_6 : vector<16xi1>, vector<16xi32>
      %reduce_max3A_272 = arith.constant true
      %reduce_max3A_273 = vector.broadcast %reduce_max3A_272 : i1 to vector<16xi1>
      %reduce_max3A_274 = arith.constant -2147483648 : i32
      %reduce_max3A_275 = vector.broadcast %reduce_max3A_274 : i32 to vector<16xi32>
      %reduce_max3A_276 = arith.xori %select_n3A_271, %reduce_max3A_275 : vector<16xi32>
      %reduce_max3A_277 = tpu.scan <max>, %reduce_max3A_276 masked %reduce_max3A_273 : vector<16xi32>, vector<16xi1> -> vector<16xi32>
      %reduce_max3A_278 = arith.xori %reduce_max3A_277, %reduce_max3A_275 : vector<16xi32>
      %reduce_max3A_279 = vector.extract %reduce_max3A_278[15] : i32 from vector<16xi32>
      %max3A_280 = arith.maxsi %scan3A_230, %reduce_max3A_279 : i32
      %lt3A_281 = vector.broadcast %scan3A_58 : i32 to vector<16xi32>
      %lt3A_282 = arith.cmpi slt, %add3A_245, %lt3A_281 : vector<16xi32>
      %select_n3A_283 = arith.select %lt3A_282, %broadcast_in_dim3A_4, %broadcast_in_dim3A_6 : vector<16xi1>, vector<16xi32>
      %reduce_sum3A_284 = arith.constant true
      %reduce_sum3A_285 = vector.broadcast %reduce_sum3A_284 : i1 to vector<16xi1>
      %reduce_sum3A_286 = tpu.scan <sum>, %select_n3A_283 masked %reduce_sum3A_285 : vector<16xi32>, vector<16xi1> -> vector<16xi32>
      %reduce_sum3A_287 = vector.extract %reduce_sum3A_286[15] : i32 from vector<16xi32>
      %add3A_288 = arith.addi %scan3A_231, %reduce_sum3A_287 : i32
      %select_n3A_289 = arith.select %lt3A_282, %add3A_245, %broadcast_in_dim3A_6 : vector<16xi1>, vector<16xi32>
      %reduce_max3A_290 = arith.constant true
      %reduce_max3A_291 = vector.broadcast %reduce_max3A_290 : i1 to vector<16xi1>
      %reduce_max3A_292 = arith.constant -2147483648 : i32
      %reduce_max3A_293 = vector.broadcast %reduce_max3A_292 : i32 to vector<16xi32>
      %reduce_max3A_294 = arith.xori %select_n3A_289, %reduce_max3A_293 : vector<16xi32>
      %reduce_max3A_295 = tpu.scan <max>, %reduce_max3A_294 masked %reduce_max3A_291 : vector<16xi32>, vector<16xi1> -> vector<16xi32>
      %reduce_max3A_296 = arith.xori %reduce_max3A_295, %reduce_max3A_293 : vector<16xi32>
      %reduce_max3A_297 = vector.extract %reduce_max3A_296[15] : i32 from vector<16xi32>
      %max3A_298 = arith.maxsi %scan3A_232, %reduce_max3A_297 : i32
      %reduce_max3A_299 = arith.constant true
      %reduce_max3A_300 = vector.broadcast %reduce_max3A_299 : i1 to vector<16xi1>
      %reduce_max3A_301 = arith.constant -2147483648 : i32
      %reduce_max3A_302 = vector.broadcast %reduce_max3A_301 : i32 to vector<16xi32>
      %reduce_max3A_303 = arith.xori %add3A_245, %reduce_max3A_302 : vector<16xi32>
      %reduce_max3A_304 = tpu.scan <max>, %reduce_max3A_303 masked %reduce_max3A_300 : vector<16xi32>, vector<16xi1> -> vector<16xi32>
      %reduce_max3A_305 = arith.xori %reduce_max3A_304, %reduce_max3A_302 : vector<16xi32>
      %reduce_max3A_306 = vector.extract %reduce_max3A_305[15] : i32 from vector<16xi32>
      scf.yield %reduce_max3A_306, %add3A_252, %max3A_262, %add3A_270, %max3A_280, %add3A_288, %max3A_298 : i32, i32, i32, i32, i32, i32, i32
    }
    %scan3A_71 = arith.constant 128 : i32
    "tpu.trace_stop"() : () -> ()
    %sub3A = arith.constant 65537 : i32
    %sub3A_72 = arith.subi %sub3A, %scan3A_70#2 : i32
    %sub3A_73 = arith.constant 131073 : i32
    %sub3A_74 = arith.subi %sub3A_73, %scan3A_70#4 : i32
    %sub3A_75 = arith.constant 196609 : i32
    %sub3A_76 = arith.subi %sub3A_75, %scan3A_70#6 : i32
    %parallel_loop3A_77 = arith.constant 0 : i32
    %parallel_loop3A_78 = arith.constant 98304 : i32
    %parallel_loop3A_79 = arith.constant 16 : i32
    "tpu.trace_start"() <{level = 10 : i32, message = "z2"}> : () -> ()
    scf.for %parallel_loop3A_225 = %parallel_loop3A_77 to %parallel_loop3A_78 step %parallel_loop3A_79  : i32 {
      %parallel_loop3A_226 = arith.index_cast %parallel_loop3A_225 : i32 to index
      %parallel_loop3A_227 = tpu.vector_load %arg7[%parallel_loop3A_226] {strides = array<i32>} : memref<98304xi32, #tpu.memory_space<vmem>>, vector<16xi32>,
      tpu.vector_store %arg7[%parallel_loop3A_226], %broadcast_in_dim3A_6 {strides = array<i32>} : memref<98304xi32, #tpu.memory_space<vmem>>, vector<16xi32>,
    } {sc.loop_unroll_factor = 8 : i64, sc.parallel_access}
    "tpu.trace_stop"() : () -> ()
    "tpu.trace_start"() <{level = 10 : i32, message = "p2"}> : () -> ()
    %add3A_80 = arith.constant 0 : i32
    %add3A_81 = arith.addi %mul3A_11, %add3A_80 : i32
    %lt3A_82 = arith.constant 8 : i32
    %lt3A_83 = arith.cmpi slt, %add3A, %lt3A_82 : i32
    %convert_element_type3A_84 = arith.extui %lt3A_83 : i1 to i32
    %cond3A_85 = arith.constant 0 : i32
    %cond3A_86 = arith.cmpi ne, %convert_element_type3A_84, %cond3A_85 : i32
    scf.if %cond3A_86 {
      %dma_start3A = tpu.memref_slice %arg2[%add3A, %add3A_81] : memref<8x262144xf32, #tpu.memory_space<hbm>> -> memref<1x8192xf32, #tpu.memory_space<hbm>>
      %dma_start3A_225 = tpu.memref_squeeze %dma_start3A : memref<1x8192xf32, #tpu.memory_space<hbm>> -> memref<8192xf32, #tpu.memory_space<hbm>>
      %dma_start3A_226 = tpu.memref_slice %arg2[%add3A, %add3A_81] : memref<8x262144xf32, #tpu.memory_space<hbm>> -> memref<1x8192xf32, #tpu.memory_space<hbm>>
      %dma_start3A_227 = tpu.memref_squeeze %dma_start3A_226 : memref<1x8192xf32, #tpu.memory_space<hbm>> -> memref<8192xf32, #tpu.memory_space<hbm>>
      tpu.enqueue_dma source(%dma_start3A_227 : memref<8192xf32, #tpu.memory_space<hbm>>) target(%arg5 : memref<8192xf32, #tpu.memory_space<vmem>>) target_semaphore(%arg11 : memref<!tpu.dma_semaphore, #tpu.memory_space<semaphore_mem>>)
    } else {
    }
    %ge3A_87 = arith.constant 8 : i32
    %ge3A_88 = arith.cmpi sge, %add3A, %ge3A_87 : i32
    %convert_element_type3A_89 = arith.extui %ge3A_88 : i1 to i32
    %cond3A_90 = arith.constant 0 : i32
    %cond3A_91 = arith.cmpi ne, %convert_element_type3A_89, %cond3A_90 : i32
    scf.if %cond3A_91 {
      %sub3A_225 = arith.constant 8 : i32
      %sub3A_226 = arith.subi %add3A, %sub3A_225 : i32
      %dma_start3A = tpu.memref_slice %arg3[%sub3A_226, %add3A_81] : memref<8x262144xf32, #tpu.memory_space<hbm>> -> memref<1x8192xf32, #tpu.memory_space<hbm>>
      %dma_start3A_227 = tpu.memref_squeeze %dma_start3A : memref<1x8192xf32, #tpu.memory_space<hbm>> -> memref<8192xf32, #tpu.memory_space<hbm>>
      %dma_start3A_228 = tpu.memref_slice %arg3[%sub3A_226, %add3A_81] : memref<8x262144xf32, #tpu.memory_space<hbm>> -> memref<1x8192xf32, #tpu.memory_space<hbm>>
      %dma_start3A_229 = tpu.memref_squeeze %dma_start3A_228 : memref<1x8192xf32, #tpu.memory_space<hbm>> -> memref<8192xf32, #tpu.memory_space<hbm>>
      tpu.enqueue_dma source(%dma_start3A_229 : memref<8192xf32, #tpu.memory_space<hbm>>) target(%arg5 : memref<8192xf32, #tpu.memory_space<vmem>>) target_semaphore(%arg11 : memref<!tpu.dma_semaphore, #tpu.memory_space<semaphore_mem>>)
    } else {
    }
    %scan3A_92 = arith.constant 0 : i32
    %scan3A_93 = arith.constant 0 : i32
    %scan3A_94 = arith.constant 8 : i32
    %scan3A_95 = arith.addi %scan3A_93, %scan3A_94 : i32
    %scan3A_96 = arith.constant 1 : i32
    %scan3A_97 = scf.for %scan3A_225 = %scan3A_93 to %scan3A_95 step %scan3A_96 iter_args(%scan3A_226 = %scan3A_92) -> (i32)  : i32 {
      %mul3A_227 = arith.constant 2 : i32
      %mul3A_228 = arith.muli %mul3A_227, %scan3A_225 : i32
      %dma_wait3A = arith.constant 0 : i32
      %dma_wait3A_229 = arith.constant 0 : i32
      %dma_wait3A_230 = tpu.memref_slice %arg2[%dma_wait3A, %dma_wait3A_229] : memref<8x262144xf32, #tpu.memory_space<hbm>> -> memref<1x8192xf32, #tpu.memory_space<hbm>>
      %dma_wait3A_231 = tpu.memref_squeeze %dma_wait3A_230 : memref<1x8192xf32, #tpu.memory_space<hbm>> -> memref<8192xf32, #tpu.memory_space<hbm>>
      %dma_wait3A_232 = arith.constant 0 : i32
      %dma_wait3A_233 = tpu.memref_slice %arg2[%dma_wait3A, %dma_wait3A_232] : memref<8x262144xf32, #tpu.memory_space<hbm>> -> memref<1x8192xf32, #tpu.memory_space<hbm>>
      %dma_wait3A_234 = tpu.memref_squeeze %dma_wait3A_233 : memref<1x8192xf32, #tpu.memory_space<hbm>> -> memref<8192xf32, #tpu.memory_space<hbm>>
      tpu.wait_dma2 semaphore(%arg11 : memref<!tpu.dma_semaphore, #tpu.memory_space<semaphore_mem>>) src(%dma_wait3A_234 : memref<8192xf32, #tpu.memory_space<hbm>>) dst(%arg5 : memref<8192xf32, #tpu.memory_space<vmem>>)
      %add3A_235 = arith.constant 1 : i32
      %add3A_236 = arith.addi %mul3A_228, %add3A_235 : i32
      %mul3A_237 = arith.constant 8192 : i32
      %mul3A_238 = arith.muli %add3A_236, %mul3A_237 : i32
      %add3A_239 = arith.addi %mul3A_11, %mul3A_238 : i32
      %lt3A_240 = arith.constant 8 : i32
      %lt3A_241 = arith.cmpi slt, %add3A, %lt3A_240 : i32
      %convert_element_type3A_242 = arith.extui %lt3A_241 : i1 to i32
      %cond3A_243 = arith.constant 0 : i32
      %cond3A_244 = arith.cmpi ne, %convert_element_type3A_242, %cond3A_243 : i32
      scf.if %cond3A_244 {
        %dma_start3A = tpu.memref_slice %arg2[%add3A, %add3A_239] : memref<8x262144xf32, #tpu.memory_space<hbm>> -> memref<1x8192xf32, #tpu.memory_space<hbm>>
        %dma_start3A_272 = tpu.memref_squeeze %dma_start3A : memref<1x8192xf32, #tpu.memory_space<hbm>> -> memref<8192xf32, #tpu.memory_space<hbm>>
        %dma_start3A_273 = tpu.memref_slice %arg2[%add3A, %add3A_239] : memref<8x262144xf32, #tpu.memory_space<hbm>> -> memref<1x8192xf32, #tpu.memory_space<hbm>>
        %dma_start3A_274 = tpu.memref_squeeze %dma_start3A_273 : memref<1x8192xf32, #tpu.memory_space<hbm>> -> memref<8192xf32, #tpu.memory_space<hbm>>
        tpu.enqueue_dma source(%dma_start3A_274 : memref<8192xf32, #tpu.memory_space<hbm>>) target(%arg6 : memref<8192xf32, #tpu.memory_space<vmem>>) target_semaphore(%arg12 : memref<!tpu.dma_semaphore, #tpu.memory_space<semaphore_mem>>)
      } else {
      }
      %ge3A_245 = arith.constant 8 : i32
      %ge3A_246 = arith.cmpi sge, %add3A, %ge3A_245 : i32
      %convert_element_type3A_247 = arith.extui %ge3A_246 : i1 to i32
      %cond3A_248 = arith.constant 0 : i32
      %cond3A_249 = arith.cmpi ne, %convert_element_type3A_247, %cond3A_248 : i32
      scf.if %cond3A_249 {
        %sub3A_272 = arith.constant 8 : i32
        %sub3A_273 = arith.subi %add3A, %sub3A_272 : i32
        %dma_start3A = tpu.memref_slice %arg3[%sub3A_273, %add3A_239] : memref<8x262144xf32, #tpu.memory_space<hbm>> -> memref<1x8192xf32, #tpu.memory_space<hbm>>
        %dma_start3A_274 = tpu.memref_squeeze %dma_start3A : memref<1x8192xf32, #tpu.memory_space<hbm>> -> memref<8192xf32, #tpu.memory_space<hbm>>
        %dma_start3A_275 = tpu.memref_slice %arg3[%sub3A_273, %add3A_239] : memref<8x262144xf32, #tpu.memory_space<hbm>> -> memref<1x8192xf32, #tpu.memory_space<hbm>>
        %dma_start3A_276 = tpu.memref_squeeze %dma_start3A_275 : memref<1x8192xf32, #tpu.memory_space<hbm>> -> memref<8192xf32, #tpu.memory_space<hbm>>
        tpu.enqueue_dma source(%dma_start3A_276 : memref<8192xf32, #tpu.memory_space<hbm>>) target(%arg6 : memref<8192xf32, #tpu.memory_space<vmem>>) target_semaphore(%arg12 : memref<!tpu.dma_semaphore, #tpu.memory_space<semaphore_mem>>)
      } else {
      }
      %parallel_loop3A_250 = arith.constant 0 : i32
      %parallel_loop3A_251 = arith.constant 8192 : i32
      %parallel_loop3A_252 = arith.constant 16 : i32
      %parallel_loop3A_253 = scf.for %parallel_loop3A_272 = %parallel_loop3A_250 to %parallel_loop3A_251 step %parallel_loop3A_252 iter_args(%parallel_loop3A_273 = %scan3A_226) -> (i32)  : i32 {
        %parallel_loop3A_274 = arith.index_cast %parallel_loop3A_272 : i32 to index
        %parallel_loop3A_275 = tpu.vector_load %arg5[%parallel_loop3A_274] {strides = array<i32>} : memref<8192xf32, #tpu.memory_space<vmem>>, vector<16xf32>,
        %parallel_loop3A_276 = tpu.bitcast %parallel_loop3A_275 : vector<16xf32> -> vector<16xi32>
        %parallel_loop3A_277 = arith.constant 19 : i32
        %parallel_loop3A_278 = vector.broadcast %parallel_loop3A_277 : i32 to vector<16xi32>
        %parallel_loop3A_279 = arith.shrsi %parallel_loop3A_276, %parallel_loop3A_278 : vector<16xi32>
        %parallel_loop3A_280 = arith.constant 8 : i32
        %parallel_loop3A_281 = vector.broadcast %parallel_loop3A_280 : i32 to vector<16xi32>
        %parallel_loop3A_282 = arith.shrsi %parallel_loop3A_276, %parallel_loop3A_281 : vector<16xi32>
        %parallel_loop3A_283 = arith.constant 2047 : i32
        %parallel_loop3A_284 = vector.broadcast %parallel_loop3A_283 : i32 to vector<16xi32>
        %parallel_loop3A_285 = arith.andi %parallel_loop3A_282, %parallel_loop3A_284 : vector<16xi32>
        %parallel_loop3A_286 = arith.addi %mul3A_9, %parallel_loop3A_285 : vector<16xi32>
        %parallel_loop3A_287 = vector.broadcast %scan3A_70#1 : i32 to vector<16xi32>
        %parallel_loop3A_288 = arith.cmpi eq, %parallel_loop3A_279, %parallel_loop3A_287 : vector<16xi32>
        tpu.vector_store_idx %arg7[%parallel_loop3A_286], %broadcast_in_dim3A_4 masked %parallel_loop3A_288 {add = true} : memref<98304xi32, #tpu.memory_space<vmem>>[vector<16xi32>], vector<16xi32>, vector<16xi1>
        %parallel_loop3A_289 = arith.constant 2048 : i32
        %parallel_loop3A_290 = vector.broadcast %parallel_loop3A_289 : i32 to vector<16xi32>
        %parallel_loop3A_291 = arith.addi %parallel_loop3A_286, %parallel_loop3A_290 : vector<16xi32>
        %parallel_loop3A_292 = vector.broadcast %scan3A_70#3 : i32 to vector<16xi32>
        %parallel_loop3A_293 = arith.cmpi eq, %parallel_loop3A_279, %parallel_loop3A_292 : vector<16xi32>
        tpu.vector_store_idx %arg7[%parallel_loop3A_291], %broadcast_in_dim3A_4 masked %parallel_loop3A_293 {add = true} : memref<98304xi32, #tpu.memory_space<vmem>>[vector<16xi32>], vector<16xi32>, vector<16xi1>
        %parallel_loop3A_294 = arith.constant 4096 : i32
        %parallel_loop3A_295 = vector.broadcast %parallel_loop3A_294 : i32 to vector<16xi32>
        %parallel_loop3A_296 = arith.addi %parallel_loop3A_286, %parallel_loop3A_295 : vector<16xi32>
        %parallel_loop3A_297 = vector.broadcast %scan3A_70#5 : i32 to vector<16xi32>
        %parallel_loop3A_298 = arith.cmpi eq, %parallel_loop3A_279, %parallel_loop3A_297 : vector<16xi32>
        tpu.vector_store_idx %arg7[%parallel_loop3A_296], %broadcast_in_dim3A_4 masked %parallel_loop3A_298 {add = true} : memref<98304xi32, #tpu.memory_space<vmem>>[vector<16xi32>], vector<16xi32>, vector<16xi1>
        scf.yield %parallel_loop3A_273 : i32
      } {sc.loop_unroll_factor = 8 : i64, sc.parallel_access}
      %dma_wait3A_254 = arith.constant 0 : i32
      %dma_wait3A_255 = arith.constant 0 : i32
      %dma_wait3A_256 = tpu.memref_slice %arg2[%dma_wait3A_254, %dma_wait3A_255] : memref<8x262144xf32, #tpu.memory_space<hbm>> -> memref<1x8192xf32, #tpu.memory_space<hbm>>
      %dma_wait3A_257 = tpu.memref_squeeze %dma_wait3A_256 : memref<1x8192xf32, #tpu.memory_space<hbm>> -> memref<8192xf32, #tpu.memory_space<hbm>>
      %dma_wait3A_258 = arith.constant 0 : i32
      %dma_wait3A_259 = tpu.memref_slice %arg2[%dma_wait3A_254, %dma_wait3A_258] : memref<8x262144xf32, #tpu.memory_space<hbm>> -> memref<1x8192xf32, #tpu.memory_space<hbm>>
      %dma_wait3A_260 = tpu.memref_squeeze %dma_wait3A_259 : memref<1x8192xf32, #tpu.memory_space<hbm>> -> memref<8192xf32, #tpu.memory_space<hbm>>
      tpu.wait_dma2 semaphore(%arg12 : memref<!tpu.dma_semaphore, #tpu.memory_space<semaphore_mem>>) src(%dma_wait3A_260 : memref<8192xf32, #tpu.memory_space<hbm>>) dst(%arg6 : memref<8192xf32, #tpu.memory_space<vmem>>)
      %add3A_261 = arith.constant 2 : i32
      %add3A_262 = arith.addi %mul3A_228, %add3A_261 : i32
      %lt3A_263 = arith.constant 16 : i32
      %lt3A_264 = arith.cmpi slt, %add3A_262, %lt3A_263 : i32
      %convert_element_type3A_265 = arith.extui %lt3A_264 : i1 to i32
      %cond3A_266 = arith.constant 0 : i32
      %cond3A_267 = arith.cmpi ne, %convert_element_type3A_265, %cond3A_266 : i32
      scf.if %cond3A_267 {
        %add3A_272 = arith.constant 2 : i32
        %add3A_273 = arith.addi %mul3A_228, %add3A_272 : i32
        %mul3A_274 = arith.constant 8192 : i32
        %mul3A_275 = arith.muli %add3A_273, %mul3A_274 : i32
        %add3A_276 = arith.addi %mul3A_11, %mul3A_275 : i32
        %lt3A_277 = arith.constant 8 : i32
        %lt3A_278 = arith.cmpi slt, %add3A, %lt3A_277 : i32
        %convert_element_type3A_279 = arith.extui %lt3A_278 : i1 to i32
        %cond3A_280 = arith.constant 0 : i32
        %cond3A_281 = arith.cmpi ne, %convert_element_type3A_279, %cond3A_280 : i32
        scf.if %cond3A_281 {
          %dma_start3A = tpu.memref_slice %arg2[%add3A, %add3A_276] : memref<8x262144xf32, #tpu.memory_space<hbm>> -> memref<1x8192xf32, #tpu.memory_space<hbm>>
          %dma_start3A_287 = tpu.memref_squeeze %dma_start3A : memref<1x8192xf32, #tpu.memory_space<hbm>> -> memref<8192xf32, #tpu.memory_space<hbm>>
          %dma_start3A_288 = tpu.memref_slice %arg2[%add3A, %add3A_276] : memref<8x262144xf32, #tpu.memory_space<hbm>> -> memref<1x8192xf32, #tpu.memory_space<hbm>>
          %dma_start3A_289 = tpu.memref_squeeze %dma_start3A_288 : memref<1x8192xf32, #tpu.memory_space<hbm>> -> memref<8192xf32, #tpu.memory_space<hbm>>
          tpu.enqueue_dma source(%dma_start3A_289 : memref<8192xf32, #tpu.memory_space<hbm>>) target(%arg5 : memref<8192xf32, #tpu.memory_space<vmem>>) target_semaphore(%arg11 : memref<!tpu.dma_semaphore, #tpu.memory_space<semaphore_mem>>)
        } else {
        }
        %ge3A_282 = arith.constant 8 : i32
        %ge3A_283 = arith.cmpi sge, %add3A, %ge3A_282 : i32
        %convert_element_type3A_284 = arith.extui %ge3A_283 : i1 to i32
        %cond3A_285 = arith.constant 0 : i32
        %cond3A_286 = arith.cmpi ne, %convert_element_type3A_284, %cond3A_285 : i32
        scf.if %cond3A_286 {
          %sub3A_287 = arith.constant 8 : i32
          %sub3A_288 = arith.subi %add3A, %sub3A_287 : i32
          %dma_start3A = tpu.memref_slice %arg3[%sub3A_288, %add3A_276] : memref<8x262144xf32, #tpu.memory_space<hbm>> -> memref<1x8192xf32, #tpu.memory_space<hbm>>
          %dma_start3A_289 = tpu.memref_squeeze %dma_start3A : memref<1x8192xf32, #tpu.memory_space<hbm>> -> memref<8192xf32, #tpu.memory_space<hbm>>
          %dma_start3A_290 = tpu.memref_slice %arg3[%sub3A_288, %add3A_276] : memref<8x262144xf32, #tpu.memory_space<hbm>> -> memref<1x8192xf32, #tpu.memory_space<hbm>>
          %dma_start3A_291 = tpu.memref_squeeze %dma_start3A_290 : memref<1x8192xf32, #tpu.memory_space<hbm>> -> memref<8192xf32, #tpu.memory_space<hbm>>
          tpu.enqueue_dma source(%dma_start3A_291 : memref<8192xf32, #tpu.memory_space<hbm>>) target(%arg5 : memref<8192xf32, #tpu.memory_space<vmem>>) target_semaphore(%arg11 : memref<!tpu.dma_semaphore, #tpu.memory_space<semaphore_mem>>)
        } else {
        }
      } else {
      }
      %parallel_loop3A_268 = arith.constant 0 : i32
      %parallel_loop3A_269 = arith.constant 8192 : i32
      %parallel_loop3A_270 = arith.constant 16 : i32
      %parallel_loop3A_271 = scf.for %parallel_loop3A_272 = %parallel_loop3A_268 to %parallel_loop3A_269 step %parallel_loop3A_270 iter_args(%parallel_loop3A_273 = %parallel_loop3A_253) -> (i32)  : i32 {
        %parallel_loop3A_274 = arith.index_cast %parallel_loop3A_272 : i32 to index
        %parallel_loop3A_275 = tpu.vector_load %arg6[%parallel_loop3A_274] {strides = array<i32>} : memref<8192xf32, #tpu.memory_space<vmem>>, vector<16xf32>,
        %parallel_loop3A_276 = tpu.bitcast %parallel_loop3A_275 : vector<16xf32> -> vector<16xi32>
        %parallel_loop3A_277 = arith.constant 19 : i32
        %parallel_loop3A_278 = vector.broadcast %parallel_loop3A_277 : i32 to vector<16xi32>
        %parallel_loop3A_279 = arith.shrsi %parallel_loop3A_276, %parallel_loop3A_278 : vector<16xi32>
        %parallel_loop3A_280 = arith.constant 8 : i32
        %parallel_loop3A_281 = vector.broadcast %parallel_loop3A_280 : i32 to vector<16xi32>
        %parallel_loop3A_282 = arith.shrsi %parallel_loop3A_276, %parallel_loop3A_281 : vector<16xi32>
        %parallel_loop3A_283 = arith.constant 2047 : i32
        %parallel_loop3A_284 = vector.broadcast %parallel_loop3A_283 : i32 to vector<16xi32>
        %parallel_loop3A_285 = arith.andi %parallel_loop3A_282, %parallel_loop3A_284 : vector<16xi32>
        %parallel_loop3A_286 = arith.addi %mul3A_9, %parallel_loop3A_285 : vector<16xi32>
        %parallel_loop3A_287 = vector.broadcast %scan3A_70#1 : i32 to vector<16xi32>
        %parallel_loop3A_288 = arith.cmpi eq, %parallel_loop3A_279, %parallel_loop3A_287 : vector<16xi32>
        tpu.vector_store_idx %arg7[%parallel_loop3A_286], %broadcast_in_dim3A_4 masked %parallel_loop3A_288 {add = true} : memref<98304xi32, #tpu.memory_space<vmem>>[vector<16xi32>], vector<16xi32>, vector<16xi1>
        %parallel_loop3A_289 = arith.constant 2048 : i32
        %parallel_loop3A_290 = vector.broadcast %parallel_loop3A_289 : i32 to vector<16xi32>
        %parallel_loop3A_291 = arith.addi %parallel_loop3A_286, %parallel_loop3A_290 : vector<16xi32>
        %parallel_loop3A_292 = vector.broadcast %scan3A_70#3 : i32 to vector<16xi32>
        %parallel_loop3A_293 = arith.cmpi eq, %parallel_loop3A_279, %parallel_loop3A_292 : vector<16xi32>
        tpu.vector_store_idx %arg7[%parallel_loop3A_291], %broadcast_in_dim3A_4 masked %parallel_loop3A_293 {add = true} : memref<98304xi32, #tpu.memory_space<vmem>>[vector<16xi32>], vector<16xi32>, vector<16xi1>
        %parallel_loop3A_294 = arith.constant 4096 : i32
        %parallel_loop3A_295 = vector.broadcast %parallel_loop3A_294 : i32 to vector<16xi32>
        %parallel_loop3A_296 = arith.addi %parallel_loop3A_286, %parallel_loop3A_295 : vector<16xi32>
        %parallel_loop3A_297 = vector.broadcast %scan3A_70#5 : i32 to vector<16xi32>
        %parallel_loop3A_298 = arith.cmpi eq, %parallel_loop3A_279, %parallel_loop3A_297 : vector<16xi32>
        tpu.vector_store_idx %arg7[%parallel_loop3A_296], %broadcast_in_dim3A_4 masked %parallel_loop3A_298 {add = true} : memref<98304xi32, #tpu.memory_space<vmem>>[vector<16xi32>], vector<16xi32>, vector<16xi1>
        scf.yield %parallel_loop3A_273 : i32
      } {sc.loop_unroll_factor = 8 : i64, sc.parallel_access}
      scf.yield %parallel_loop3A_271 : i32
    }
    %scan3A_98 = arith.constant 8 : i32
    %parallel_loop3A_99 = arith.constant 0 : i32
    %parallel_loop3A_100 = arith.constant 6144 : i32
    %parallel_loop3A_101 = arith.constant 16 : i32
    "tpu.trace_stop"() : () -> ()
    "tpu.trace_start"() <{level = 10 : i32, message = "m2"}> : () -> ()
    scf.for %parallel_loop3A_225 = %parallel_loop3A_99 to %parallel_loop3A_100 step %parallel_loop3A_101  : i32 {
      %parallel_loop3A_226 = arith.constant 0 : i32
      %parallel_loop3A_227 = arith.addi %parallel_loop3A_226, %parallel_loop3A_225 : i32
      %parallel_loop3A_228 = arith.index_cast %parallel_loop3A_227 : i32 to index
      %parallel_loop3A_229 = tpu.vector_load %arg7[%parallel_loop3A_228] {strides = array<i32>} : memref<98304xi32, #tpu.memory_space<vmem>>, vector<16xi32>,
      %parallel_loop3A_230 = arith.addi %broadcast_in_dim3A_6, %parallel_loop3A_229 : vector<16xi32>
      %parallel_loop3A_231 = arith.constant 6144 : i32
      %parallel_loop3A_232 = arith.addi %parallel_loop3A_231, %parallel_loop3A_225 : i32
      %parallel_loop3A_233 = arith.index_cast %parallel_loop3A_232 : i32 to index
      %parallel_loop3A_234 = tpu.vector_load %arg7[%parallel_loop3A_233] {strides = array<i32>} : memref<98304xi32, #tpu.memory_space<vmem>>, vector<16xi32>,
      %parallel_loop3A_235 = arith.addi %parallel_loop3A_230, %parallel_loop3A_234 : vector<16xi32>
      %parallel_loop3A_236 = arith.constant 12288 : i32
      %parallel_loop3A_237 = arith.addi %parallel_loop3A_236, %parallel_loop3A_225 : i32
      %parallel_loop3A_238 = arith.index_cast %parallel_loop3A_237 : i32 to index
      %parallel_loop3A_239 = tpu.vector_load %arg7[%parallel_loop3A_238] {strides = array<i32>} : memref<98304xi32, #tpu.memory_space<vmem>>, vector<16xi32>,
      %parallel_loop3A_240 = arith.addi %parallel_loop3A_235, %parallel_loop3A_239 : vector<16xi32>
      %parallel_loop3A_241 = arith.constant 18432 : i32
      %parallel_loop3A_242 = arith.addi %parallel_loop3A_241, %parallel_loop3A_225 : i32
      %parallel_loop3A_243 = arith.index_cast %parallel_loop3A_242 : i32 to index
      %parallel_loop3A_244 = tpu.vector_load %arg7[%parallel_loop3A_243] {strides = array<i32>} : memref<98304xi32, #tpu.memory_space<vmem>>, vector<16xi32>,
      %parallel_loop3A_245 = arith.addi %parallel_loop3A_240, %parallel_loop3A_244 : vector<16xi32>
      %parallel_loop3A_246 = arith.constant 24576 : i32
      %parallel_loop3A_247 = arith.addi %parallel_loop3A_246, %parallel_loop3A_225 : i32
      %parallel_loop3A_248 = arith.index_cast %parallel_loop3A_247 : i32 to index
      %parallel_loop3A_249 = tpu.vector_load %arg7[%parallel_loop3A_248] {strides = array<i32>} : memref<98304xi32, #tpu.memory_space<vmem>>, vector<16xi32>,
      %parallel_loop3A_250 = arith.addi %parallel_loop3A_245, %parallel_loop3A_249 : vector<16xi32>
      %parallel_loop3A_251 = arith.constant 30720 : i32
      %parallel_loop3A_252 = arith.addi %parallel_loop3A_251, %parallel_loop3A_225 : i32
      %parallel_loop3A_253 = arith.index_cast %parallel_loop3A_252 : i32 to index
      %parallel_loop3A_254 = tpu.vector_load %arg7[%parallel_loop3A_253] {strides = array<i32>} : memref<98304xi32, #tpu.memory_space<vmem>>, vector<16xi32>,
      %parallel_loop3A_255 = arith.addi %parallel_loop3A_250, %parallel_loop3A_254 : vector<16xi32>
      %parallel_loop3A_256 = arith.constant 36864 : i32
      %parallel_loop3A_257 = arith.addi %parallel_loop3A_256, %parallel_loop3A_225 : i32
      %parallel_loop3A_258 = arith.index_cast %parallel_loop3A_257 : i32 to index
      %parallel_loop3A_259 = tpu.vector_load %arg7[%parallel_loop3A_258] {strides = array<i32>} : memref<98304xi32, #tpu.memory_space<vmem>>, vector<16xi32>,
      %parallel_loop3A_260 = arith.addi %parallel_loop3A_255, %parallel_loop3A_259 : vector<16xi32>
      %parallel_loop3A_261 = arith.constant 43008 : i32
      %parallel_loop3A_262 = arith.addi %parallel_loop3A_261, %parallel_loop3A_225 : i32
      %parallel_loop3A_263 = arith.index_cast %parallel_loop3A_262 : i32 to index
      %parallel_loop3A_264 = tpu.vector_load %arg7[%parallel_loop3A_263] {strides = array<i32>} : memref<98304xi32, #tpu.memory_space<vmem>>, vector<16xi32>,
      %parallel_loop3A_265 = arith.addi %parallel_loop3A_260, %parallel_loop3A_264 : vector<16xi32>
      %parallel_loop3A_266 = arith.constant 49152 : i32
      %parallel_loop3A_267 = arith.addi %parallel_loop3A_266, %parallel_loop3A_225 : i32
      %parallel_loop3A_268 = arith.index_cast %parallel_loop3A_267 : i32 to index
      %parallel_loop3A_269 = tpu.vector_load %arg7[%parallel_loop3A_268] {strides = array<i32>} : memref<98304xi32, #tpu.memory_space<vmem>>, vector<16xi32>,
      %parallel_loop3A_270 = arith.addi %parallel_loop3A_265, %parallel_loop3A_269 : vector<16xi32>
      %parallel_loop3A_271 = arith.constant 55296 : i32
      %parallel_loop3A_272 = arith.addi %parallel_loop3A_271, %parallel_loop3A_225 : i32
      %parallel_loop3A_273 = arith.index_cast %parallel_loop3A_272 : i32 to index
      %parallel_loop3A_274 = tpu.vector_load %arg7[%parallel_loop3A_273] {strides = array<i32>} : memref<98304xi32, #tpu.memory_space<vmem>>, vector<16xi32>,
      %parallel_loop3A_275 = arith.addi %parallel_loop3A_270, %parallel_loop3A_274 : vector<16xi32>
      %parallel_loop3A_276 = arith.constant 61440 : i32
      %parallel_loop3A_277 = arith.addi %parallel_loop3A_276, %parallel_loop3A_225 : i32
      %parallel_loop3A_278 = arith.index_cast %parallel_loop3A_277 : i32 to index
      %parallel_loop3A_279 = tpu.vector_load %arg7[%parallel_loop3A_278] {strides = array<i32>} : memref<98304xi32, #tpu.memory_space<vmem>>, vector<16xi32>,
      %parallel_loop3A_280 = arith.addi %parallel_loop3A_275, %parallel_loop3A_279 : vector<16xi32>
      %parallel_loop3A_281 = arith.constant 67584 : i32
      %parallel_loop3A_282 = arith.addi %parallel_loop3A_281, %parallel_loop3A_225 : i32
      %parallel_loop3A_283 = arith.index_cast %parallel_loop3A_282 : i32 to index
      %parallel_loop3A_284 = tpu.vector_load %arg7[%parallel_loop3A_283] {strides = array<i32>} : memref<98304xi32, #tpu.memory_space<vmem>>, vector<16xi32>,
      %parallel_loop3A_285 = arith.addi %parallel_loop3A_280, %parallel_loop3A_284 : vector<16xi32>
      %parallel_loop3A_286 = arith.constant 73728 : i32
      %parallel_loop3A_287 = arith.addi %parallel_loop3A_286, %parallel_loop3A_225 : i32
      %parallel_loop3A_288 = arith.index_cast %parallel_loop3A_287 : i32 to index
      %parallel_loop3A_289 = tpu.vector_load %arg7[%parallel_loop3A_288] {strides = array<i32>} : memref<98304xi32, #tpu.memory_space<vmem>>, vector<16xi32>,
      %parallel_loop3A_290 = arith.addi %parallel_loop3A_285, %parallel_loop3A_289 : vector<16xi32>
      %parallel_loop3A_291 = arith.constant 79872 : i32
      %parallel_loop3A_292 = arith.addi %parallel_loop3A_291, %parallel_loop3A_225 : i32
      %parallel_loop3A_293 = arith.index_cast %parallel_loop3A_292 : i32 to index
      %parallel_loop3A_294 = tpu.vector_load %arg7[%parallel_loop3A_293] {strides = array<i32>} : memref<98304xi32, #tpu.memory_space<vmem>>, vector<16xi32>,
      %parallel_loop3A_295 = arith.addi %parallel_loop3A_290, %parallel_loop3A_294 : vector<16xi32>
      %parallel_loop3A_296 = arith.constant 86016 : i32
      %parallel_loop3A_297 = arith.addi %parallel_loop3A_296, %parallel_loop3A_225 : i32
      %parallel_loop3A_298 = arith.index_cast %parallel_loop3A_297 : i32 to index
      %parallel_loop3A_299 = tpu.vector_load %arg7[%parallel_loop3A_298] {strides = array<i32>} : memref<98304xi32, #tpu.memory_space<vmem>>, vector<16xi32>,
      %parallel_loop3A_300 = arith.addi %parallel_loop3A_295, %parallel_loop3A_299 : vector<16xi32>
      %parallel_loop3A_301 = arith.constant 92160 : i32
      %parallel_loop3A_302 = arith.addi %parallel_loop3A_301, %parallel_loop3A_225 : i32
      %parallel_loop3A_303 = arith.index_cast %parallel_loop3A_302 : i32 to index
      %parallel_loop3A_304 = tpu.vector_load %arg7[%parallel_loop3A_303] {strides = array<i32>} : memref<98304xi32, #tpu.memory_space<vmem>>, vector<16xi32>,
      %parallel_loop3A_305 = arith.addi %parallel_loop3A_300, %parallel_loop3A_304 : vector<16xi32>
      %parallel_loop3A_306 = arith.index_cast %parallel_loop3A_225 : i32 to index
      %parallel_loop3A_307 = tpu.vector_load %arg8[%parallel_loop3A_306] {strides = array<i32>} : memref<6144xi32, #tpu.memory_space<vmem>>, vector<16xi32>,
      tpu.vector_store %arg8[%parallel_loop3A_306], %parallel_loop3A_305 {strides = array<i32>} : memref<6144xi32, #tpu.memory_space<vmem>>, vector<16xi32>,
    } {sc.loop_unroll_factor = 2 : i64, sc.parallel_access}
    "tpu.trace_stop"() : () -> ()
    "tpu.region"() ({
      %run_scoped3A = tpu.sem_alloc : memref<!tpu.dma_semaphore, #tpu.memory_space<semaphore_mem>>
      %dma_start3A = arith.constant 0 : i32
      %dma_start3A_225 = tpu.memref_slice %arg8[%dma_start3A] : memref<6144xi32, #tpu.memory_space<vmem>> -> memref<6144xi32, #tpu.memory_space<vmem>>
      %dma_start3A_226 = arith.constant 0 : i32
      %dma_start3A_227 = tpu.memref_slice %arg10[%arg1, %dma_start3A_226] : memref<16x6144xi32, #tpu.memory_space<vmem_shared>> -> memref<1x6144xi32, #tpu.memory_space<vmem_shared>>
      %dma_start3A_228 = tpu.memref_squeeze %dma_start3A_227 : memref<1x6144xi32, #tpu.memory_space<vmem_shared>> -> memref<6144xi32, #tpu.memory_space<vmem_shared>>
      %dma_start3A_229 = arith.constant 0 : i32
      %dma_start3A_230 = tpu.memref_slice %arg10[%arg1, %dma_start3A_229] : memref<16x6144xi32, #tpu.memory_space<vmem_shared>> -> memref<1x6144xi32, #tpu.memory_space<vmem_shared>>
      %dma_start3A_231 = tpu.memref_squeeze %dma_start3A_230 : memref<1x6144xi32, #tpu.memory_space<vmem_shared>> -> memref<6144xi32, #tpu.memory_space<vmem_shared>>
      %dma_start3A_232 = arith.constant 0 : i32
      %dma_start3A_233 = tpu.memref_slice %arg8[%dma_start3A_232] : memref<6144xi32, #tpu.memory_space<vmem>> -> memref<6144xi32, #tpu.memory_space<vmem>>
      tpu.enqueue_dma source(%dma_start3A_233 : memref<6144xi32, #tpu.memory_space<vmem>>) target(%dma_start3A_231 : memref<6144xi32, #tpu.memory_space<vmem_shared>>) target_semaphore(%run_scoped3A : memref<!tpu.dma_semaphore, #tpu.memory_space<semaphore_mem>>)
      %dma_wait3A = arith.constant 0 : i32
      %dma_wait3A_234 = tpu.memref_slice %arg8[%dma_wait3A] : memref<6144xi32, #tpu.memory_space<vmem>> -> memref<6144xi32, #tpu.memory_space<vmem>>
      %dma_wait3A_235 = arith.constant 0 : i32
      %dma_wait3A_236 = tpu.memref_slice %arg10[%arg1, %dma_wait3A_235] : memref<16x6144xi32, #tpu.memory_space<vmem_shared>> -> memref<1x6144xi32, #tpu.memory_space<vmem_shared>>
      %dma_wait3A_237 = tpu.memref_squeeze %dma_wait3A_236 : memref<1x6144xi32, #tpu.memory_space<vmem_shared>> -> memref<6144xi32, #tpu.memory_space<vmem_shared>>
      %dma_wait3A_238 = arith.constant 0 : i32
      %dma_wait3A_239 = tpu.memref_slice %arg10[%arg1, %dma_wait3A_238] : memref<16x6144xi32, #tpu.memory_space<vmem_shared>> -> memref<1x6144xi32, #tpu.memory_space<vmem_shared>>
      %dma_wait3A_240 = tpu.memref_squeeze %dma_wait3A_239 : memref<1x6144xi32, #tpu.memory_space<vmem_shared>> -> memref<6144xi32, #tpu.memory_space<vmem_shared>>
      %dma_wait3A_241 = arith.constant 0 : i32
      %dma_wait3A_242 = tpu.memref_slice %arg8[%dma_wait3A_241] : memref<6144xi32, #tpu.memory_space<vmem>> -> memref<6144xi32, #tpu.memory_space<vmem>>
      tpu.wait_dma2 semaphore(%run_scoped3A : memref<!tpu.dma_semaphore, #tpu.memory_space<semaphore_mem>>) src(%dma_wait3A_242 : memref<6144xi32, #tpu.memory_space<vmem>>) dst(%dma_wait3A_240 : memref<6144xi32, #tpu.memory_space<vmem_shared>>)
      tpu.yield
    }) : () -> ()
    %barrier3A_102 = arith.constant 0 : index
    tpu.barrier barrier_id(%barrier3A_102)
    "tpu.region"() ({
      %run_scoped3A = tpu.sem_alloc : memref<!tpu.dma_semaphore, #tpu.memory_space<semaphore_mem>>
      %dma_start3A = arith.constant 0 : i32
      %dma_start3A_225 = tpu.memref_slice %arg7[%dma_start3A] : memref<98304xi32, #tpu.memory_space<vmem>> -> memref<6144xi32, #tpu.memory_space<vmem>>
      %dma_start3A_226 = arith.constant 0 : i32
      %dma_start3A_227 = tpu.memref_slice %arg10[%xor3A_3, %dma_start3A_226] : memref<16x6144xi32, #tpu.memory_space<vmem_shared>> -> memref<1x6144xi32, #tpu.memory_space<vmem_shared>>
      %dma_start3A_228 = tpu.memref_squeeze %dma_start3A_227 : memref<1x6144xi32, #tpu.memory_space<vmem_shared>> -> memref<6144xi32, #tpu.memory_space<vmem_shared>>
      %dma_start3A_229 = arith.constant 0 : i32
      %dma_start3A_230 = tpu.memref_slice %arg7[%dma_start3A_229] : memref<98304xi32, #tpu.memory_space<vmem>> -> memref<6144xi32, #tpu.memory_space<vmem>>
      %dma_start3A_231 = arith.constant 0 : i32
      %dma_start3A_232 = tpu.memref_slice %arg10[%xor3A_3, %dma_start3A_231] : memref<16x6144xi32, #tpu.memory_space<vmem_shared>> -> memref<1x6144xi32, #tpu.memory_space<vmem_shared>>
      %dma_start3A_233 = tpu.memref_squeeze %dma_start3A_232 : memref<1x6144xi32, #tpu.memory_space<vmem_shared>> -> memref<6144xi32, #tpu.memory_space<vmem_shared>>
      tpu.enqueue_dma source(%dma_start3A_233 : memref<6144xi32, #tpu.memory_space<vmem_shared>>) target(%dma_start3A_230 : memref<6144xi32, #tpu.memory_space<vmem>>) target_semaphore(%run_scoped3A : memref<!tpu.dma_semaphore, #tpu.memory_space<semaphore_mem>>)
      %dma_wait3A = arith.constant 0 : i32
      %dma_wait3A_234 = tpu.memref_slice %arg7[%dma_wait3A] : memref<98304xi32, #tpu.memory_space<vmem>> -> memref<6144xi32, #tpu.memory_space<vmem>>
      %dma_wait3A_235 = arith.constant 0 : i32
      %dma_wait3A_236 = tpu.memref_slice %arg10[%xor3A_3, %dma_wait3A_235] : memref<16x6144xi32, #tpu.memory_space<vmem_shared>> -> memref<1x6144xi32, #tpu.memory_space<vmem_shared>>
      %dma_wait3A_237 = tpu.memref_squeeze %dma_wait3A_236 : memref<1x6144xi32, #tpu.memory_space<vmem_shared>> -> memref<6144xi32, #tpu.memory_space<vmem_shared>>
      %dma_wait3A_238 = arith.constant 0 : i32
      %dma_wait3A_239 = tpu.memref_slice %arg7[%dma_wait3A_238] : memref<98304xi32, #tpu.memory_space<vmem>> -> memref<6144xi32, #tpu.memory_space<vmem>>
      %dma_wait3A_240 = arith.constant 0 : i32
      %dma_wait3A_241 = tpu.memref_slice %arg10[%xor3A_3, %dma_wait3A_240] : memref<16x6144xi32, #tpu.memory_space<vmem_shared>> -> memref<1x6144xi32, #tpu.memory_space<vmem_shared>>
      %dma_wait3A_242 = tpu.memref_squeeze %dma_wait3A_241 : memref<1x6144xi32, #tpu.memory_space<vmem_shared>> -> memref<6144xi32, #tpu.memory_space<vmem_shared>>
      tpu.wait_dma2 semaphore(%run_scoped3A : memref<!tpu.dma_semaphore, #tpu.memory_space<semaphore_mem>>) src(%dma_wait3A_242 : memref<6144xi32, #tpu.memory_space<vmem_shared>>) dst(%dma_wait3A_239 : memref<6144xi32, #tpu.memory_space<vmem>>)
      tpu.yield
    }) : () -> ()
    %barrier3A_103 = arith.constant 0 : index
    tpu.barrier barrier_id(%barrier3A_103)
    %scan3A_104 = arith.constant 0 : i32
    %scan3A_105 = arith.constant 0 : i32
    %scan3A_106 = arith.constant 0 : i32
    %scan3A_107 = arith.constant 0 : i32
    %scan3A_108 = arith.constant 0 : i32
    %scan3A_109 = arith.constant 0 : i32
    %scan3A_110 = arith.constant 0 : i32
    %scan3A_111 = arith.constant 0 : i32
    %scan3A_112 = arith.constant 0 : i32
    %scan3A_113 = arith.constant 0 : i32
    %scan3A_114 = arith.constant 128 : i32
    %scan3A_115 = arith.addi %scan3A_113, %scan3A_114 : i32
    %scan3A_116 = arith.constant 1 : i32
    %scan3A_117:9 = scf.for %scan3A_225 = %scan3A_113 to %scan3A_115 step %scan3A_116 iter_args(%scan3A_226 = %scan3A_104, %scan3A_227 = %scan3A_105, %scan3A_228 = %scan3A_106, %scan3A_229 = %scan3A_107, %scan3A_230 = %scan3A_108, %scan3A_231 = %scan3A_109, %scan3A_232 = %scan3A_110, %scan3A_233 = %scan3A_111, %scan3A_234 = %scan3A_112) -> (i32, i32, i32, i32, i32, i32, i32, i32, i32)  : i32 {
      %mul3A_235 = arith.constant 16 : i32
      %mul3A_236 = arith.muli %scan3A_225, %mul3A_235 : i32
      %add3A_237 = arith.constant 0 : i32
      %add3A_238 = arith.addi %add3A_237, %mul3A_236 : i32
      %get3A_239 = arith.index_cast %add3A_238 : i32 to index
      %get3A_240 = tpu.vector_load %arg8[%get3A_239] {strides = array<i32>} : memref<6144xi32, #tpu.memory_space<vmem>>, vector<16xi32>,
      %get3A_241 = arith.index_cast %add3A_238 : i32 to index
      %get3A_242 = tpu.vector_load %arg7[%get3A_241] {strides = array<i32>} : memref<98304xi32, #tpu.memory_space<vmem>>, vector<16xi32>,
      %add3A_243 = arith.addi %get3A_240, %get3A_242 : vector<16xi32>
      %broadcast_in_dim3A_244 = arith.constant true
      %broadcast_in_dim3A_245 = vector.broadcast %broadcast_in_dim3A_244 : i1 to vector<16xi1>
      %masked_cumsum3A = tpu.scan <sum>, %add3A_243 masked %broadcast_in_dim3A_245 : vector<16xi32>, vector<16xi1> -> vector<16xi32>
      %add3A_246 = vector.broadcast %scan3A_226 : i32 to vector<16xi32>
      %add3A_247 = arith.addi %masked_cumsum3A, %add3A_246 : vector<16xi32>
      %lt3A_248 = vector.broadcast %sub3A_72 : i32 to vector<16xi32>
      %lt3A_249 = arith.cmpi slt, %add3A_247, %lt3A_248 : vector<16xi32>
      %select_n3A_250 = arith.select %lt3A_249, %broadcast_in_dim3A_4, %broadcast_in_dim3A_6 : vector<16xi1>, vector<16xi32>
      %reduce_sum3A = arith.constant true
      %reduce_sum3A_251 = vector.broadcast %reduce_sum3A : i1 to vector<16xi1>
      %reduce_sum3A_252 = tpu.scan <sum>, %select_n3A_250 masked %reduce_sum3A_251 : vector<16xi32>, vector<16xi1> -> vector<16xi32>
      %reduce_sum3A_253 = vector.extract %reduce_sum3A_252[15] : i32 from vector<16xi32>
      %add3A_254 = arith.addi %scan3A_227, %reduce_sum3A_253 : i32
      %select_n3A_255 = arith.select %lt3A_249, %add3A_247, %broadcast_in_dim3A_6 : vector<16xi1>, vector<16xi32>
      %reduce_max3A_256 = arith.constant true
      %reduce_max3A_257 = vector.broadcast %reduce_max3A_256 : i1 to vector<16xi1>
      %reduce_max3A_258 = arith.constant -2147483648 : i32
      %reduce_max3A_259 = vector.broadcast %reduce_max3A_258 : i32 to vector<16xi32>
      %reduce_max3A_260 = arith.xori %select_n3A_255, %reduce_max3A_259 : vector<16xi32>
      %reduce_max3A_261 = tpu.scan <max>, %reduce_max3A_260 masked %reduce_max3A_257 : vector<16xi32>, vector<16xi1> -> vector<16xi32>
      %reduce_max3A_262 = arith.xori %reduce_max3A_261, %reduce_max3A_259 : vector<16xi32>
      %reduce_max3A_263 = vector.extract %reduce_max3A_262[15] : i32 from vector<16xi32>
      %max3A_264 = arith.maxsi %scan3A_228, %reduce_max3A_263 : i32
      %reduce_max3A_265 = arith.constant true
      %reduce_max3A_266 = vector.broadcast %reduce_max3A_265 : i1 to vector<16xi1>
      %reduce_max3A_267 = arith.constant -2147483648 : i32
      %reduce_max3A_268 = vector.broadcast %reduce_max3A_267 : i32 to vector<16xi32>
      %reduce_max3A_269 = arith.xori %add3A_247, %reduce_max3A_268 : vector<16xi32>
      %reduce_max3A_270 = tpu.scan <max>, %reduce_max3A_269 masked %reduce_max3A_266 : vector<16xi32>, vector<16xi1> -> vector<16xi32>
      %reduce_max3A_271 = arith.xori %reduce_max3A_270, %reduce_max3A_268 : vector<16xi32>
      %reduce_max3A_272 = vector.extract %reduce_max3A_271[15] : i32 from vector<16xi32>
      %mul3A_273 = arith.constant 16 : i32
      %mul3A_274 = arith.muli %scan3A_225, %mul3A_273 : i32
      %add3A_275 = arith.constant 2048 : i32
      %add3A_276 = arith.addi %add3A_275, %mul3A_274 : i32
      %get3A_277 = arith.index_cast %add3A_276 : i32 to index
      %get3A_278 = tpu.vector_load %arg8[%get3A_277] {strides = array<i32>} : memref<6144xi32, #tpu.memory_space<vmem>>, vector<16xi32>,
      %get3A_279 = arith.index_cast %add3A_276 : i32 to index
      %get3A_280 = tpu.vector_load %arg7[%get3A_279] {strides = array<i32>} : memref<98304xi32, #tpu.memory_space<vmem>>, vector<16xi32>,
      %add3A_281 = arith.addi %get3A_278, %get3A_280 : vector<16xi32>
      %broadcast_in_dim3A_282 = arith.constant true
      %broadcast_in_dim3A_283 = vector.broadcast %broadcast_in_dim3A_282 : i1 to vector<16xi1>
      %masked_cumsum3A_284 = tpu.scan <sum>, %add3A_281 masked %broadcast_in_dim3A_283 : vector<16xi32>, vector<16xi1> -> vector<16xi32>
      %add3A_285 = vector.broadcast %scan3A_229 : i32 to vector<16xi32>
      %add3A_286 = arith.addi %masked_cumsum3A_284, %add3A_285 : vector<16xi32>
      %lt3A_287 = vector.broadcast %sub3A_74 : i32 to vector<16xi32>
      %lt3A_288 = arith.cmpi slt, %add3A_286, %lt3A_287 : vector<16xi32>
      %select_n3A_289 = arith.select %lt3A_288, %broadcast_in_dim3A_4, %broadcast_in_dim3A_6 : vector<16xi1>, vector<16xi32>
      %reduce_sum3A_290 = arith.constant true
      %reduce_sum3A_291 = vector.broadcast %reduce_sum3A_290 : i1 to vector<16xi1>
      %reduce_sum3A_292 = tpu.scan <sum>, %select_n3A_289 masked %reduce_sum3A_291 : vector<16xi32>, vector<16xi1> -> vector<16xi32>
      %reduce_sum3A_293 = vector.extract %reduce_sum3A_292[15] : i32 from vector<16xi32>
      %add3A_294 = arith.addi %scan3A_230, %reduce_sum3A_293 : i32
      %select_n3A_295 = arith.select %lt3A_288, %add3A_286, %broadcast_in_dim3A_6 : vector<16xi1>, vector<16xi32>
      %reduce_max3A_296 = arith.constant true
      %reduce_max3A_297 = vector.broadcast %reduce_max3A_296 : i1 to vector<16xi1>
      %reduce_max3A_298 = arith.constant -2147483648 : i32
      %reduce_max3A_299 = vector.broadcast %reduce_max3A_298 : i32 to vector<16xi32>
      %reduce_max3A_300 = arith.xori %select_n3A_295, %reduce_max3A_299 : vector<16xi32>
      %reduce_max3A_301 = tpu.scan <max>, %reduce_max3A_300 masked %reduce_max3A_297 : vector<16xi32>, vector<16xi1> -> vector<16xi32>
      %reduce_max3A_302 = arith.xori %reduce_max3A_301, %reduce_max3A_299 : vector<16xi32>
      %reduce_max3A_303 = vector.extract %reduce_max3A_302[15] : i32 from vector<16xi32>
      %max3A_304 = arith.maxsi %scan3A_231, %reduce_max3A_303 : i32
      %reduce_max3A_305 = arith.constant true
      %reduce_max3A_306 = vector.broadcast %reduce_max3A_305 : i1 to vector<16xi1>
      %reduce_max3A_307 = arith.constant -2147483648 : i32
      %reduce_max3A_308 = vector.broadcast %reduce_max3A_307 : i32 to vector<16xi32>
      %reduce_max3A_309 = arith.xori %add3A_286, %reduce_max3A_308 : vector<16xi32>
      %reduce_max3A_310 = tpu.scan <max>, %reduce_max3A_309 masked %reduce_max3A_306 : vector<16xi32>, vector<16xi1> -> vector<16xi32>
      %reduce_max3A_311 = arith.xori %reduce_max3A_310, %reduce_max3A_308 : vector<16xi32>
      %reduce_max3A_312 = vector.extract %reduce_max3A_311[15] : i32 from vector<16xi32>
      %mul3A_313 = arith.constant 16 : i32
      %mul3A_314 = arith.muli %scan3A_225, %mul3A_313 : i32
      %add3A_315 = arith.constant 4096 : i32
      %add3A_316 = arith.addi %add3A_315, %mul3A_314 : i32
      %get3A_317 = arith.index_cast %add3A_316 : i32 to index
      %get3A_318 = tpu.vector_load %arg8[%get3A_317] {strides = array<i32>} : memref<6144xi32, #tpu.memory_space<vmem>>, vector<16xi32>,
      %get3A_319 = arith.index_cast %add3A_316 : i32 to index
      %get3A_320 = tpu.vector_load %arg7[%get3A_319] {strides = array<i32>} : memref<98304xi32, #tpu.memory_space<vmem>>, vector<16xi32>,
      %add3A_321 = arith.addi %get3A_318, %get3A_320 : vector<16xi32>
      %broadcast_in_dim3A_322 = arith.constant true
      %broadcast_in_dim3A_323 = vector.broadcast %broadcast_in_dim3A_322 : i1 to vector<16xi1>
      %masked_cumsum3A_324 = tpu.scan <sum>, %add3A_321 masked %broadcast_in_dim3A_323 : vector<16xi32>, vector<16xi1> -> vector<16xi32>
      %add3A_325 = vector.broadcast %scan3A_232 : i32 to vector<16xi32>
      %add3A_326 = arith.addi %masked_cumsum3A_324, %add3A_325 : vector<16xi32>
      %lt3A_327 = vector.broadcast %sub3A_76 : i32 to vector<16xi32>
      %lt3A_328 = arith.cmpi slt, %add3A_326, %lt3A_327 : vector<16xi32>
      %select_n3A_329 = arith.select %lt3A_328, %broadcast_in_dim3A_4, %broadcast_in_dim3A_6 : vector<16xi1>, vector<16xi32>
      %reduce_sum3A_330 = arith.constant true
      %reduce_sum3A_331 = vector.broadcast %reduce_sum3A_330 : i1 to vector<16xi1>
      %reduce_sum3A_332 = tpu.scan <sum>, %select_n3A_329 masked %reduce_sum3A_331 : vector<16xi32>, vector<16xi1> -> vector<16xi32>
      %reduce_sum3A_333 = vector.extract %reduce_sum3A_332[15] : i32 from vector<16xi32>
      %add3A_334 = arith.addi %scan3A_233, %reduce_sum3A_333 : i32
      %select_n3A_335 = arith.select %lt3A_328, %add3A_326, %broadcast_in_dim3A_6 : vector<16xi1>, vector<16xi32>
      %reduce_max3A_336 = arith.constant true
      %reduce_max3A_337 = vector.broadcast %reduce_max3A_336 : i1 to vector<16xi1>
      %reduce_max3A_338 = arith.constant -2147483648 : i32
      %reduce_max3A_339 = vector.broadcast %reduce_max3A_338 : i32 to vector<16xi32>
      %reduce_max3A_340 = arith.xori %select_n3A_335, %reduce_max3A_339 : vector<16xi32>
      %reduce_max3A_341 = tpu.scan <max>, %reduce_max3A_340 masked %reduce_max3A_337 : vector<16xi32>, vector<16xi1> -> vector<16xi32>
      %reduce_max3A_342 = arith.xori %reduce_max3A_341, %reduce_max3A_339 : vector<16xi32>
      %reduce_max3A_343 = vector.extract %reduce_max3A_342[15] : i32 from vector<16xi32>
      %max3A_344 = arith.maxsi %scan3A_234, %reduce_max3A_343 : i32
      %reduce_max3A_345 = arith.constant true
      %reduce_max3A_346 = vector.broadcast %reduce_max3A_345 : i1 to vector<16xi1>
      %reduce_max3A_347 = arith.constant -2147483648 : i32
      %reduce_max3A_348 = vector.broadcast %reduce_max3A_347 : i32 to vector<16xi32>
      %reduce_max3A_349 = arith.xori %add3A_326, %reduce_max3A_348 : vector<16xi32>
      %reduce_max3A_350 = tpu.scan <max>, %reduce_max3A_349 masked %reduce_max3A_346 : vector<16xi32>, vector<16xi1> -> vector<16xi32>
      %reduce_max3A_351 = arith.xori %reduce_max3A_350, %reduce_max3A_348 : vector<16xi32>
      %reduce_max3A_352 = vector.extract %reduce_max3A_351[15] : i32 from vector<16xi32>
      scf.yield %reduce_max3A_272, %add3A_254, %max3A_264, %reduce_max3A_312, %add3A_294, %max3A_304, %reduce_max3A_352, %add3A_334, %max3A_344 : i32, i32, i32, i32, i32, i32, i32, i32, i32
    }
    %scan3A_118 = arith.constant 128 : i32
    %sub3A_119 = arith.subi %sub3A_72, %scan3A_117#2 : i32
    %sub3A_120 = arith.subi %sub3A_74, %scan3A_117#5 : i32
    %sub3A_121 = arith.subi %sub3A_76, %scan3A_117#8 : i32
    %shift_left3A = arith.constant 11 : i32
    %shift_left3A_122 = arith.shli %scan3A_70#1, %shift_left3A : i32
    %or3A = arith.ori %shift_left3A_122, %scan3A_117#1 : i32
    %shift_left3A_123 = arith.constant 11 : i32
    %shift_left3A_124 = arith.shli %scan3A_70#3, %shift_left3A_123 : i32
    %or3A_125 = arith.ori %shift_left3A_124, %scan3A_117#4 : i32
    %shift_left3A_126 = arith.constant 11 : i32
    %shift_left3A_127 = arith.shli %scan3A_70#5, %shift_left3A_126 : i32
    %or3A_128 = arith.ori %shift_left3A_127, %scan3A_117#7 : i32
    %parallel_loop3A_129 = arith.constant 0 : i32
    %parallel_loop3A_130 = arith.constant 16384 : i32
    %parallel_loop3A_131 = arith.constant 16 : i32
    "tpu.trace_start"() <{level = 10 : i32, message = "z3"}> : () -> ()
    scf.for %parallel_loop3A_225 = %parallel_loop3A_129 to %parallel_loop3A_130 step %parallel_loop3A_131  : i32 {
      %parallel_loop3A_226 = arith.constant 10 : i32
      %parallel_loop3A_227 = arith.shrsi %parallel_loop3A_225, %parallel_loop3A_226 : i32
      %parallel_loop3A_228 = arith.constant 6144 : i32
      %parallel_loop3A_229 = arith.muli %parallel_loop3A_227, %parallel_loop3A_228 : i32
      %parallel_loop3A_230 = arith.constant 1023 : i32
      %parallel_loop3A_231 = arith.andi %parallel_loop3A_225, %parallel_loop3A_230 : i32
      %parallel_loop3A_232 = arith.addi %parallel_loop3A_229, %parallel_loop3A_231 : i32
      %parallel_loop3A_233 = arith.index_cast %parallel_loop3A_232 : i32 to index
      %parallel_loop3A_234 = tpu.vector_load %arg7[%parallel_loop3A_233] {strides = array<i32>} : memref<98304xi32, #tpu.memory_space<vmem>>, vector<16xi32>,
      tpu.vector_store %arg7[%parallel_loop3A_233], %broadcast_in_dim3A_6 {strides = array<i32>} : memref<98304xi32, #tpu.memory_space<vmem>>, vector<16xi32>,
    } {sc.loop_unroll_factor = 8 : i64, sc.parallel_access}
    "tpu.trace_stop"() : () -> ()
    "tpu.trace_start"() <{level = 10 : i32, message = "p3"}> : () -> ()
    %add3A_132 = arith.constant 0 : i32
    %add3A_133 = arith.addi %mul3A_11, %add3A_132 : i32
    %lt3A_134 = arith.constant 8 : i32
    %lt3A_135 = arith.cmpi slt, %add3A, %lt3A_134 : i32
    %convert_element_type3A_136 = arith.extui %lt3A_135 : i1 to i32
    %cond3A_137 = arith.constant 0 : i32
    %cond3A_138 = arith.cmpi ne, %convert_element_type3A_136, %cond3A_137 : i32
    scf.if %cond3A_138 {
      %dma_start3A = tpu.memref_slice %arg2[%add3A, %add3A_133] : memref<8x262144xf32, #tpu.memory_space<hbm>> -> memref<1x8192xf32, #tpu.memory_space<hbm>>
      %dma_start3A_225 = tpu.memref_squeeze %dma_start3A : memref<1x8192xf32, #tpu.memory_space<hbm>> -> memref<8192xf32, #tpu.memory_space<hbm>>
      %dma_start3A_226 = tpu.memref_slice %arg2[%add3A, %add3A_133] : memref<8x262144xf32, #tpu.memory_space<hbm>> -> memref<1x8192xf32, #tpu.memory_space<hbm>>
      %dma_start3A_227 = tpu.memref_squeeze %dma_start3A_226 : memref<1x8192xf32, #tpu.memory_space<hbm>> -> memref<8192xf32, #tpu.memory_space<hbm>>
      tpu.enqueue_dma source(%dma_start3A_227 : memref<8192xf32, #tpu.memory_space<hbm>>) target(%arg5 : memref<8192xf32, #tpu.memory_space<vmem>>) target_semaphore(%arg11 : memref<!tpu.dma_semaphore, #tpu.memory_space<semaphore_mem>>)
    } else {
    }
    %ge3A_139 = arith.constant 8 : i32
    %ge3A_140 = arith.cmpi sge, %add3A, %ge3A_139 : i32
    %convert_element_type3A_141 = arith.extui %ge3A_140 : i1 to i32
    %cond3A_142 = arith.constant 0 : i32
    %cond3A_143 = arith.cmpi ne, %convert_element_type3A_141, %cond3A_142 : i32
    scf.if %cond3A_143 {
      %sub3A_225 = arith.constant 8 : i32
      %sub3A_226 = arith.subi %add3A, %sub3A_225 : i32
      %dma_start3A = tpu.memref_slice %arg3[%sub3A_226, %add3A_133] : memref<8x262144xf32, #tpu.memory_space<hbm>> -> memref<1x8192xf32, #tpu.memory_space<hbm>>
      %dma_start3A_227 = tpu.memref_squeeze %dma_start3A : memref<1x8192xf32, #tpu.memory_space<hbm>> -> memref<8192xf32, #tpu.memory_space<hbm>>
      %dma_start3A_228 = tpu.memref_slice %arg3[%sub3A_226, %add3A_133] : memref<8x262144xf32, #tpu.memory_space<hbm>> -> memref<1x8192xf32, #tpu.memory_space<hbm>>
      %dma_start3A_229 = tpu.memref_squeeze %dma_start3A_228 : memref<1x8192xf32, #tpu.memory_space<hbm>> -> memref<8192xf32, #tpu.memory_space<hbm>>
      tpu.enqueue_dma source(%dma_start3A_229 : memref<8192xf32, #tpu.memory_space<hbm>>) target(%arg5 : memref<8192xf32, #tpu.memory_space<vmem>>) target_semaphore(%arg11 : memref<!tpu.dma_semaphore, #tpu.memory_space<semaphore_mem>>)
    } else {
    }
    %scan3A_144 = arith.constant 0 : i32
    %scan3A_145 = arith.constant 0 : i32
    %scan3A_146 = arith.constant 8 : i32
    %scan3A_147 = arith.addi %scan3A_145, %scan3A_146 : i32
    %scan3A_148 = arith.constant 1 : i32
    %scan3A_149 = scf.for %scan3A_225 = %scan3A_145 to %scan3A_147 step %scan3A_148 iter_args(%scan3A_226 = %scan3A_144) -> (i32)  : i32 {
      %mul3A_227 = arith.constant 2 : i32
      %mul3A_228 = arith.muli %mul3A_227, %scan3A_225 : i32
      %dma_wait3A = arith.constant 0 : i32
      %dma_wait3A_229 = arith.constant 0 : i32
      %dma_wait3A_230 = tpu.memref_slice %arg2[%dma_wait3A, %dma_wait3A_229] : memref<8x262144xf32, #tpu.memory_space<hbm>> -> memref<1x8192xf32, #tpu.memory_space<hbm>>
      %dma_wait3A_231 = tpu.memref_squeeze %dma_wait3A_230 : memref<1x8192xf32, #tpu.memory_space<hbm>> -> memref<8192xf32, #tpu.memory_space<hbm>>
      %dma_wait3A_232 = arith.constant 0 : i32
      %dma_wait3A_233 = tpu.memref_slice %arg2[%dma_wait3A, %dma_wait3A_232] : memref<8x262144xf32, #tpu.memory_space<hbm>> -> memref<1x8192xf32, #tpu.memory_space<hbm>>
      %dma_wait3A_234 = tpu.memref_squeeze %dma_wait3A_233 : memref<1x8192xf32, #tpu.memory_space<hbm>> -> memref<8192xf32, #tpu.memory_space<hbm>>
      tpu.wait_dma2 semaphore(%arg11 : memref<!tpu.dma_semaphore, #tpu.memory_space<semaphore_mem>>) src(%dma_wait3A_234 : memref<8192xf32, #tpu.memory_space<hbm>>) dst(%arg5 : memref<8192xf32, #tpu.memory_space<vmem>>)
      %add3A_235 = arith.constant 1 : i32
      %add3A_236 = arith.addi %mul3A_228, %add3A_235 : i32
      %mul3A_237 = arith.constant 8192 : i32
      %mul3A_238 = arith.muli %add3A_236, %mul3A_237 : i32
      %add3A_239 = arith.addi %mul3A_11, %mul3A_238 : i32
      %lt3A_240 = arith.constant 8 : i32
      %lt3A_241 = arith.cmpi slt, %add3A, %lt3A_240 : i32
      %convert_element_type3A_242 = arith.extui %lt3A_241 : i1 to i32
      %cond3A_243 = arith.constant 0 : i32
      %cond3A_244 = arith.cmpi ne, %convert_element_type3A_242, %cond3A_243 : i32
      scf.if %cond3A_244 {
        %dma_start3A = tpu.memref_slice %arg2[%add3A, %add3A_239] : memref<8x262144xf32, #tpu.memory_space<hbm>> -> memref<1x8192xf32, #tpu.memory_space<hbm>>
        %dma_start3A_272 = tpu.memref_squeeze %dma_start3A : memref<1x8192xf32, #tpu.memory_space<hbm>> -> memref<8192xf32, #tpu.memory_space<hbm>>
        %dma_start3A_273 = tpu.memref_slice %arg2[%add3A, %add3A_239] : memref<8x262144xf32, #tpu.memory_space<hbm>> -> memref<1x8192xf32, #tpu.memory_space<hbm>>
        %dma_start3A_274 = tpu.memref_squeeze %dma_start3A_273 : memref<1x8192xf32, #tpu.memory_space<hbm>> -> memref<8192xf32, #tpu.memory_space<hbm>>
        tpu.enqueue_dma source(%dma_start3A_274 : memref<8192xf32, #tpu.memory_space<hbm>>) target(%arg6 : memref<8192xf32, #tpu.memory_space<vmem>>) target_semaphore(%arg12 : memref<!tpu.dma_semaphore, #tpu.memory_space<semaphore_mem>>)
      } else {
      }
      %ge3A_245 = arith.constant 8 : i32
      %ge3A_246 = arith.cmpi sge, %add3A, %ge3A_245 : i32
      %convert_element_type3A_247 = arith.extui %ge3A_246 : i1 to i32
      %cond3A_248 = arith.constant 0 : i32
      %cond3A_249 = arith.cmpi ne, %convert_element_type3A_247, %cond3A_248 : i32
      scf.if %cond3A_249 {
        %sub3A_272 = arith.constant 8 : i32
        %sub3A_273 = arith.subi %add3A, %sub3A_272 : i32
        %dma_start3A = tpu.memref_slice %arg3[%sub3A_273, %add3A_239] : memref<8x262144xf32, #tpu.memory_space<hbm>> -> memref<1x8192xf32, #tpu.memory_space<hbm>>
        %dma_start3A_274 = tpu.memref_squeeze %dma_start3A : memref<1x8192xf32, #tpu.memory_space<hbm>> -> memref<8192xf32, #tpu.memory_space<hbm>>
        %dma_start3A_275 = tpu.memref_slice %arg3[%sub3A_273, %add3A_239] : memref<8x262144xf32, #tpu.memory_space<hbm>> -> memref<1x8192xf32, #tpu.memory_space<hbm>>
        %dma_start3A_276 = tpu.memref_squeeze %dma_start3A_275 : memref<1x8192xf32, #tpu.memory_space<hbm>> -> memref<8192xf32, #tpu.memory_space<hbm>>
        tpu.enqueue_dma source(%dma_start3A_276 : memref<8192xf32, #tpu.memory_space<hbm>>) target(%arg6 : memref<8192xf32, #tpu.memory_space<vmem>>) target_semaphore(%arg12 : memref<!tpu.dma_semaphore, #tpu.memory_space<semaphore_mem>>)
      } else {
      }
      %parallel_loop3A_250 = arith.constant 0 : i32
      %parallel_loop3A_251 = arith.constant 8192 : i32
      %parallel_loop3A_252 = arith.constant 16 : i32
      %parallel_loop3A_253 = scf.for %parallel_loop3A_272 = %parallel_loop3A_250 to %parallel_loop3A_251 step %parallel_loop3A_252 iter_args(%parallel_loop3A_273 = %scan3A_226) -> (i32)  : i32 {
        %parallel_loop3A_274 = arith.index_cast %parallel_loop3A_272 : i32 to index
        %parallel_loop3A_275 = tpu.vector_load %arg5[%parallel_loop3A_274] {strides = array<i32>} : memref<8192xf32, #tpu.memory_space<vmem>>, vector<16xf32>,
        %parallel_loop3A_276 = tpu.bitcast %parallel_loop3A_275 : vector<16xf32> -> vector<16xi32>
        %parallel_loop3A_277 = arith.constant 8 : i32
        %parallel_loop3A_278 = vector.broadcast %parallel_loop3A_277 : i32 to vector<16xi32>
        %parallel_loop3A_279 = arith.shrsi %parallel_loop3A_276, %parallel_loop3A_278 : vector<16xi32>
        %parallel_loop3A_280 = arith.constant 255 : i32
        %parallel_loop3A_281 = vector.broadcast %parallel_loop3A_280 : i32 to vector<16xi32>
        %parallel_loop3A_282 = arith.andi %parallel_loop3A_276, %parallel_loop3A_281 : vector<16xi32>
        %parallel_loop3A_283 = arith.addi %mul3A_9, %parallel_loop3A_282 : vector<16xi32>
        %parallel_loop3A_284 = vector.broadcast %or3A : i32 to vector<16xi32>
        %parallel_loop3A_285 = arith.cmpi eq, %parallel_loop3A_279, %parallel_loop3A_284 : vector<16xi32>
        tpu.vector_store_idx %arg7[%parallel_loop3A_283], %broadcast_in_dim3A_4 masked %parallel_loop3A_285 {add = true} : memref<98304xi32, #tpu.memory_space<vmem>>[vector<16xi32>], vector<16xi32>, vector<16xi1>
        %parallel_loop3A_286 = arith.constant 256 : i32
        %parallel_loop3A_287 = vector.broadcast %parallel_loop3A_286 : i32 to vector<16xi32>
        %parallel_loop3A_288 = arith.addi %parallel_loop3A_283, %parallel_loop3A_287 : vector<16xi32>
        %parallel_loop3A_289 = vector.broadcast %or3A_125 : i32 to vector<16xi32>
        %parallel_loop3A_290 = arith.cmpi eq, %parallel_loop3A_279, %parallel_loop3A_289 : vector<16xi32>
        tpu.vector_store_idx %arg7[%parallel_loop3A_288], %broadcast_in_dim3A_4 masked %parallel_loop3A_290 {add = true} : memref<98304xi32, #tpu.memory_space<vmem>>[vector<16xi32>], vector<16xi32>, vector<16xi1>
        %parallel_loop3A_291 = arith.constant 512 : i32
        %parallel_loop3A_292 = vector.broadcast %parallel_loop3A_291 : i32 to vector<16xi32>
        %parallel_loop3A_293 = arith.addi %parallel_loop3A_283, %parallel_loop3A_292 : vector<16xi32>
        %parallel_loop3A_294 = vector.broadcast %or3A_128 : i32 to vector<16xi32>
        %parallel_loop3A_295 = arith.cmpi eq, %parallel_loop3A_279, %parallel_loop3A_294 : vector<16xi32>
        tpu.vector_store_idx %arg7[%parallel_loop3A_293], %broadcast_in_dim3A_4 masked %parallel_loop3A_295 {add = true} : memref<98304xi32, #tpu.memory_space<vmem>>[vector<16xi32>], vector<16xi32>, vector<16xi1>
        scf.yield %parallel_loop3A_273 : i32
      } {sc.loop_unroll_factor = 8 : i64, sc.parallel_access}
      %dma_wait3A_254 = arith.constant 0 : i32
      %dma_wait3A_255 = arith.constant 0 : i32
      %dma_wait3A_256 = tpu.memref_slice %arg2[%dma_wait3A_254, %dma_wait3A_255] : memref<8x262144xf32, #tpu.memory_space<hbm>> -> memref<1x8192xf32, #tpu.memory_space<hbm>>
      %dma_wait3A_257 = tpu.memref_squeeze %dma_wait3A_256 : memref<1x8192xf32, #tpu.memory_space<hbm>> -> memref<8192xf32, #tpu.memory_space<hbm>>
      %dma_wait3A_258 = arith.constant 0 : i32
      %dma_wait3A_259 = tpu.memref_slice %arg2[%dma_wait3A_254, %dma_wait3A_258] : memref<8x262144xf32, #tpu.memory_space<hbm>> -> memref<1x8192xf32, #tpu.memory_space<hbm>>
      %dma_wait3A_260 = tpu.memref_squeeze %dma_wait3A_259 : memref<1x8192xf32, #tpu.memory_space<hbm>> -> memref<8192xf32, #tpu.memory_space<hbm>>
      tpu.wait_dma2 semaphore(%arg12 : memref<!tpu.dma_semaphore, #tpu.memory_space<semaphore_mem>>) src(%dma_wait3A_260 : memref<8192xf32, #tpu.memory_space<hbm>>) dst(%arg6 : memref<8192xf32, #tpu.memory_space<vmem>>)
      %add3A_261 = arith.constant 2 : i32
      %add3A_262 = arith.addi %mul3A_228, %add3A_261 : i32
      %lt3A_263 = arith.constant 16 : i32
      %lt3A_264 = arith.cmpi slt, %add3A_262, %lt3A_263 : i32
      %convert_element_type3A_265 = arith.extui %lt3A_264 : i1 to i32
      %cond3A_266 = arith.constant 0 : i32
      %cond3A_267 = arith.cmpi ne, %convert_element_type3A_265, %cond3A_266 : i32
      scf.if %cond3A_267 {
        %add3A_272 = arith.constant 2 : i32
        %add3A_273 = arith.addi %mul3A_228, %add3A_272 : i32
        %mul3A_274 = arith.constant 8192 : i32
        %mul3A_275 = arith.muli %add3A_273, %mul3A_274 : i32
        %add3A_276 = arith.addi %mul3A_11, %mul3A_275 : i32
        %lt3A_277 = arith.constant 8 : i32
        %lt3A_278 = arith.cmpi slt, %add3A, %lt3A_277 : i32
        %convert_element_type3A_279 = arith.extui %lt3A_278 : i1 to i32
        %cond3A_280 = arith.constant 0 : i32
        %cond3A_281 = arith.cmpi ne, %convert_element_type3A_279, %cond3A_280 : i32
        scf.if %cond3A_281 {
          %dma_start3A = tpu.memref_slice %arg2[%add3A, %add3A_276] : memref<8x262144xf32, #tpu.memory_space<hbm>> -> memref<1x8192xf32, #tpu.memory_space<hbm>>
          %dma_start3A_287 = tpu.memref_squeeze %dma_start3A : memref<1x8192xf32, #tpu.memory_space<hbm>> -> memref<8192xf32, #tpu.memory_space<hbm>>
          %dma_start3A_288 = tpu.memref_slice %arg2[%add3A, %add3A_276] : memref<8x262144xf32, #tpu.memory_space<hbm>> -> memref<1x8192xf32, #tpu.memory_space<hbm>>
          %dma_start3A_289 = tpu.memref_squeeze %dma_start3A_288 : memref<1x8192xf32, #tpu.memory_space<hbm>> -> memref<8192xf32, #tpu.memory_space<hbm>>
          tpu.enqueue_dma source(%dma_start3A_289 : memref<8192xf32, #tpu.memory_space<hbm>>) target(%arg5 : memref<8192xf32, #tpu.memory_space<vmem>>) target_semaphore(%arg11 : memref<!tpu.dma_semaphore, #tpu.memory_space<semaphore_mem>>)
        } else {
        }
        %ge3A_282 = arith.constant 8 : i32
        %ge3A_283 = arith.cmpi sge, %add3A, %ge3A_282 : i32
        %convert_element_type3A_284 = arith.extui %ge3A_283 : i1 to i32
        %cond3A_285 = arith.constant 0 : i32
        %cond3A_286 = arith.cmpi ne, %convert_element_type3A_284, %cond3A_285 : i32
        scf.if %cond3A_286 {
          %sub3A_287 = arith.constant 8 : i32
          %sub3A_288 = arith.subi %add3A, %sub3A_287 : i32
          %dma_start3A = tpu.memref_slice %arg3[%sub3A_288, %add3A_276] : memref<8x262144xf32, #tpu.memory_space<hbm>> -> memref<1x8192xf32, #tpu.memory_space<hbm>>
          %dma_start3A_289 = tpu.memref_squeeze %dma_start3A : memref<1x8192xf32, #tpu.memory_space<hbm>> -> memref<8192xf32, #tpu.memory_space<hbm>>
          %dma_start3A_290 = tpu.memref_slice %arg3[%sub3A_288, %add3A_276] : memref<8x262144xf32, #tpu.memory_space<hbm>> -> memref<1x8192xf32, #tpu.memory_space<hbm>>
          %dma_start3A_291 = tpu.memref_squeeze %dma_start3A_290 : memref<1x8192xf32, #tpu.memory_space<hbm>> -> memref<8192xf32, #tpu.memory_space<hbm>>
          tpu.enqueue_dma source(%dma_start3A_291 : memref<8192xf32, #tpu.memory_space<hbm>>) target(%arg5 : memref<8192xf32, #tpu.memory_space<vmem>>) target_semaphore(%arg11 : memref<!tpu.dma_semaphore, #tpu.memory_space<semaphore_mem>>)
        } else {
        }
      } else {
      }
      %parallel_loop3A_268 = arith.constant 0 : i32
      %parallel_loop3A_269 = arith.constant 8192 : i32
      %parallel_loop3A_270 = arith.constant 16 : i32
      %parallel_loop3A_271 = scf.for %parallel_loop3A_272 = %parallel_loop3A_268 to %parallel_loop3A_269 step %parallel_loop3A_270 iter_args(%parallel_loop3A_273 = %parallel_loop3A_253) -> (i32)  : i32 {
        %parallel_loop3A_274 = arith.index_cast %parallel_loop3A_272 : i32 to index
        %parallel_loop3A_275 = tpu.vector_load %arg6[%parallel_loop3A_274] {strides = array<i32>} : memref<8192xf32, #tpu.memory_space<vmem>>, vector<16xf32>,
        %parallel_loop3A_276 = tpu.bitcast %parallel_loop3A_275 : vector<16xf32> -> vector<16xi32>
        %parallel_loop3A_277 = arith.constant 8 : i32
        %parallel_loop3A_278 = vector.broadcast %parallel_loop3A_277 : i32 to vector<16xi32>
        %parallel_loop3A_279 = arith.shrsi %parallel_loop3A_276, %parallel_loop3A_278 : vector<16xi32>
        %parallel_loop3A_280 = arith.constant 255 : i32
        %parallel_loop3A_281 = vector.broadcast %parallel_loop3A_280 : i32 to vector<16xi32>
        %parallel_loop3A_282 = arith.andi %parallel_loop3A_276, %parallel_loop3A_281 : vector<16xi32>
        %parallel_loop3A_283 = arith.addi %mul3A_9, %parallel_loop3A_282 : vector<16xi32>
        %parallel_loop3A_284 = vector.broadcast %or3A : i32 to vector<16xi32>
        %parallel_loop3A_285 = arith.cmpi eq, %parallel_loop3A_279, %parallel_loop3A_284 : vector<16xi32>
        tpu.vector_store_idx %arg7[%parallel_loop3A_283], %broadcast_in_dim3A_4 masked %parallel_loop3A_285 {add = true} : memref<98304xi32, #tpu.memory_space<vmem>>[vector<16xi32>], vector<16xi32>, vector<16xi1>
        %parallel_loop3A_286 = arith.constant 256 : i32
        %parallel_loop3A_287 = vector.broadcast %parallel_loop3A_286 : i32 to vector<16xi32>
        %parallel_loop3A_288 = arith.addi %parallel_loop3A_283, %parallel_loop3A_287 : vector<16xi32>
        %parallel_loop3A_289 = vector.broadcast %or3A_125 : i32 to vector<16xi32>
        %parallel_loop3A_290 = arith.cmpi eq, %parallel_loop3A_279, %parallel_loop3A_289 : vector<16xi32>
        tpu.vector_store_idx %arg7[%parallel_loop3A_288], %broadcast_in_dim3A_4 masked %parallel_loop3A_290 {add = true} : memref<98304xi32, #tpu.memory_space<vmem>>[vector<16xi32>], vector<16xi32>, vector<16xi1>
        %parallel_loop3A_291 = arith.constant 512 : i32
        %parallel_loop3A_292 = vector.broadcast %parallel_loop3A_291 : i32 to vector<16xi32>
        %parallel_loop3A_293 = arith.addi %parallel_loop3A_283, %parallel_loop3A_292 : vector<16xi32>
        %parallel_loop3A_294 = vector.broadcast %or3A_128 : i32 to vector<16xi32>
        %parallel_loop3A_295 = arith.cmpi eq, %parallel_loop3A_279, %parallel_loop3A_294 : vector<16xi32>
        tpu.vector_store_idx %arg7[%parallel_loop3A_293], %broadcast_in_dim3A_4 masked %parallel_loop3A_295 {add = true} : memref<98304xi32, #tpu.memory_space<vmem>>[vector<16xi32>], vector<16xi32>, vector<16xi1>
        scf.yield %parallel_loop3A_273 : i32
      } {sc.loop_unroll_factor = 8 : i64, sc.parallel_access}
      scf.yield %parallel_loop3A_271 : i32
    }
    %scan3A_150 = arith.constant 8 : i32
    %parallel_loop3A_151 = arith.constant 0 : i32
    %parallel_loop3A_152 = arith.constant 768 : i32
    %parallel_loop3A_153 = arith.constant 16 : i32
    "tpu.trace_stop"() : () -> ()
    "tpu.trace_start"() <{level = 10 : i32, message = "m3"}> : () -> ()
    scf.for %parallel_loop3A_225 = %parallel_loop3A_151 to %parallel_loop3A_152 step %parallel_loop3A_153  : i32 {
      %parallel_loop3A_226 = arith.constant 0 : i32
      %parallel_loop3A_227 = arith.addi %parallel_loop3A_226, %parallel_loop3A_225 : i32
      %parallel_loop3A_228 = arith.index_cast %parallel_loop3A_227 : i32 to index
      %parallel_loop3A_229 = tpu.vector_load %arg7[%parallel_loop3A_228] {strides = array<i32>} : memref<98304xi32, #tpu.memory_space<vmem>>, vector<16xi32>,
      %parallel_loop3A_230 = arith.addi %broadcast_in_dim3A_6, %parallel_loop3A_229 : vector<16xi32>
      %parallel_loop3A_231 = arith.constant 6144 : i32
      %parallel_loop3A_232 = arith.addi %parallel_loop3A_231, %parallel_loop3A_225 : i32
      %parallel_loop3A_233 = arith.index_cast %parallel_loop3A_232 : i32 to index
      %parallel_loop3A_234 = tpu.vector_load %arg7[%parallel_loop3A_233] {strides = array<i32>} : memref<98304xi32, #tpu.memory_space<vmem>>, vector<16xi32>,
      %parallel_loop3A_235 = arith.addi %parallel_loop3A_230, %parallel_loop3A_234 : vector<16xi32>
      %parallel_loop3A_236 = arith.constant 12288 : i32
      %parallel_loop3A_237 = arith.addi %parallel_loop3A_236, %parallel_loop3A_225 : i32
      %parallel_loop3A_238 = arith.index_cast %parallel_loop3A_237 : i32 to index
      %parallel_loop3A_239 = tpu.vector_load %arg7[%parallel_loop3A_238] {strides = array<i32>} : memref<98304xi32, #tpu.memory_space<vmem>>, vector<16xi32>,
      %parallel_loop3A_240 = arith.addi %parallel_loop3A_235, %parallel_loop3A_239 : vector<16xi32>
      %parallel_loop3A_241 = arith.constant 18432 : i32
      %parallel_loop3A_242 = arith.addi %parallel_loop3A_241, %parallel_loop3A_225 : i32
      %parallel_loop3A_243 = arith.index_cast %parallel_loop3A_242 : i32 to index
      %parallel_loop3A_244 = tpu.vector_load %arg7[%parallel_loop3A_243] {strides = array<i32>} : memref<98304xi32, #tpu.memory_space<vmem>>, vector<16xi32>,
      %parallel_loop3A_245 = arith.addi %parallel_loop3A_240, %parallel_loop3A_244 : vector<16xi32>
      %parallel_loop3A_246 = arith.constant 24576 : i32
      %parallel_loop3A_247 = arith.addi %parallel_loop3A_246, %parallel_loop3A_225 : i32
      %parallel_loop3A_248 = arith.index_cast %parallel_loop3A_247 : i32 to index
      %parallel_loop3A_249 = tpu.vector_load %arg7[%parallel_loop3A_248] {strides = array<i32>} : memref<98304xi32, #tpu.memory_space<vmem>>, vector<16xi32>,
      %parallel_loop3A_250 = arith.addi %parallel_loop3A_245, %parallel_loop3A_249 : vector<16xi32>
      %parallel_loop3A_251 = arith.constant 30720 : i32
      %parallel_loop3A_252 = arith.addi %parallel_loop3A_251, %parallel_loop3A_225 : i32
      %parallel_loop3A_253 = arith.index_cast %parallel_loop3A_252 : i32 to index
      %parallel_loop3A_254 = tpu.vector_load %arg7[%parallel_loop3A_253] {strides = array<i32>} : memref<98304xi32, #tpu.memory_space<vmem>>, vector<16xi32>,
      %parallel_loop3A_255 = arith.addi %parallel_loop3A_250, %parallel_loop3A_254 : vector<16xi32>
      %parallel_loop3A_256 = arith.constant 36864 : i32
      %parallel_loop3A_257 = arith.addi %parallel_loop3A_256, %parallel_loop3A_225 : i32
      %parallel_loop3A_258 = arith.index_cast %parallel_loop3A_257 : i32 to index
      %parallel_loop3A_259 = tpu.vector_load %arg7[%parallel_loop3A_258] {strides = array<i32>} : memref<98304xi32, #tpu.memory_space<vmem>>, vector<16xi32>,
      %parallel_loop3A_260 = arith.addi %parallel_loop3A_255, %parallel_loop3A_259 : vector<16xi32>
      %parallel_loop3A_261 = arith.constant 43008 : i32
      %parallel_loop3A_262 = arith.addi %parallel_loop3A_261, %parallel_loop3A_225 : i32
      %parallel_loop3A_263 = arith.index_cast %parallel_loop3A_262 : i32 to index
      %parallel_loop3A_264 = tpu.vector_load %arg7[%parallel_loop3A_263] {strides = array<i32>} : memref<98304xi32, #tpu.memory_space<vmem>>, vector<16xi32>,
      %parallel_loop3A_265 = arith.addi %parallel_loop3A_260, %parallel_loop3A_264 : vector<16xi32>
      %parallel_loop3A_266 = arith.constant 49152 : i32
      %parallel_loop3A_267 = arith.addi %parallel_loop3A_266, %parallel_loop3A_225 : i32
      %parallel_loop3A_268 = arith.index_cast %parallel_loop3A_267 : i32 to index
      %parallel_loop3A_269 = tpu.vector_load %arg7[%parallel_loop3A_268] {strides = array<i32>} : memref<98304xi32, #tpu.memory_space<vmem>>, vector<16xi32>,
      %parallel_loop3A_270 = arith.addi %parallel_loop3A_265, %parallel_loop3A_269 : vector<16xi32>
      %parallel_loop3A_271 = arith.constant 55296 : i32
      %parallel_loop3A_272 = arith.addi %parallel_loop3A_271, %parallel_loop3A_225 : i32
      %parallel_loop3A_273 = arith.index_cast %parallel_loop3A_272 : i32 to index
      %parallel_loop3A_274 = tpu.vector_load %arg7[%parallel_loop3A_273] {strides = array<i32>} : memref<98304xi32, #tpu.memory_space<vmem>>, vector<16xi32>,
      %parallel_loop3A_275 = arith.addi %parallel_loop3A_270, %parallel_loop3A_274 : vector<16xi32>
      %parallel_loop3A_276 = arith.constant 61440 : i32
      %parallel_loop3A_277 = arith.addi %parallel_loop3A_276, %parallel_loop3A_225 : i32
      %parallel_loop3A_278 = arith.index_cast %parallel_loop3A_277 : i32 to index
      %parallel_loop3A_279 = tpu.vector_load %arg7[%parallel_loop3A_278] {strides = array<i32>} : memref<98304xi32, #tpu.memory_space<vmem>>, vector<16xi32>,
      %parallel_loop3A_280 = arith.addi %parallel_loop3A_275, %parallel_loop3A_279 : vector<16xi32>
      %parallel_loop3A_281 = arith.constant 67584 : i32
      %parallel_loop3A_282 = arith.addi %parallel_loop3A_281, %parallel_loop3A_225 : i32
      %parallel_loop3A_283 = arith.index_cast %parallel_loop3A_282 : i32 to index
      %parallel_loop3A_284 = tpu.vector_load %arg7[%parallel_loop3A_283] {strides = array<i32>} : memref<98304xi32, #tpu.memory_space<vmem>>, vector<16xi32>,
      %parallel_loop3A_285 = arith.addi %parallel_loop3A_280, %parallel_loop3A_284 : vector<16xi32>
      %parallel_loop3A_286 = arith.constant 73728 : i32
      %parallel_loop3A_287 = arith.addi %parallel_loop3A_286, %parallel_loop3A_225 : i32
      %parallel_loop3A_288 = arith.index_cast %parallel_loop3A_287 : i32 to index
      %parallel_loop3A_289 = tpu.vector_load %arg7[%parallel_loop3A_288] {strides = array<i32>} : memref<98304xi32, #tpu.memory_space<vmem>>, vector<16xi32>,
      %parallel_loop3A_290 = arith.addi %parallel_loop3A_285, %parallel_loop3A_289 : vector<16xi32>
      %parallel_loop3A_291 = arith.constant 79872 : i32
      %parallel_loop3A_292 = arith.addi %parallel_loop3A_291, %parallel_loop3A_225 : i32
      %parallel_loop3A_293 = arith.index_cast %parallel_loop3A_292 : i32 to index
      %parallel_loop3A_294 = tpu.vector_load %arg7[%parallel_loop3A_293] {strides = array<i32>} : memref<98304xi32, #tpu.memory_space<vmem>>, vector<16xi32>,
      %parallel_loop3A_295 = arith.addi %parallel_loop3A_290, %parallel_loop3A_294 : vector<16xi32>
      %parallel_loop3A_296 = arith.constant 86016 : i32
      %parallel_loop3A_297 = arith.addi %parallel_loop3A_296, %parallel_loop3A_225 : i32
      %parallel_loop3A_298 = arith.index_cast %parallel_loop3A_297 : i32 to index
      %parallel_loop3A_299 = tpu.vector_load %arg7[%parallel_loop3A_298] {strides = array<i32>} : memref<98304xi32, #tpu.memory_space<vmem>>, vector<16xi32>,
      %parallel_loop3A_300 = arith.addi %parallel_loop3A_295, %parallel_loop3A_299 : vector<16xi32>
      %parallel_loop3A_301 = arith.constant 92160 : i32
      %parallel_loop3A_302 = arith.addi %parallel_loop3A_301, %parallel_loop3A_225 : i32
      %parallel_loop3A_303 = arith.index_cast %parallel_loop3A_302 : i32 to index
      %parallel_loop3A_304 = tpu.vector_load %arg7[%parallel_loop3A_303] {strides = array<i32>} : memref<98304xi32, #tpu.memory_space<vmem>>, vector<16xi32>,
      %parallel_loop3A_305 = arith.addi %parallel_loop3A_300, %parallel_loop3A_304 : vector<16xi32>
      %parallel_loop3A_306 = arith.index_cast %parallel_loop3A_225 : i32 to index
      %parallel_loop3A_307 = tpu.vector_load %arg8[%parallel_loop3A_306] {strides = array<i32>} : memref<6144xi32, #tpu.memory_space<vmem>>, vector<16xi32>,
      tpu.vector_store %arg8[%parallel_loop3A_306], %parallel_loop3A_305 {strides = array<i32>} : memref<6144xi32, #tpu.memory_space<vmem>>, vector<16xi32>,
    } {sc.loop_unroll_factor = 2 : i64, sc.parallel_access}
    "tpu.trace_stop"() : () -> ()
    "tpu.region"() ({
      %run_scoped3A = tpu.sem_alloc : memref<!tpu.dma_semaphore, #tpu.memory_space<semaphore_mem>>
      %dma_start3A = arith.constant 0 : i32
      %dma_start3A_225 = tpu.memref_slice %arg8[%dma_start3A] : memref<6144xi32, #tpu.memory_space<vmem>> -> memref<768xi32, #tpu.memory_space<vmem>>
      %dma_start3A_226 = arith.constant 0 : i32
      %dma_start3A_227 = tpu.memref_slice %arg10[%arg1, %dma_start3A_226] : memref<16x6144xi32, #tpu.memory_space<vmem_shared>> -> memref<1x768xi32, #tpu.memory_space<vmem_shared>>
      %dma_start3A_228 = tpu.memref_squeeze %dma_start3A_227 : memref<1x768xi32, #tpu.memory_space<vmem_shared>> -> memref<768xi32, #tpu.memory_space<vmem_shared>>
      %dma_start3A_229 = arith.constant 0 : i32
      %dma_start3A_230 = tpu.memref_slice %arg10[%arg1, %dma_start3A_229] : memref<16x6144xi32, #tpu.memory_space<vmem_shared>> -> memref<1x768xi32, #tpu.memory_space<vmem_shared>>
      %dma_start3A_231 = tpu.memref_squeeze %dma_start3A_230 : memref<1x768xi32, #tpu.memory_space<vmem_shared>> -> memref<768xi32, #tpu.memory_space<vmem_shared>>
      %dma_start3A_232 = arith.constant 0 : i32
      %dma_start3A_233 = tpu.memref_slice %arg8[%dma_start3A_232] : memref<6144xi32, #tpu.memory_space<vmem>> -> memref<768xi32, #tpu.memory_space<vmem>>
      tpu.enqueue_dma source(%dma_start3A_233 : memref<768xi32, #tpu.memory_space<vmem>>) target(%dma_start3A_231 : memref<768xi32, #tpu.memory_space<vmem_shared>>) target_semaphore(%run_scoped3A : memref<!tpu.dma_semaphore, #tpu.memory_space<semaphore_mem>>)
      %dma_wait3A = arith.constant 0 : i32
      %dma_wait3A_234 = tpu.memref_slice %arg8[%dma_wait3A] : memref<6144xi32, #tpu.memory_space<vmem>> -> memref<768xi32, #tpu.memory_space<vmem>>
      %dma_wait3A_235 = arith.constant 0 : i32
      %dma_wait3A_236 = tpu.memref_slice %arg10[%arg1, %dma_wait3A_235] : memref<16x6144xi32, #tpu.memory_space<vmem_shared>> -> memref<1x768xi32, #tpu.memory_space<vmem_shared>>
      %dma_wait3A_237 = tpu.memref_squeeze %dma_wait3A_236 : memref<1x768xi32, #tpu.memory_space<vmem_shared>> -> memref<768xi32, #tpu.memory_space<vmem_shared>>
      %dma_wait3A_238 = arith.constant 0 : i32
      %dma_wait3A_239 = tpu.memref_slice %arg10[%arg1, %dma_wait3A_238] : memref<16x6144xi32, #tpu.memory_space<vmem_shared>> -> memref<1x768xi32, #tpu.memory_space<vmem_shared>>
      %dma_wait3A_240 = tpu.memref_squeeze %dma_wait3A_239 : memref<1x768xi32, #tpu.memory_space<vmem_shared>> -> memref<768xi32, #tpu.memory_space<vmem_shared>>
      %dma_wait3A_241 = arith.constant 0 : i32
      %dma_wait3A_242 = tpu.memref_slice %arg8[%dma_wait3A_241] : memref<6144xi32, #tpu.memory_space<vmem>> -> memref<768xi32, #tpu.memory_space<vmem>>
      tpu.wait_dma2 semaphore(%run_scoped3A : memref<!tpu.dma_semaphore, #tpu.memory_space<semaphore_mem>>) src(%dma_wait3A_242 : memref<768xi32, #tpu.memory_space<vmem>>) dst(%dma_wait3A_240 : memref<768xi32, #tpu.memory_space<vmem_shared>>)
      tpu.yield
    }) : () -> ()
    %barrier3A_154 = arith.constant 0 : index
    tpu.barrier barrier_id(%barrier3A_154)
    "tpu.region"() ({
      %run_scoped3A = tpu.sem_alloc : memref<!tpu.dma_semaphore, #tpu.memory_space<semaphore_mem>>
      %dma_start3A = arith.constant 0 : i32
      %dma_start3A_225 = tpu.memref_slice %arg7[%dma_start3A] : memref<98304xi32, #tpu.memory_space<vmem>> -> memref<768xi32, #tpu.memory_space<vmem>>
      %dma_start3A_226 = arith.constant 0 : i32
      %dma_start3A_227 = tpu.memref_slice %arg10[%xor3A_3, %dma_start3A_226] : memref<16x6144xi32, #tpu.memory_space<vmem_shared>> -> memref<1x768xi32, #tpu.memory_space<vmem_shared>>
      %dma_start3A_228 = tpu.memref_squeeze %dma_start3A_227 : memref<1x768xi32, #tpu.memory_space<vmem_shared>> -> memref<768xi32, #tpu.memory_space<vmem_shared>>
      %dma_start3A_229 = arith.constant 0 : i32
      %dma_start3A_230 = tpu.memref_slice %arg7[%dma_start3A_229] : memref<98304xi32, #tpu.memory_space<vmem>> -> memref<768xi32, #tpu.memory_space<vmem>>
      %dma_start3A_231 = arith.constant 0 : i32
      %dma_start3A_232 = tpu.memref_slice %arg10[%xor3A_3, %dma_start3A_231] : memref<16x6144xi32, #tpu.memory_space<vmem_shared>> -> memref<1x768xi32, #tpu.memory_space<vmem_shared>>
      %dma_start3A_233 = tpu.memref_squeeze %dma_start3A_232 : memref<1x768xi32, #tpu.memory_space<vmem_shared>> -> memref<768xi32, #tpu.memory_space<vmem_shared>>
      tpu.enqueue_dma source(%dma_start3A_233 : memref<768xi32, #tpu.memory_space<vmem_shared>>) target(%dma_start3A_230 : memref<768xi32, #tpu.memory_space<vmem>>) target_semaphore(%run_scoped3A : memref<!tpu.dma_semaphore, #tpu.memory_space<semaphore_mem>>)
      %dma_wait3A = arith.constant 0 : i32
      %dma_wait3A_234 = tpu.memref_slice %arg7[%dma_wait3A] : memref<98304xi32, #tpu.memory_space<vmem>> -> memref<768xi32, #tpu.memory_space<vmem>>
      %dma_wait3A_235 = arith.constant 0 : i32
      %dma_wait3A_236 = tpu.memref_slice %arg10[%xor3A_3, %dma_wait3A_235] : memref<16x6144xi32, #tpu.memory_space<vmem_shared>> -> memref<1x768xi32, #tpu.memory_space<vmem_shared>>
      %dma_wait3A_237 = tpu.memref_squeeze %dma_wait3A_236 : memref<1x768xi32, #tpu.memory_space<vmem_shared>> -> memref<768xi32, #tpu.memory_space<vmem_shared>>
      %dma_wait3A_238 = arith.constant 0 : i32
      %dma_wait3A_239 = tpu.memref_slice %arg7[%dma_wait3A_238] : memref<98304xi32, #tpu.memory_space<vmem>> -> memref<768xi32, #tpu.memory_space<vmem>>
      %dma_wait3A_240 = arith.constant 0 : i32
      %dma_wait3A_241 = tpu.memref_slice %arg10[%xor3A_3, %dma_wait3A_240] : memref<16x6144xi32, #tpu.memory_space<vmem_shared>> -> memref<1x768xi32, #tpu.memory_space<vmem_shared>>
      %dma_wait3A_242 = tpu.memref_squeeze %dma_wait3A_241 : memref<1x768xi32, #tpu.memory_space<vmem_shared>> -> memref<768xi32, #tpu.memory_space<vmem_shared>>
      tpu.wait_dma2 semaphore(%run_scoped3A : memref<!tpu.dma_semaphore, #tpu.memory_space<semaphore_mem>>) src(%dma_wait3A_242 : memref<768xi32, #tpu.memory_space<vmem_shared>>) dst(%dma_wait3A_239 : memref<768xi32, #tpu.memory_space<vmem>>)
      tpu.yield
    }) : () -> ()
    %scan3A_155 = arith.constant 0 : i32
    %scan3A_156 = arith.constant 0 : i32
    %scan3A_157 = arith.constant 0 : i32
    %scan3A_158 = arith.constant 0 : i32
    %scan3A_159 = arith.constant 0 : i32
    %scan3A_160 = arith.constant 0 : i32
    %scan3A_161 = arith.constant 0 : i32
    %scan3A_162 = arith.constant 0 : i32
    %scan3A_163 = arith.constant 0 : i32
    %scan3A_164 = arith.constant 0 : i32
    %scan3A_165 = arith.constant 16 : i32
    %scan3A_166 = arith.addi %scan3A_164, %scan3A_165 : i32
    %scan3A_167 = arith.constant 1 : i32
    %scan3A_168:9 = scf.for %scan3A_225 = %scan3A_164 to %scan3A_166 step %scan3A_167 iter_args(%scan3A_226 = %scan3A_155, %scan3A_227 = %scan3A_156, %scan3A_228 = %scan3A_157, %scan3A_229 = %scan3A_158, %scan3A_230 = %scan3A_159, %scan3A_231 = %scan3A_160, %scan3A_232 = %scan3A_161, %scan3A_233 = %scan3A_162, %scan3A_234 = %scan3A_163) -> (i32, i32, i32, i32, i32, i32, i32, i32, i32)  : i32 {
      %mul3A_235 = arith.constant 16 : i32
      %mul3A_236 = arith.muli %scan3A_225, %mul3A_235 : i32
      %add3A_237 = arith.constant 0 : i32
      %add3A_238 = arith.addi %add3A_237, %mul3A_236 : i32
      %get3A_239 = arith.index_cast %add3A_238 : i32 to index
      %get3A_240 = tpu.vector_load %arg8[%get3A_239] {strides = array<i32>} : memref<6144xi32, #tpu.memory_space<vmem>>, vector<16xi32>,
      %get3A_241 = arith.index_cast %add3A_238 : i32 to index
      %get3A_242 = tpu.vector_load %arg7[%get3A_241] {strides = array<i32>} : memref<98304xi32, #tpu.memory_space<vmem>>, vector<16xi32>,
      %add3A_243 = arith.addi %get3A_240, %get3A_242 : vector<16xi32>
      %broadcast_in_dim3A_244 = arith.constant true
      %broadcast_in_dim3A_245 = vector.broadcast %broadcast_in_dim3A_244 : i1 to vector<16xi1>
      %masked_cumsum3A = tpu.scan <sum>, %add3A_243 masked %broadcast_in_dim3A_245 : vector<16xi32>, vector<16xi1> -> vector<16xi32>
      %add3A_246 = vector.broadcast %scan3A_226 : i32 to vector<16xi32>
      %add3A_247 = arith.addi %masked_cumsum3A, %add3A_246 : vector<16xi32>
      %lt3A_248 = vector.broadcast %sub3A_119 : i32 to vector<16xi32>
      %lt3A_249 = arith.cmpi slt, %add3A_247, %lt3A_248 : vector<16xi32>
      %select_n3A_250 = arith.select %lt3A_249, %broadcast_in_dim3A_4, %broadcast_in_dim3A_6 : vector<16xi1>, vector<16xi32>
      %reduce_sum3A = arith.constant true
      %reduce_sum3A_251 = vector.broadcast %reduce_sum3A : i1 to vector<16xi1>
      %reduce_sum3A_252 = tpu.scan <sum>, %select_n3A_250 masked %reduce_sum3A_251 : vector<16xi32>, vector<16xi1> -> vector<16xi32>
      %reduce_sum3A_253 = vector.extract %reduce_sum3A_252[15] : i32 from vector<16xi32>
      %add3A_254 = arith.addi %scan3A_227, %reduce_sum3A_253 : i32
      %select_n3A_255 = arith.select %lt3A_249, %add3A_247, %broadcast_in_dim3A_6 : vector<16xi1>, vector<16xi32>
      %reduce_max3A_256 = arith.constant true
      %reduce_max3A_257 = vector.broadcast %reduce_max3A_256 : i1 to vector<16xi1>
      %reduce_max3A_258 = arith.constant -2147483648 : i32
      %reduce_max3A_259 = vector.broadcast %reduce_max3A_258 : i32 to vector<16xi32>
      %reduce_max3A_260 = arith.xori %select_n3A_255, %reduce_max3A_259 : vector<16xi32>
      %reduce_max3A_261 = tpu.scan <max>, %reduce_max3A_260 masked %reduce_max3A_257 : vector<16xi32>, vector<16xi1> -> vector<16xi32>
      %reduce_max3A_262 = arith.xori %reduce_max3A_261, %reduce_max3A_259 : vector<16xi32>
      %reduce_max3A_263 = vector.extract %reduce_max3A_262[15] : i32 from vector<16xi32>
      %max3A_264 = arith.maxsi %scan3A_228, %reduce_max3A_263 : i32
      %reduce_max3A_265 = arith.constant true
      %reduce_max3A_266 = vector.broadcast %reduce_max3A_265 : i1 to vector<16xi1>
      %reduce_max3A_267 = arith.constant -2147483648 : i32
      %reduce_max3A_268 = vector.broadcast %reduce_max3A_267 : i32 to vector<16xi32>
      %reduce_max3A_269 = arith.xori %add3A_247, %reduce_max3A_268 : vector<16xi32>
      %reduce_max3A_270 = tpu.scan <max>, %reduce_max3A_269 masked %reduce_max3A_266 : vector<16xi32>, vector<16xi1> -> vector<16xi32>
      %reduce_max3A_271 = arith.xori %reduce_max3A_270, %reduce_max3A_268 : vector<16xi32>
      %reduce_max3A_272 = vector.extract %reduce_max3A_271[15] : i32 from vector<16xi32>
      %mul3A_273 = arith.constant 16 : i32
      %mul3A_274 = arith.muli %scan3A_225, %mul3A_273 : i32
      %add3A_275 = arith.constant 256 : i32
      %add3A_276 = arith.addi %add3A_275, %mul3A_274 : i32
      %get3A_277 = arith.index_cast %add3A_276 : i32 to index
      %get3A_278 = tpu.vector_load %arg8[%get3A_277] {strides = array<i32>} : memref<6144xi32, #tpu.memory_space<vmem>>, vector<16xi32>,
      %get3A_279 = arith.index_cast %add3A_276 : i32 to index
      %get3A_280 = tpu.vector_load %arg7[%get3A_279] {strides = array<i32>} : memref<98304xi32, #tpu.memory_space<vmem>>, vector<16xi32>,
      %add3A_281 = arith.addi %get3A_278, %get3A_280 : vector<16xi32>
      %broadcast_in_dim3A_282 = arith.constant true
      %broadcast_in_dim3A_283 = vector.broadcast %broadcast_in_dim3A_282 : i1 to vector<16xi1>
      %masked_cumsum3A_284 = tpu.scan <sum>, %add3A_281 masked %broadcast_in_dim3A_283 : vector<16xi32>, vector<16xi1> -> vector<16xi32>
      %add3A_285 = vector.broadcast %scan3A_229 : i32 to vector<16xi32>
      %add3A_286 = arith.addi %masked_cumsum3A_284, %add3A_285 : vector<16xi32>
      %lt3A_287 = vector.broadcast %sub3A_120 : i32 to vector<16xi32>
      %lt3A_288 = arith.cmpi slt, %add3A_286, %lt3A_287 : vector<16xi32>
      %select_n3A_289 = arith.select %lt3A_288, %broadcast_in_dim3A_4, %broadcast_in_dim3A_6 : vector<16xi1>, vector<16xi32>
      %reduce_sum3A_290 = arith.constant true
      %reduce_sum3A_291 = vector.broadcast %reduce_sum3A_290 : i1 to vector<16xi1>
      %reduce_sum3A_292 = tpu.scan <sum>, %select_n3A_289 masked %reduce_sum3A_291 : vector<16xi32>, vector<16xi1> -> vector<16xi32>
      %reduce_sum3A_293 = vector.extract %reduce_sum3A_292[15] : i32 from vector<16xi32>
      %add3A_294 = arith.addi %scan3A_230, %reduce_sum3A_293 : i32
      %select_n3A_295 = arith.select %lt3A_288, %add3A_286, %broadcast_in_dim3A_6 : vector<16xi1>, vector<16xi32>
      %reduce_max3A_296 = arith.constant true
      %reduce_max3A_297 = vector.broadcast %reduce_max3A_296 : i1 to vector<16xi1>
      %reduce_max3A_298 = arith.constant -2147483648 : i32
      %reduce_max3A_299 = vector.broadcast %reduce_max3A_298 : i32 to vector<16xi32>
      %reduce_max3A_300 = arith.xori %select_n3A_295, %reduce_max3A_299 : vector<16xi32>
      %reduce_max3A_301 = tpu.scan <max>, %reduce_max3A_300 masked %reduce_max3A_297 : vector<16xi32>, vector<16xi1> -> vector<16xi32>
      %reduce_max3A_302 = arith.xori %reduce_max3A_301, %reduce_max3A_299 : vector<16xi32>
      %reduce_max3A_303 = vector.extract %reduce_max3A_302[15] : i32 from vector<16xi32>
      %max3A_304 = arith.maxsi %scan3A_231, %reduce_max3A_303 : i32
      %reduce_max3A_305 = arith.constant true
      %reduce_max3A_306 = vector.broadcast %reduce_max3A_305 : i1 to vector<16xi1>
      %reduce_max3A_307 = arith.constant -2147483648 : i32
      %reduce_max3A_308 = vector.broadcast %reduce_max3A_307 : i32 to vector<16xi32>
      %reduce_max3A_309 = arith.xori %add3A_286, %reduce_max3A_308 : vector<16xi32>
      %reduce_max3A_310 = tpu.scan <max>, %reduce_max3A_309 masked %reduce_max3A_306 : vector<16xi32>, vector<16xi1> -> vector<16xi32>
      %reduce_max3A_311 = arith.xori %reduce_max3A_310, %reduce_max3A_308 : vector<16xi32>
      %reduce_max3A_312 = vector.extract %reduce_max3A_311[15] : i32 from vector<16xi32>
      %mul3A_313 = arith.constant 16 : i32
      %mul3A_314 = arith.muli %scan3A_225, %mul3A_313 : i32
      %add3A_315 = arith.constant 512 : i32
      %add3A_316 = arith.addi %add3A_315, %mul3A_314 : i32
      %get3A_317 = arith.index_cast %add3A_316 : i32 to index
      %get3A_318 = tpu.vector_load %arg8[%get3A_317] {strides = array<i32>} : memref<6144xi32, #tpu.memory_space<vmem>>, vector<16xi32>,
      %get3A_319 = arith.index_cast %add3A_316 : i32 to index
      %get3A_320 = tpu.vector_load %arg7[%get3A_319] {strides = array<i32>} : memref<98304xi32, #tpu.memory_space<vmem>>, vector<16xi32>,
      %add3A_321 = arith.addi %get3A_318, %get3A_320 : vector<16xi32>
      %broadcast_in_dim3A_322 = arith.constant true
      %broadcast_in_dim3A_323 = vector.broadcast %broadcast_in_dim3A_322 : i1 to vector<16xi1>
      %masked_cumsum3A_324 = tpu.scan <sum>, %add3A_321 masked %broadcast_in_dim3A_323 : vector<16xi32>, vector<16xi1> -> vector<16xi32>
      %add3A_325 = vector.broadcast %scan3A_232 : i32 to vector<16xi32>
      %add3A_326 = arith.addi %masked_cumsum3A_324, %add3A_325 : vector<16xi32>
      %lt3A_327 = vector.broadcast %sub3A_121 : i32 to vector<16xi32>
      %lt3A_328 = arith.cmpi slt, %add3A_326, %lt3A_327 : vector<16xi32>
      %select_n3A_329 = arith.select %lt3A_328, %broadcast_in_dim3A_4, %broadcast_in_dim3A_6 : vector<16xi1>, vector<16xi32>
      %reduce_sum3A_330 = arith.constant true
      %reduce_sum3A_331 = vector.broadcast %reduce_sum3A_330 : i1 to vector<16xi1>
      %reduce_sum3A_332 = tpu.scan <sum>, %select_n3A_329 masked %reduce_sum3A_331 : vector<16xi32>, vector<16xi1> -> vector<16xi32>
      %reduce_sum3A_333 = vector.extract %reduce_sum3A_332[15] : i32 from vector<16xi32>
      %add3A_334 = arith.addi %scan3A_233, %reduce_sum3A_333 : i32
      %select_n3A_335 = arith.select %lt3A_328, %add3A_326, %broadcast_in_dim3A_6 : vector<16xi1>, vector<16xi32>
      %reduce_max3A_336 = arith.constant true
      %reduce_max3A_337 = vector.broadcast %reduce_max3A_336 : i1 to vector<16xi1>
      %reduce_max3A_338 = arith.constant -2147483648 : i32
      %reduce_max3A_339 = vector.broadcast %reduce_max3A_338 : i32 to vector<16xi32>
      %reduce_max3A_340 = arith.xori %select_n3A_335, %reduce_max3A_339 : vector<16xi32>
      %reduce_max3A_341 = tpu.scan <max>, %reduce_max3A_340 masked %reduce_max3A_337 : vector<16xi32>, vector<16xi1> -> vector<16xi32>
      %reduce_max3A_342 = arith.xori %reduce_max3A_341, %reduce_max3A_339 : vector<16xi32>
      %reduce_max3A_343 = vector.extract %reduce_max3A_342[15] : i32 from vector<16xi32>
      %max3A_344 = arith.maxsi %scan3A_234, %reduce_max3A_343 : i32
      %reduce_max3A_345 = arith.constant true
      %reduce_max3A_346 = vector.broadcast %reduce_max3A_345 : i1 to vector<16xi1>
      %reduce_max3A_347 = arith.constant -2147483648 : i32
      %reduce_max3A_348 = vector.broadcast %reduce_max3A_347 : i32 to vector<16xi32>
      %reduce_max3A_349 = arith.xori %add3A_326, %reduce_max3A_348 : vector<16xi32>
      %reduce_max3A_350 = tpu.scan <max>, %reduce_max3A_349 masked %reduce_max3A_346 : vector<16xi32>, vector<16xi1> -> vector<16xi32>
      %reduce_max3A_351 = arith.xori %reduce_max3A_350, %reduce_max3A_348 : vector<16xi32>
      %reduce_max3A_352 = vector.extract %reduce_max3A_351[15] : i32 from vector<16xi32>
      scf.yield %reduce_max3A_272, %add3A_254, %max3A_264, %reduce_max3A_312, %add3A_294, %max3A_304, %reduce_max3A_352, %add3A_334, %max3A_344 : i32, i32, i32, i32, i32, i32, i32, i32, i32
    }
    %scan3A_169 = arith.constant 16 : i32
    %shift_left3A_170 = arith.constant 19 : i32
    %shift_left3A_171 = arith.shli %scan3A_70#1, %shift_left3A_170 : i32
    %shift_left3A_172 = arith.constant 8 : i32
    %shift_left3A_173 = arith.shli %scan3A_117#1, %shift_left3A_172 : i32
    %or3A_174 = arith.ori %shift_left3A_171, %shift_left3A_173 : i32
    %or3A_175 = arith.ori %or3A_174, %scan3A_168#1 : i32
    %broadcast_in_dim3A_176 = vector.broadcast %or3A_175 : i32 to vector<16xi32>
    %bitcast_convert_type3A_177 = tpu.bitcast %broadcast_in_dim3A_176 : vector<16xi32> -> vector<16xf32>
    %shift_left3A_178 = arith.constant 19 : i32
    %shift_left3A_179 = arith.shli %scan3A_70#3, %shift_left3A_178 : i32
    %shift_left3A_180 = arith.constant 8 : i32
    %shift_left3A_181 = arith.shli %scan3A_117#4, %shift_left3A_180 : i32
    %or3A_182 = arith.ori %shift_left3A_179, %shift_left3A_181 : i32
    %or3A_183 = arith.ori %or3A_182, %scan3A_168#4 : i32
    %broadcast_in_dim3A_184 = vector.broadcast %or3A_183 : i32 to vector<16xi32>
    %bitcast_convert_type3A_185 = tpu.bitcast %broadcast_in_dim3A_184 : vector<16xi32> -> vector<16xf32>
    %shift_left3A_186 = arith.constant 19 : i32
    %shift_left3A_187 = arith.shli %scan3A_70#5, %shift_left3A_186 : i32
    %shift_left3A_188 = arith.constant 8 : i32
    %shift_left3A_189 = arith.shli %scan3A_117#7, %shift_left3A_188 : i32
    %or3A_190 = arith.ori %shift_left3A_187, %shift_left3A_189 : i32
    %or3A_191 = arith.ori %or3A_190, %scan3A_168#7 : i32
    %broadcast_in_dim3A_192 = vector.broadcast %or3A_191 : i32 to vector<16xi32>
    %bitcast_convert_type3A_193 = tpu.bitcast %broadcast_in_dim3A_192 : vector<16xi32> -> vector<16xf32>
    %eq3A_194 = arith.constant 0 : i32
    %eq3A_195 = vector.broadcast %eq3A_194 : i32 to vector<16xi32>
    %eq3A_196 = arith.cmpi eq, %iota3A, %eq3A_195 : vector<16xi32>
    %broadcast_in_dim3A_197 = arith.constant 0.000000e+00 : f32
    %broadcast_in_dim3A_198 = vector.broadcast %broadcast_in_dim3A_197 : f32 to vector<16xf32>
    %broadcast_in_dim3A_199 = vector.broadcast %min3A : f32 to vector<16xf32>
    %select_n3A_200 = arith.select %eq3A_196, %broadcast_in_dim3A_199, %broadcast_in_dim3A_198 : vector<16xi1>, vector<16xf32>
    %eq3A_201 = arith.constant 1 : i32
    %eq3A_202 = vector.broadcast %eq3A_201 : i32 to vector<16xi32>
    %eq3A_203 = arith.cmpi eq, %iota3A, %eq3A_202 : vector<16xi32>
    %select_n3A_204 = arith.select %eq3A_203, %bitcast_convert_type3A_177, %select_n3A_200 : vector<16xi1>, vector<16xf32>
    %eq3A_205 = arith.constant 2 : i32
    %eq3A_206 = vector.broadcast %eq3A_205 : i32 to vector<16xi32>
    %eq3A_207 = arith.cmpi eq, %iota3A, %eq3A_206 : vector<16xi32>
    %select_n3A_208 = arith.select %eq3A_207, %bitcast_convert_type3A_185, %select_n3A_204 : vector<16xi1>, vector<16xf32>
    %eq3A_209 = arith.constant 3 : i32
    %eq3A_210 = vector.broadcast %eq3A_209 : i32 to vector<16xi32>
    %eq3A_211 = arith.cmpi eq, %iota3A, %eq3A_210 : vector<16xi32>
    %select_n3A_212 = arith.select %eq3A_211, %bitcast_convert_type3A_193, %select_n3A_208 : vector<16xi1>, vector<16xf32>
    %eq3A_213 = arith.constant 4 : i32
    %eq3A_214 = vector.broadcast %eq3A_213 : i32 to vector<16xi32>
    %eq3A_215 = arith.cmpi eq, %iota3A, %eq3A_214 : vector<16xi32>
    %broadcast_in_dim3A_216 = vector.broadcast %max3A : f32 to vector<16xf32>
    %select_n3A_217 = arith.select %eq3A_215, %broadcast_in_dim3A_216, %select_n3A_212 : vector<16xi1>, vector<16xf32>
    %swap3A_218 = arith.constant 0 : index
    %swap3A_219 = tpu.vector_load %arg9[%swap3A_218] {strides = array<i32>} : memref<16xf32, #tpu.memory_space<vmem>>, vector<16xf32>,
    tpu.vector_store %arg9[%swap3A_218], %select_n3A_217 {strides = array<i32>} : memref<16xf32, #tpu.memory_space<vmem>>, vector<16xf32>,
    %eq3A_220 = arith.constant 0 : i32
    %eq3A_221 = arith.cmpi eq, %and3A_2, %eq3A_220 : i32
    %convert_element_type3A_222 = arith.extui %eq3A_221 : i1 to i32
    %cond3A_223 = arith.constant 0 : i32
    %cond3A_224 = arith.cmpi ne, %convert_element_type3A_222, %cond3A_223 : i32
    scf.if %cond3A_224 {
      "tpu.region"() ({
        %run_scoped3A = tpu.sem_alloc : memref<!tpu.dma_semaphore, #tpu.memory_space<semaphore_mem>>
        %dma_start3A = arith.constant 0 : i32
        %dma_start3A_225 = tpu.memref_slice %arg4[%add3A, %dma_start3A] : memref<16x16xf32, #tpu.memory_space<hbm>> -> memref<1x16xf32, #tpu.memory_space<hbm>>
        %dma_start3A_226 = tpu.memref_squeeze %dma_start3A_225 : memref<1x16xf32, #tpu.memory_space<hbm>> -> memref<16xf32, #tpu.memory_space<hbm>>
        %dma_start3A_227 = arith.constant 0 : i32
        %dma_start3A_228 = tpu.memref_slice %arg4[%add3A, %dma_start3A_227] : memref<16x16xf32, #tpu.memory_space<hbm>> -> memref<1x16xf32, #tpu.memory_space<hbm>>
        %dma_start3A_229 = tpu.memref_squeeze %dma_start3A_228 : memref<1x16xf32, #tpu.memory_space<hbm>> -> memref<16xf32, #tpu.memory_space<hbm>>
        tpu.enqueue_dma source(%arg9 : memref<16xf32, #tpu.memory_space<vmem>>) target(%dma_start3A_229 : memref<16xf32, #tpu.memory_space<hbm>>) target_semaphore(%run_scoped3A : memref<!tpu.dma_semaphore, #tpu.memory_space<semaphore_mem>>)
        %dma_wait3A = arith.constant 0 : i32
        %dma_wait3A_230 = tpu.memref_slice %arg4[%add3A, %dma_wait3A] : memref<16x16xf32, #tpu.memory_space<hbm>> -> memref<1x16xf32, #tpu.memory_space<hbm>>
        %dma_wait3A_231 = tpu.memref_squeeze %dma_wait3A_230 : memref<1x16xf32, #tpu.memory_space<hbm>> -> memref<16xf32, #tpu.memory_space<hbm>>
        %dma_wait3A_232 = arith.constant 0 : i32
        %dma_wait3A_233 = tpu.memref_slice %arg4[%add3A, %dma_wait3A_232] : memref<16x16xf32, #tpu.memory_space<hbm>> -> memref<1x16xf32, #tpu.memory_space<hbm>>
        %dma_wait3A_234 = tpu.memref_squeeze %dma_wait3A_233 : memref<1x16xf32, #tpu.memory_space<hbm>> -> memref<16xf32, #tpu.memory_space<hbm>>
        tpu.wait_dma2 semaphore(%run_scoped3A : memref<!tpu.dma_semaphore, #tpu.memory_space<semaphore_mem>>) src(%arg9 : memref<16xf32, #tpu.memory_space<vmem>>) dst(%dma_wait3A_234 : memref<16xf32, #tpu.memory_space<hbm>>)
        tpu.yield
      }) : () -> ()
    } else {
    }
    return
  }
}

module attributes {stable_mosaic.version = 14 : i64} {
  func.func @_luma_body(%arg0: i32, %arg1: memref<1x3x512x512xf32, #tpu.memory_space<vmem>>, %arg2: memref<1x3x512x512xf32, #tpu.memory_space<vmem>>, %arg3: memref<1x512x512xf32, #tpu.memory_space<vmem>>, %arg4: memref<1x512x512xf32, #tpu.memory_space<vmem>>, %arg5: memref<1x1x128xf32, #tpu.memory_space<vmem>>, %arg6: memref<1x1x128xf32, #tpu.memory_space<vmem>>) attributes {dimension_semantics = [#tpu.dimension_semantics<arbitrary>], iteration_bounds = array<i64: 8>, scalar_prefetch = 0 : i64, scratch_operands = 0 : i64, tpu.core_type = #tpu.core_type<tc>, window_params = [{transform_indices = @transform_0, window_bounds = array<i64: 1, 3, 512, 512>}, {transform_indices = @transform_1, window_bounds = array<i64: 1, 3, 512, 512>}, {transform_indices = @transform_2, window_bounds = array<i64: 1, 512, 512>}, {transform_indices = @transform_3, window_bounds = array<i64: 1, 512, 512>}, {transform_indices = @transform_4, window_bounds = array<i64: 1, 1, 128>}, {transform_indices = @transform_5, window_bounds = array<i64: 1, 1, 128>}]} {
    %get3A = arith.constant 0 : index
    %get3A_0 = arith.constant 0 : index
    %get3A_1 = arith.constant 0 : index
    %get3A_2 = arith.constant 0 : index
    %get3A_3 = vector.load %arg1[%get3A, %get3A_0, %get3A_1, %get3A_2] : memref<1x3x512x512xf32, #tpu.memory_space<vmem>>, vector<1x1x512x512xf32>
    %get3A_4 = vector.shape_cast %get3A_3 : vector<1x1x512x512xf32> to vector<512x512xf32>
    %get3A_5 = arith.constant 0 : index
    %get3A_6 = arith.constant 1 : index
    %get3A_7 = arith.constant 0 : index
    %get3A_8 = arith.constant 0 : index
    %get3A_9 = vector.load %arg1[%get3A_5, %get3A_6, %get3A_7, %get3A_8] : memref<1x3x512x512xf32, #tpu.memory_space<vmem>>, vector<1x1x512x512xf32>
    %get3A_10 = vector.shape_cast %get3A_9 : vector<1x1x512x512xf32> to vector<512x512xf32>
    %get3A_11 = arith.constant 0 : index
    %get3A_12 = arith.constant 2 : index
    %get3A_13 = arith.constant 0 : index
    %get3A_14 = arith.constant 0 : index
    %get3A_15 = vector.load %arg1[%get3A_11, %get3A_12, %get3A_13, %get3A_14] : memref<1x3x512x512xf32, #tpu.memory_space<vmem>>, vector<1x1x512x512xf32>
    %get3A_16 = vector.shape_cast %get3A_15 : vector<1x1x512x512xf32> to vector<512x512xf32>
    %mul3A = arith.constant 2.990000e-01 : f32
    %mul3A_17 = vector.broadcast %mul3A : f32 to vector<512x512xf32>
    %mul3A_18 = arith.mulf %mul3A_17, %get3A_4 : vector<512x512xf32>
    %mul3A_19 = arith.constant 5.870000e-01 : f32
    %mul3A_20 = vector.broadcast %mul3A_19 : f32 to vector<512x512xf32>
    %mul3A_21 = arith.mulf %mul3A_20, %get3A_10 : vector<512x512xf32>
    %add3A = arith.addf %mul3A_18, %mul3A_21 : vector<512x512xf32>
    %mul3A_22 = arith.constant 1.140000e-01 : f32
    %mul3A_23 = vector.broadcast %mul3A_22 : f32 to vector<512x512xf32>
    %mul3A_24 = arith.mulf %mul3A_23, %get3A_16 : vector<512x512xf32>
    %add3A_25 = arith.addf %add3A, %mul3A_24 : vector<512x512xf32>
    %swap3A = arith.constant 0 : index
    %swap3A_26 = arith.constant 0 : index
    %swap3A_27 = arith.constant 0 : index
    %swap3A_28 = vector.load %arg3[%swap3A, %swap3A_26, %swap3A_27] : memref<1x512x512xf32, #tpu.memory_space<vmem>>, vector<1x512x512xf32>
    %swap3A_29 = vector.shape_cast %swap3A_28 : vector<1x512x512xf32> to vector<512x512xf32>
    %swap3A_30 = vector.shape_cast %add3A_25 : vector<512x512xf32> to vector<1x512x512xf32>
    tpu.vector_store %arg3[%swap3A, %swap3A_26, %swap3A_27], %swap3A_30 {strides = array<i32>} : memref<1x512x512xf32, #tpu.memory_space<vmem>>, vector<1x512x512xf32>,
    %reduce_sum3A = vector.shape_cast %get3A_4 : vector<512x512xf32> to vector<1x512x512xf32>
    %reduce_sum3A_31 = arith.constant dense<0.000000e+00> : vector<1xf32>
    %reduce_sum3A_32 = vector.multi_reduction <add>, %reduce_sum3A, %reduce_sum3A_31 [1, 2] : vector<1x512x512xf32> to vector<1xf32>
    %reduce_sum3A_33 = vector.shape_cast %reduce_sum3A_32 : vector<1xf32> to vector<1x1x1xf32>
    %reduce_sum3A_34 = vector.extract %reduce_sum3A_33[0, 0, 0] : f32 from vector<1x1x1xf32>
    %reduce_sum3A_35 = vector.shape_cast %get3A_10 : vector<512x512xf32> to vector<1x512x512xf32>
    %reduce_sum3A_36 = arith.constant dense<0.000000e+00> : vector<1xf32>
    %reduce_sum3A_37 = vector.multi_reduction <add>, %reduce_sum3A_35, %reduce_sum3A_36 [1, 2] : vector<1x512x512xf32> to vector<1xf32>
    %reduce_sum3A_38 = vector.shape_cast %reduce_sum3A_37 : vector<1xf32> to vector<1x1x1xf32>
    %reduce_sum3A_39 = vector.extract %reduce_sum3A_38[0, 0, 0] : f32 from vector<1x1x1xf32>
    %add3A_40 = arith.addf %reduce_sum3A_34, %reduce_sum3A_39 : f32
    %reduce_sum3A_41 = vector.shape_cast %get3A_16 : vector<512x512xf32> to vector<1x512x512xf32>
    %reduce_sum3A_42 = arith.constant dense<0.000000e+00> : vector<1xf32>
    %reduce_sum3A_43 = vector.multi_reduction <add>, %reduce_sum3A_41, %reduce_sum3A_42 [1, 2] : vector<1x512x512xf32> to vector<1xf32>
    %reduce_sum3A_44 = vector.shape_cast %reduce_sum3A_43 : vector<1xf32> to vector<1x1x1xf32>
    %reduce_sum3A_45 = vector.extract %reduce_sum3A_44[0, 0, 0] : f32 from vector<1x1x1xf32>
    %add3A_46 = arith.addf %add3A_40, %reduce_sum3A_45 : f32
    %broadcast_in_dim3A = vector.broadcast %add3A_46 : f32 to vector<128xf32>
    %swap3A_47 = arith.constant 0 : index
    %swap3A_48 = arith.constant 0 : index
    %swap3A_49 = arith.constant 0 : index
    %swap3A_50 = vector.load %arg5[%swap3A_47, %swap3A_48, %swap3A_49] : memref<1x1x128xf32, #tpu.memory_space<vmem>>, vector<1x1x128xf32>
    %swap3A_51 = vector.shape_cast %swap3A_50 : vector<1x1x128xf32> to vector<128xf32>
    %swap3A_52 = vector.shape_cast %broadcast_in_dim3A : vector<128xf32> to vector<1x1x128xf32>
    tpu.vector_store %arg5[%swap3A_47, %swap3A_48, %swap3A_49], %swap3A_52 {strides = array<i32>} : memref<1x1x128xf32, #tpu.memory_space<vmem>>, vector<1x1x128xf32>,
    %get3A_53 = arith.constant 0 : index
    %get3A_54 = arith.constant 0 : index
    %get3A_55 = arith.constant 0 : index
    %get3A_56 = arith.constant 0 : index
    %get3A_57 = vector.load %arg2[%get3A_53, %get3A_54, %get3A_55, %get3A_56] : memref<1x3x512x512xf32, #tpu.memory_space<vmem>>, vector<1x1x512x512xf32>
    %get3A_58 = vector.shape_cast %get3A_57 : vector<1x1x512x512xf32> to vector<512x512xf32>
    %get3A_59 = arith.constant 0 : index
    %get3A_60 = arith.constant 1 : index
    %get3A_61 = arith.constant 0 : index
    %get3A_62 = arith.constant 0 : index
    %get3A_63 = vector.load %arg2[%get3A_59, %get3A_60, %get3A_61, %get3A_62] : memref<1x3x512x512xf32, #tpu.memory_space<vmem>>, vector<1x1x512x512xf32>
    %get3A_64 = vector.shape_cast %get3A_63 : vector<1x1x512x512xf32> to vector<512x512xf32>
    %get3A_65 = arith.constant 0 : index
    %get3A_66 = arith.constant 2 : index
    %get3A_67 = arith.constant 0 : index
    %get3A_68 = arith.constant 0 : index
    %get3A_69 = vector.load %arg2[%get3A_65, %get3A_66, %get3A_67, %get3A_68] : memref<1x3x512x512xf32, #tpu.memory_space<vmem>>, vector<1x1x512x512xf32>
    %get3A_70 = vector.shape_cast %get3A_69 : vector<1x1x512x512xf32> to vector<512x512xf32>
    %mul3A_71 = arith.constant 2.990000e-01 : f32
    %mul3A_72 = vector.broadcast %mul3A_71 : f32 to vector<512x512xf32>
    %mul3A_73 = arith.mulf %mul3A_72, %get3A_58 : vector<512x512xf32>
    %mul3A_74 = arith.constant 5.870000e-01 : f32
    %mul3A_75 = vector.broadcast %mul3A_74 : f32 to vector<512x512xf32>
    %mul3A_76 = arith.mulf %mul3A_75, %get3A_64 : vector<512x512xf32>
    %add3A_77 = arith.addf %mul3A_73, %mul3A_76 : vector<512x512xf32>
    %mul3A_78 = arith.constant 1.140000e-01 : f32
    %mul3A_79 = vector.broadcast %mul3A_78 : f32 to vector<512x512xf32>
    %mul3A_80 = arith.mulf %mul3A_79, %get3A_70 : vector<512x512xf32>
    %add3A_81 = arith.addf %add3A_77, %mul3A_80 : vector<512x512xf32>
    %swap3A_82 = arith.constant 0 : index
    %swap3A_83 = arith.constant 0 : index
    %swap3A_84 = arith.constant 0 : index
    %swap3A_85 = vector.load %arg4[%swap3A_82, %swap3A_83, %swap3A_84] : memref<1x512x512xf32, #tpu.memory_space<vmem>>, vector<1x512x512xf32>
    %swap3A_86 = vector.shape_cast %swap3A_85 : vector<1x512x512xf32> to vector<512x512xf32>
    %swap3A_87 = vector.shape_cast %add3A_81 : vector<512x512xf32> to vector<1x512x512xf32>
    tpu.vector_store %arg4[%swap3A_82, %swap3A_83, %swap3A_84], %swap3A_87 {strides = array<i32>} : memref<1x512x512xf32, #tpu.memory_space<vmem>>, vector<1x512x512xf32>,
    %reduce_sum3A_88 = vector.shape_cast %get3A_58 : vector<512x512xf32> to vector<1x512x512xf32>
    %reduce_sum3A_89 = arith.constant dense<0.000000e+00> : vector<1xf32>
    %reduce_sum3A_90 = vector.multi_reduction <add>, %reduce_sum3A_88, %reduce_sum3A_89 [1, 2] : vector<1x512x512xf32> to vector<1xf32>
    %reduce_sum3A_91 = vector.shape_cast %reduce_sum3A_90 : vector<1xf32> to vector<1x1x1xf32>
    %reduce_sum3A_92 = vector.extract %reduce_sum3A_91[0, 0, 0] : f32 from vector<1x1x1xf32>
    %reduce_sum3A_93 = vector.shape_cast %get3A_64 : vector<512x512xf32> to vector<1x512x512xf32>
    %reduce_sum3A_94 = arith.constant dense<0.000000e+00> : vector<1xf32>
    %reduce_sum3A_95 = vector.multi_reduction <add>, %reduce_sum3A_93, %reduce_sum3A_94 [1, 2] : vector<1x512x512xf32> to vector<1xf32>
    %reduce_sum3A_96 = vector.shape_cast %reduce_sum3A_95 : vector<1xf32> to vector<1x1x1xf32>
    %reduce_sum3A_97 = vector.extract %reduce_sum3A_96[0, 0, 0] : f32 from vector<1x1x1xf32>
    %add3A_98 = arith.addf %reduce_sum3A_92, %reduce_sum3A_97 : f32
    %reduce_sum3A_99 = vector.shape_cast %get3A_70 : vector<512x512xf32> to vector<1x512x512xf32>
    %reduce_sum3A_100 = arith.constant dense<0.000000e+00> : vector<1xf32>
    %reduce_sum3A_101 = vector.multi_reduction <add>, %reduce_sum3A_99, %reduce_sum3A_100 [1, 2] : vector<1x512x512xf32> to vector<1xf32>
    %reduce_sum3A_102 = vector.shape_cast %reduce_sum3A_101 : vector<1xf32> to vector<1x1x1xf32>
    %reduce_sum3A_103 = vector.extract %reduce_sum3A_102[0, 0, 0] : f32 from vector<1x1x1xf32>
    %add3A_104 = arith.addf %add3A_98, %reduce_sum3A_103 : f32
    %broadcast_in_dim3A_105 = vector.broadcast %add3A_104 : f32 to vector<128xf32>
    %swap3A_106 = arith.constant 0 : index
    %swap3A_107 = arith.constant 0 : index
    %swap3A_108 = arith.constant 0 : index
    %swap3A_109 = vector.load %arg6[%swap3A_106, %swap3A_107, %swap3A_108] : memref<1x1x128xf32, #tpu.memory_space<vmem>>, vector<1x1x128xf32>
    %swap3A_110 = vector.shape_cast %swap3A_109 : vector<1x1x128xf32> to vector<128xf32>
    %swap3A_111 = vector.shape_cast %broadcast_in_dim3A_105 : vector<128xf32> to vector<1x1x128xf32>
    tpu.vector_store %arg6[%swap3A_106, %swap3A_107, %swap3A_108], %swap3A_111 {strides = array<i32>} : memref<1x1x128xf32, #tpu.memory_space<vmem>>, vector<1x1x128xf32>,
    return
  }
  func.func @transform_0(%arg0: i32) -> (i32, i32, i32, i32) {
    %c0_i32 = arith.constant 0 : i32
    %c0_i32_0 = arith.constant 0 : i32
    %c0_i32_1 = arith.constant 0 : i32
    %c0_i32_2 = arith.constant 0 : i32
    return %arg0, %c0_i32, %c0_i32_0, %c0_i32_1 : i32, i32, i32, i32
  }
  func.func @transform_1(%arg0: i32) -> (i32, i32, i32, i32) {
    %c0_i32 = arith.constant 0 : i32
    %c0_i32_0 = arith.constant 0 : i32
    %c0_i32_1 = arith.constant 0 : i32
    %c0_i32_2 = arith.constant 0 : i32
    return %arg0, %c0_i32, %c0_i32_0, %c0_i32_1 : i32, i32, i32, i32
  }
  func.func @transform_2(%arg0: i32) -> (i32, i32, i32) {
    %c0_i32 = arith.constant 0 : i32
    %c0_i32_0 = arith.constant 0 : i32
    %c0_i32_1 = arith.constant 0 : i32
    return %arg0, %c0_i32, %c0_i32_0 : i32, i32, i32
  }
  func.func @transform_3(%arg0: i32) -> (i32, i32, i32) {
    %c0_i32 = arith.constant 0 : i32
    %c0_i32_0 = arith.constant 0 : i32
    %c0_i32_1 = arith.constant 0 : i32
    return %arg0, %c0_i32, %c0_i32_0 : i32, i32, i32
  }
  func.func @transform_4(%arg0: i32) -> (i32, i32, i32) {
    %c0_i32 = arith.constant 0 : i32
    %c0_i32_0 = arith.constant 0 : i32
    %c0_i32_1 = arith.constant 0 : i32
    return %arg0, %c0_i32, %c0_i32_0 : i32, i32, i32
  }
  func.func @transform_5(%arg0: i32) -> (i32, i32, i32) {
    %c0_i32 = arith.constant 0 : i32
    %c0_i32_0 = arith.constant 0 : i32
    %c0_i32_1 = arith.constant 0 : i32
    return %arg0, %c0_i32, %c0_i32_0 : i32, i32, i32
  }
}

module attributes {stable_mosaic.version = 14 : i64} {
  func.func @_combine_body(%arg0: memref<8x1x128xf32, #tpu.memory_space<vmem>>, %arg1: memref<8x1x128xf32, #tpu.memory_space<vmem>>, %arg2: memref<16x16xf32, #tpu.memory_space<vmem>>, %arg3: memref<1x1xf32, #tpu.memory_space<vmem>>) attributes {dimension_semantics = [], scalar_prefetch = 0 : i64, scratch_operands = 0 : i64, tpu.core_type = #tpu.core_type<tc>} {
    %get3A = arith.constant 0 : index
    %get3A_0 = arith.constant 0 : index
    %get3A_1 = arith.constant 0 : index
    %get3A_2 = vector.load %arg0[%get3A, %get3A_0, %get3A_1] : memref<8x1x128xf32, #tpu.memory_space<vmem>>, vector<8x1x128xf32>
    %mul3A = arith.constant 1.27156579E-6 : f32
    %mul3A_3 = vector.broadcast %mul3A : f32 to vector<8x1x128xf32>
    %mul3A_4 = arith.mulf %get3A_2, %mul3A_3 : vector<8x1x128xf32>
    %get3A_5 = arith.constant 0 : index
    %get3A_6 = arith.constant 0 : index
    %get3A_7 = arith.constant 0 : index
    %get3A_8 = vector.load %arg1[%get3A_5, %get3A_6, %get3A_7] : memref<8x1x128xf32, #tpu.memory_space<vmem>>, vector<8x1x128xf32>
    %mul3A_9 = arith.constant 1.27156579E-6 : f32
    %mul3A_10 = vector.broadcast %mul3A_9 : f32 to vector<8x1x128xf32>
    %mul3A_11 = arith.mulf %get3A_8, %mul3A_10 : vector<8x1x128xf32>
    %sub3A = arith.subf %mul3A_4, %mul3A_11 : vector<8x1x128xf32>
    %abs3A = math.absf %sub3A : vector<8x1x128xf32>
    %reduce_sum3A = vector.shape_cast %abs3A : vector<8x1x128xf32> to vector<1x8x1x128xf32>
    %reduce_sum3A_12 = arith.constant dense<0.000000e+00> : vector<1xf32>
    %reduce_sum3A_13 = vector.multi_reduction <add>, %reduce_sum3A, %reduce_sum3A_12 [1, 2, 3] : vector<1x8x1x128xf32> to vector<1xf32>
    %reduce_sum3A_14 = vector.shape_cast %reduce_sum3A_13 : vector<1xf32> to vector<1x1x1x1xf32>
    %reduce_sum3A_15 = vector.extract %reduce_sum3A_14[0, 0, 0, 0] : f32 from vector<1x1x1x1xf32>
    %div3A = arith.constant 1.024000e+03 : f32
    %div3A_16 = arith.divf %reduce_sum3A_15, %div3A : f32
    %get3A_17 = arith.constant 0 : index
    %get3A_18 = arith.constant 0 : index
    %get3A_19 = vector.load %arg2[%get3A_17, %get3A_18] : memref<16x16xf32, #tpu.memory_space<vmem>>, vector<16x16xf32>
    %slice3A = vector.extract_strided_slice %get3A_19 {offsets = [0, 0], sizes = [8, 16], strides = [1, 1]} : vector<16x16xf32> to vector<8x16xf32>
    %slice3A_20 = vector.extract_strided_slice %get3A_19 {offsets = [8, 0], sizes = [8, 16], strides = [1, 1]} : vector<16x16xf32> to vector<8x16xf32>
    %sub3A_21 = arith.subf %slice3A, %slice3A_20 : vector<8x16xf32>
    %abs3A_22 = math.absf %sub3A_21 : vector<8x16xf32>
    %iota3A = tpu.iota {dimensions = array<i32: 1>} : vector<8x16xi32>
    %lt3A = arith.constant 5 : i32
    %lt3A_23 = vector.broadcast %lt3A : i32 to vector<8x16xi32>
    %lt3A_24 = arith.cmpi slt, %iota3A, %lt3A_23 : vector<8x16xi32>
    %jit3A = arith.constant 0.000000e+00 : f32
    %broadcast_in_dim3A = vector.broadcast %jit3A : f32 to vector<8x16xf32>
    %select_n3A = arith.select %lt3A_24, %abs3A_22, %broadcast_in_dim3A : vector<8x16xi1>, vector<8x16xf32>
    %reduce_sum3A_25 = vector.shape_cast %select_n3A : vector<8x16xf32> to vector<1x8x16xf32>
    %reduce_sum3A_26 = arith.constant dense<0.000000e+00> : vector<1xf32>
    %reduce_sum3A_27 = vector.multi_reduction <add>, %reduce_sum3A_25, %reduce_sum3A_26 [1, 2] : vector<1x8x16xf32> to vector<1xf32>
    %reduce_sum3A_28 = vector.shape_cast %reduce_sum3A_27 : vector<1xf32> to vector<1x1x1xf32>
    %reduce_sum3A_29 = vector.extract %reduce_sum3A_28[0, 0, 0] : f32 from vector<1x1x1xf32>
    %div3A_30 = arith.constant 4.000000e+01 : f32
    %div3A_31 = arith.divf %reduce_sum3A_29, %div3A_30 : f32
    %mul3A_32 = arith.constant 5.000000e-01 : f32
    %mul3A_33 = arith.mulf %mul3A_32, %div3A_31 : f32
    %add3A = arith.addf %div3A_16, %mul3A_33 : f32
    %broadcast_in_dim3A_34 = vector.broadcast %add3A : f32 to vector<1x1xf32>
    %swap3A = arith.constant 0 : index
    %swap3A_35 = arith.constant 0 : index
    %swap3A_36 = vector.load %arg3[%swap3A, %swap3A_35] : memref<1x1xf32, #tpu.memory_space<vmem>>, vector<1x1xf32>
    tpu.vector_store %arg3[%swap3A, %swap3A_35], %broadcast_in_dim3A_34 {strides = array<i32>} : memref<1x1xf32, #tpu.memory_space<vmem>>, vector<1x1xf32>,
    return
  }
}

</mosaic_0001>

<sc_bundles>
// kernel: kernel.5.cloned.1.call-start
scs
__scs_entry_jumppad:
0x0: {  	(pc) =	sbr.rel $0x88, $3  }
0x1: {  	(tag) =	ssettag $0x0;
	lr =	simm.s32 $0x1  }
0x2: {  	[smem:$0x3F9F] =	sst lr;
	_ =	strace $0xD0000000  }
0x3: {  	_ = 	snop  }
0x4: {  	_ = 	snop  }
0x5: {  	_ = 	snop  }
0x6: {  	_ = 	snop  }
0x7: {  	_ = 	snop  }
__scs_overlays_trampoline_lowered:
0x8: {  	[smem:$0x3FAE] =	sst s0  }
0x9: {  	[smem:$0x3FAF] =	sst s1  }
0xa: {  	[smem:$0x3FB0] =	sst s2  }
0xb: {  	[smem:$0x3FB1] =	sst s3  }
0xc: {  	[smem:$0x3FB2] =	sst s4  }
0xd: {  	[smem:$0x3FB3] =	sst s5  }
0xe: {  	[smem:$0x3FB4] =	sst s6  }
0xf: {  	[smem:$0x3FB5] =	sst s7  }
0x10: {  	[smem:$0x3FB6] =	sst s8  }
0x11: {  	[smem:$0x3FB7] =	sst s9;
	s0 =	simm.s32 @!p0 $0x0  }
0x12: {  	s1 =	sld [smem:$0x3F9D];
	s0 =	simm.s32 @p0 $0x1  }
0x13: {  	[smem:$0x3FB8] =	sst s0;
	s0 =	simm.s32 @!p1 $0x0  }
0x14: {  	s2 =	sld [smem:$0x3F9C];
	s0 =	simm.s32 @p1 $0x1  }
0x15: {  	[smem:$0x3FB9] =	sst s0;
	s0 =	simm.s32 @!p2 $0x0  }
0x16: {  	s3 =	sld [smem:$0x3FDB];
	s0 =	simm.s32 @p2 $0x1  }
0x17: {  	s4 =	simm.s32 $0x1BF5;
	[smem:$0x3FBB] =	sst s0  }
0x18: {  	s0 =	sld [smem:$0x3F9E];
	_ =	swait.ge [sflag:s4], $0x0  }
0x19: {  	s7 =	sld [smem:$0x3F9F]  }
0x1a: {  	s8 =	sadd.s32 $0xFFFFE003, lr  }
0x1b: {  	s9 =	sadd.s32 $0xFFFFFEF7, lr;
	s5 =	simm.s32 $0xFFFFFFFF;
	p2 =	slt.u32 s8, $0xFFFFF086  }
0x1c: {  	p1 =	slt.u32 s9, $0xF7A;
	s5 =	simm.s32 @!p2 $0x0  }
0x1d: {  	s5 =	simm.s32 @p1 $0x1;
	p0 =	seq.s32 s7, s2  }
0x1e: {  	s7 =	smul.u32 @!p0 $0xF7A, s2;
	p2 =	seq.s32 @!p0 s5, $0x0  }
0x1f: {  	s9 =	smul.u32 $0xF7A, s1;
	s8 =	simm.s32 @!p0 $0x1BF5;
	p2 =	por !p2, p0  }
0x20: {  	[sflag:s8] =	ssyncset.s32 @!p0 $0xFFFFF086;
	s6 =	sadd.s32 @!p0 s3, s7;
	s7 =	simm.s32 @!p0 $0x108  }
0x21: {  	s3 =	sadd.s32 s3, s9;
	s6 =	sadd.s32 @!p0 $0x88, s6;
	s7 =	simm.s32 @p2 $0x1082  }
0x22: {  	[simem:s7], [sflag:s8] =	dma.local @!p0 [hbm:s6], $0xF7A  }
0x23: {  	s9 =	sor.u32 $0xD0000000, s2;
	s6 =	simm.s32 $0x108;
	_ =	swait.ge @!p0 [sflag:s8], $0x0  }
0x24: {  	s3 =	sadd.s32 $0x88, s3;
	s6 =	simm.s32 @!p1 $0x1082;
	[sflag:s4] =	ssyncset.s32 $0xFFFFF086  }
0x25: {  	[simem:s6], [sflag:s4] =	dma.local [hbm:s3], $0xF7A  }
0x26: {  	[smem:$0x3F9F] =	sst s1;
	(tag) =	ssettag s2;
	_ =	strace s9  }
0x27: {  	s1 =	sld [smem:$0x3FAF]  }
0x28: {  	s2 =	sld [smem:$0x3FB0]  }
0x29: {  	s4 =	sld [smem:$0x3FB2]  }
0x2a: {  	p0 =	seq.s32 s5, $0x0;
	s5 =	sld [smem:$0x3FB3]  }
0x2b: {  	s6 =	sld [smem:$0x3FB4]  }
0x2c: {  	s7 =	sld [smem:$0x3FB5]  }
0x2d: {  	s3 =	simm.s32 $0x108;
	s8 =	sld [smem:$0x3FB6]  }
0x2e: {  	s3 =	simm.s32 @!p0 $0x1082;
	s9 =	sld [smem:$0x3FB7]  }
0x2f: {  	lr =	sadd.s32 s0, s3;
	s0 =	sld [smem:$0x3FAE]  }
0x30: {  	s3 =	sld [smem:$0x3FB1]  }
0x31: {  	[smem:$0x3FBA] =	sst s10  }
0x32: {  	s10 =	sld [smem:$0x3FB8];
	_ =	sdelay $0x3  }
0x33: {  	p0 =	seq.s32 s10, $0x1;
	s10 =	sld [smem:$0x3FBA];
	_ =	sdelay $0x3  }
0x34: {  	[smem:$0x3FBA] =	sst s10  }
0x35: {  	s10 =	sld [smem:$0x3FB9];
	_ =	sdelay $0x3  }
0x36: {  	p1 =	seq.s32 s10, $0x1;
	s10 =	sld [smem:$0x3FBA];
	_ =	sdelay $0x3  }
0x37: {  	[smem:$0x3FBA] =	sst s10  }
0x38: {  	s10 =	sld [smem:$0x3FBB]  }
0x39: {  	_ = 	snop;
	(pc) =	sbr.ind lr, $3  }
0x3a: {  	_ = 	snop  }
0x3b: {  	_ = 	snop  }
0x3c: {  	p2 =	seq.s32 s10, $0x1;
	s10 =	sld [smem:$0x3FBA]  }
0x3d: {  	_ =	shalt  }
0x3e: {  	_ =	shalt  }
0x3f: {  	_ =	shalt  }
0x40: {  	_ =	shalt  }
0x41: {  	_ =	shalt  }
0x42: {  	_ =	shalt  }
0x43: {  	_ =	shalt  }
0x44: {  	_ =	shalt  }
0x45: {  	_ =	shalt  }
0x46: {  	_ =	shalt  }
0x47: {  	_ =	shalt  }
0x48: {  	_ =	shalt  }
0x49: {  	_ =	shalt  }
0x4a: {  	_ =	shalt  }
0x4b: {  	_ =	shalt  }
0x4c: {  	_ =	shalt  }
0x4d: {  	_ =	shalt  }
0x4e: {  	_ =	shalt  }
0x4f: {  	_ =	shalt  }
0x50: {  	_ =	shalt  }
0x51: {  	_ =	shalt  }
0x52: {  	_ =	shalt  }
0x53: {  	_ =	shalt  }
0x54: {  	_ =	shalt  }
0x55: {  	_ =	shalt  }
0x56: {  	_ =	shalt  }
0x57: {  	_ =	shalt  }
0x58: {  	_ =	shalt  }
0x59: {  	_ =	shalt  }
0x5a: {  	_ =	shalt  }
0x5b: {  	_ =	shalt  }
0x5c: {  	_ =	shalt  }
0x5d: {  	_ =	shalt  }
0x5e: {  	_ =	shalt  }
0x5f: {  	_ =	shalt  }
0x60: {  	_ =	shalt  }
0x61: {  	_ =	shalt  }
0x62: {  	_ =	shalt  }
0x63: {  	_ =	shalt  }
0x64: {  	_ =	shalt  }
0x65: {  	_ =	shalt  }
0x66: {  	_ =	shalt  }
0x67: {  	_ =	shalt  }
0x68: {  	_ =	shalt  }
0x69: {  	_ =	shalt  }
0x6a: {  	_ =	shalt  }
0x6b: {  	_ =	shalt  }
0x6c: {  	_ =	shalt  }
0x6d: {  	_ =	shalt  }
0x6e: {  	_ =	shalt  }
0x6f: {  	_ =	shalt  }
0x70: {  	_ =	shalt  }
0x71: {  	_ =	shalt  }
0x72: {  	_ =	shalt  }
0x73: {  	_ =	shalt  }
0x74: {  	_ =	shalt  }
0x75: {  	_ =	shalt  }
0x76: {  	_ =	shalt  }
0x77: {  	_ =	shalt  }
0x78: {  	_ =	shalt  }
0x79: {  	_ =	shalt  }
0x7a: {  	_ =	shalt  }
0x7b: {  	_ =	shalt  }
0x7c: {  	_ =	shalt  }
0x7d: {  	_ =	shalt  }
0x7e: {  	_ =	shalt  }
0x7f: {  	_ =	shalt  }
0x80: {  	_ =	shalt  }
0x81: {  	_ =	shalt  }
0x82: {  	_ =	shalt  }
0x83: {  	_ =	shalt  }
0x84: {  	_ =	shalt  }
0x85: {  	_ =	shalt  }
0x86: {  	_ =	shalt  }
0x87: {  	_ =	shalt  }
.Lfunc_end0:
.L_simem_size_0:
called_computation_lowered:
.L_overlay_start_0:
0x88: {  	s2 =	sld [smem:$0x3FD9]  }
0x89: {  	s3 =	sld [smem:$0x3FFE];
	_ =	sdelay $0x1  }
0x8a: {  	s1 =	srdreg.scid  }
0x8b: {  	s0 =	sand.u32 $0x1, s1  }
0x8c: {  	s16 =	sshll.u32 s0, $0xA;
	s2 =	sadd.s32 s3, s2  }
0x8d: {  	s2 =	sadd.s32 s2, s16  }
0x8e: {  	[smem:$0x3FC6] =	sst s2  }
0x8f: {  	_ = 	snop  }
0x90: {  	(tm) =	ssettm $0x1  }
0x91: {  	s17 =	sld [smem:$0x3FFB];
	_ =	sdelay $0x3  }
0x92: {  	_ =	strace s17  }
0x93: {  	s2 =	sld [smem:$0x3FFC];
	_ =	sdelay $0x3  }
0x94: {  	_ =	strace s2  }
0x95: {  	s2 =	sld [smem:$0x3FFD];
	_ =	sdelay $0x3  }
0x96: {  	_ =	strace s2  }
0x97: {  	_ =	strace $0x8FFFFFFF  }
0x98: {  	s18 =	sld [smem:$0x3FDB];
	_ =	sdelay $0x1  }
0x99: {  	s19 =	simm.s32 $_scs_section_size  }
0x9a: {  	s4 =	simm.s32 $_size__tile_overlayer_lowered;
	s5 =	simm.s32 $_tile_overlayer_lowered  }
0x9b: {  	s22 =	simm.s32 $0x1BFF;
	s21 =	sshll.u32 s5, $0x1;
	s2 =	sadd.s32 s19, s18  }
0x9c: {  	s6 =	simm.s32 $0x0;
	s20 =	sshll.u32 s4, $0x1;
	s4 =	sadd.s32 s21, s2  }
0x9d: {  	[timem:s6], [sflag:s22] =	dma.local [hbm:s4], s20  }
0x9e: {  	_ =	swait.ge [sflag:s22], s20  }
0x9f: {  	s3 =	ssub.s32 $0x0, s20;
	[sflag:s22] =	ssyncset.done $0x0  }
0xa0: {  	[sflag:s22] =	ssyncadd.s32 s3;
	_ =	sdelay $0x1  }
0xa1: {  	s23 =	simm.s32 $0x1B8B  }
0xa2: {  	_ =	swait.ge [sflag:s23], $0x1  }
0xa3: {  	[sflag:s23] =	ssyncset.done $0x0  }
0xa4: {  	s25 =	simm.s32 $0x1B8E;
	s24 =	sld [smem:$0x3FFE];
	[sflag:s23] =	ssyncadd.s32 $0xFFFFFFFF  }
0xa5: {  	s26 =	simm.s32 $execute0_lowered;
	[smem:$0x3FD2] =	sst s25  }
0xa6: {  	s4 =	sshll.u32 s26, $0x1;
	_ =	strace $0x80000046;
	[dreg:$0x1] =	wrdreg $0xFFFFFFFF  }
0xa7: {  	s28 =	simm.s32 $_size_execute0_lowered;
	s2 =	sadd.s32 s2, s4;
	[dreg:$0x0] =	wrdreg $0x0  }
0xa8: {  	s4 =	sshll.u32 s28, $0x1;
	[dreg:$0x2] =	wrdreg s2  }
0xa9: {  	[dreg:$0x3] =	wrdreg s4  }
0xaa: {  	[dreg:$0x4] =	wrdreg $0xC0  }
0xab: {  	_ =	task [dreg:s6], $0x5FFFF  }
0xac: {  	[dreg:$0x1] =	wrdreg $0xFFFFFFFF  }
0xad: {  	[dreg:$0x0] =	wrdreg $0x60  }
0xae: {  	[dreg:$0x2] =	wrdreg s24  }
0xaf: {  	[dreg:$0x3] =	wrdreg $0x1D8800  }
0xb0: {  	[dreg:$0x4] =	wrdreg $0x9  }
0xb1: {  	_ =	task.clear_ibuf [dreg:s6], $0x5FFFF;
	_ =	strace $0x90000046  }
0xb2: {  	s29 =	simm.s32 $0x9;
	_ =	strace $0x80000052  }
0xb3: {  	_ =	swait.ge [sflag:s29], $0x1  }
0xb4: {  	[sflag:s29] =	ssyncadd.s32 $0xFFFFFFFF  }
0xb5: {  	_ =	strace $0x90000052  }
0xb6: {  	_ =	sfence  }
0xb7: {  	s30 =	sld [smem:$0x0];
	_ =	sdelay $0x2  }
0xb8: {  	s31 =	sshll.u32 s1, $0xD;
	s1 =	sshrl.u32 s1, $0x2  }
0xb9: {  	s3 =	sand.u32 $0x4000, s31;
	s1 =	sadd.s32 s1, s30  }
0xba: {  	s0 =	sor.u32 s3, s0;
	s1 =	sshll.u32 s1, $0x11  }
0xbb: {  	s0 =	sor.u32 s1, s0  }
0xbc: {  	s0 =	sadd.s32 $0x8F2B, s0  }
0xbd: {  	[sflag:s0] =	ssyncadd.remote.s32 $0x1  }
0xbe: {  	_ =	sfence.sel $0xFFFF  }
0xbf: {  	[dreg:$0x0] =	wrdreg $0xFFFFFFFF;
	(pc) =	sbr.abs _section_cstart, $3  }
0xc0: {  	[dreg:$0x1] =	wrdreg $0xFFFFFFFF  }
0xc1: {  	_ =	task.clear_ibuf [dreg:s6], $0x2FFFF;
	_ =	strace $0x9FFFFFFF  }
0xc2: {  	(tm) =	ssettm $0x7FFFFFFF  }
0xc3: {  	_ =	shalt  }
tec
execute0_lowered:
.L_overlay_start_1:
0x0: {  	(tag) =	ssettag $0x1  }
0x1: {  	s0 =	rddreg [dreg:$0x0]  }
0x2: {  	s2 =	rddreg [dreg:$0x1];
	s1 =	simm.s32 $0x0  }
0x3: {  	s3 =	srdreg.scid;
	s11 =	stileid.u32;
	s13 =	simm.s32 $0x1  }
0x4: {  	s14 =	simm.s32 $0x2000;
	s15 =	simm.s32 $0x4000;
	s16 =	simm.s32 $0x2  }
0x5: {  	s18 =	simm.s32 $0x3;
	[smem:$0x7FF] =	sst s1;
	s3 =	sand.u32 $0x1, s3  }
0x6: {  	s8 =	sand.u32 $0x1, s11;
	s24 =	sshrl.u32 s11, $0x3;
	s7 =	sshll.u32 s11, $0x3  }
0x7: {  	s25 =	sshll.u32 s11, $0x7;
	s11 =	simm.s32 $0x800;
	_ =	strace $0x80000047  }
0x8: {  	s4 =	sshll.u32 s3, $0x7;
	s5 =	ssub.s32 $0x2, s3;
	s9 =	sshll.u32 s8, $0x11  }
0x9: {  	s10 =	smul.u32 $0x30000, s24;
	p0 =	seq.s32 s3, $0x0;
	s7 =	sand.u32 $0x70, s7  }
0xa: {  	s12 =	sand.u32 $0x380, s25;
	s4 =	sadd.s32 s4, s0;
	s6 =	sshrl.u32 s5, $0x1  }
0xb: {  	s11 =	simm.s32 @!p0 $0x40800;
	p0 =	sne.s32 s8, $0x0;
	s6 =	ssub.s32 s5, s6  }
0xc: {  	s10 =	sshrl.u32 s10, $0x2;
	s5 =	smul.u32 $0xC000, s24;
	s0 =	sadd.s32 s11, s0  }
0xd: {  	s28 =	sadd.s32 s7, s4;
	s11 =	simm.s32 $0x80;
	s26 =	sadd.s32 s10, s2  }
0xe: {  	s4 =	sadd.s32 s0, s7;
	s30 =	sadd.s32 $0x80800, s28;
	s31 =	smax.u32 s6, $0x1  }
0xf: {  	v0 =	vlaneseq.u32;
	s3 =	sadd.s32 s12, s26;
	s5 =	sor.u32 s5, s12;
	[dreg:$0x5] =	wrdreg s30  }
0x10: {  	v1 =	vmul.u32 $0x1800, v0;
	s7 =	sadd.s32 s9, s4;
	[dreg:$0x6] =	wrdreg s31;
	s5 =	sxor.u32 $0x80, s5  }
0x11: {  	s9 =	sor.u32 $0x2000, s9;
	[dreg:$0x3] =	wrdreg s3;
	s29 =	sadd.s32 s5, s2  }
0x12: {  	v2 =	vimm.s32 $0x0;
	v3 =	vimm.s32 $0x1;
	v4 =	vadd.s32 $0x800, v1;
	s12 =	simm.s32 $0x400;
	s10 =	sadd.s32 $0x4000, s7;
	[dreg:$0x4] =	wrdreg s29  }
.LBB2_1:
0x13: {  	s0 =	simm.s32 $0x0  }
0x14: {  	s0 =	smul.u32 $0x6000, s0  }
0x15: {  	s2 =	simm.s32 $0x0  }
0x16: {  	s6 =	sand.u32 $0x780, s2;
	s0 =	sshra.s32 s0, $0x2  }
0x17: {  	s0 =	sor.u32 s6, s0  }
0x18: {  	_ =	strace $0x80000048;
	[tilespmem:s0+$0x4070] =	vst v2  }
0x19: {  	[tilespmem:s0+$0x4000] =	vst v2  }
.LBB2_2:
0x1a: {  	s2 =	sadd.s32 $0x80, s2;
	[tilespmem:s0+$0x4010] =	vst v2  }
0x1b: {  	s6 =	sshrl.u32 s2, $0xB;
	p1 =	slt.u32 s2, $0x7F80;
	[tilespmem:s0+$0x4020] =	vst v2  }
0x1c: {  	s6 =	smul.u32 $0x6000, s6;
	[tilespmem:s0+$0x4030] =	vst v2  }
.Ltmp0:
0x1d: {  	[tilespmem:s0+$0x4040] =	vst v2;
	(pc) =	sbr.rel @p1 .LBB2_2-.Ltmp0, $4  }
0x1e: {  	s8 =	sand.u32 $0x780, s2;
	s6 =	sshra.s32 s6, $0x2;
	[tilespmem:s0+$0x4050] =	vst v2  }
0x1f: {  	[tilespmem:s0+$0x4060] =	vst v2;
	s0 =	sor.u32 s8, s6  }
0x20: {  	[tilespmem:s0+$0x4070] =	vst v2  }
0x21: {  	[tilespmem:s0+$0x4000] =	vst v2  }
0x22: {  	[tilespmem:s0+$0x4010] =	vst v2  }
0x23: {  	[tilespmem:s0+$0x4020] =	vst v2  }
0x24: {  	[tilespmem:s0+$0x4030] =	vst v2  }
0x25: {  	[tilespmem:s0+$0x4040] =	vst v2  }
0x26: {  	[tilespmem:s0+$0x4050] =	vst v2  }
0x27: {  	[tilespmem:s0+$0x4060] =	vst v2  }
0x28: {  	_ =	strace $0x90000048  }
0x29: {  	s0 =	simm.s32 $0x0;
	_ =	strace $0x80000049  }
0x2a: {  	v9 =	vimm.f32 $+Inf;
	v5 =	vimm.f32 $-Inf;
	[tilespmem:s0], [sflag:$0x1] =	stream.strided.gather [hbm4b:s7+s11], $0x2000, s12, s11, $0x200038;
	[tilespmem:$0x1F080] =	vst v63  }
.LBB2_4:
0x2b: {  	s19 =	sshll.u32 s0, $0xE;
	_ =	swait.ge [sflag:s13], $0x2000  }
0x2c: {  	[sflag:s13] =	ssyncset.done $0x0;
	s2 =	sor.u32 s9, s19  }
0x2d: {  	s6 =	simm.s32 $0x80;
	[sflag:s13] =	ssyncadd.s32 $0xFFFFE000;
	s2 =	sadd.s32 s2, s4  }
0x2e: {  	[tilespmem:s14], [sflag:$0x2] =	stream.strided.gather [hbm4b:s2+s6], $0x2000, s12, s6, $0x200038;
	[tilespmem:$0x1F080] =	vst v63  }
0x2f: {  	v6 =	vld [tilespmem:s6+$0xFFFFFFF0]  }
0x30: {  	v12 =	vld [tilespmem:s6+$0xFFFFFFB0]  }
0x31: {  	v11 =	vld [tilespmem:s6+$0xFFFFFF80]  }
0x32: {  	v7 =	vld [tilespmem:s6+$0x20]  }
0x33: {  	v13 =	vld [tilespmem:s6+$0xFFFFFF90]  }
0x34: {  	v8 =	vld [tilespmem:s6+$0xFFFFFFD0]  }
0x35: {  	v14 =	vld [tilespmem:s6+$0xFFFFFFA0]  }
0x36: {  	v18 =	vld [tilespmem:s6+$0xFFFFFFC0]  }
0x37: {  	v10 =	vld [tilespmem:s6+$0xFFFFFFE0];
	v15 =	vshra.s32 v11, $0x13;
	v9 =	vmin.f32 v9, v11  }
0x38: {  	v11 =	vmax.f32 v5, v11;
	v16 =	vshra.s32 v7, $0x13;
	v5 =	vld [tilespmem:s6+$0x0];
	v17 =	vshra.s32 v13, $0x13  }
0x39: {  	v19 =	vshra.s32 v12, $0x13;
	v16 =	vadd.s32 v1, v16;
	v20 =	vmin.f32 v9, v13;
	v9 =	vld [tilespmem:s6+$0x50]  }
0x3a: {  	v11 =	vmax.f32 v11, v13;
	v21 =	vadd.s32 v1, v19;
	v13 =	vld [tilespmem:s6+$0x10];
	v27 =	vadd.s32 v1, v15  }
0x3b: {  	v15 =	vld [tilespmem:s6+$0x60];
	v19 =	vmin.f32 v20, v14;
	v20 =	vmax.f32 v11, v14;
	v11 =	vshra.s32 v8, $0x13  }
0x3c: {  	v22 =	vshra.s32 v14, $0x13;
	v14 =	vmin.f32 v19, v12;
	v24 =	vadd.s32 v1, v11;
	v11 =	vld [tilespmem:s6+$0x40]  }
0x3d: {  	v26 =	vadd.s32 v1, v17;
	v19 =	vmin.f32 v14, v18;
	v14 =	vld [tilespmem:s6+$0x30]  }
0x3e: {  	v25 =	vshra.s32 v10, $0x13;
	v20 =	vmax.f32 v20, v12;
	v12 =	vshra.s32 v5, $0x13;
	[tilespmem:v16+s15+$0x0] =	vst.idx.add.s32.msk $0xffff, v3  }
0x3f: {  	v17 =	vshra.s32 v6, $0x13;
	v23 =	vadd.s32 v1, v22;
	v22 =	vadd.s32 v1, v12;
	v12 =	vld [tilespmem:s6+$0x70]  }
0x40: {  	v17 =	vadd.s32 v1, v17;
	v16 =	vmax.f32 v20, v18;
	v20 =	vshra.s32 v13, $0x13;
	[tilespmem:v21+s15+$0x0] =	vst.idx.add.s32.msk $0xffff, v3  }
0x41: {  	v18 =	vshra.s32 v18, $0x13;
	v20 =	vadd.s32 v1, v20;
	[tilespmem:v24+s15+$0x0] =	vst.idx.add.s32.msk $0xffff, v3;
	v24 =	vmax.f32 v16, v8  }
0x42: {  	[tilespmem:v26+s15+$0x0] =	vst.idx.add.s32.msk $0xffff, v3;
	v16 =	vadd.s32 v1, v25;
	v25 =	vshra.s32 v9, $0x13;
	v24 =	vmax.f32 v24, v10  }
0x43: {  	[tilespmem:v27+s15+$0x0] =	vst.idx.add.s32.msk $0xffff, v3;
	v28 =	vshra.s32 v14, $0x13;
	v21 =	vadd.s32 v1, v25;
	v25 =	vshra.s32 v11, $0x13  }
0x44: {  	s2 =	simm.s32 $0x0;
	s6 =	simm.s32 $0x180;
	v24 =	vmax.f32 v24, v6;
	v26 =	vadd.s32 v1, v28;
	v25 =	vadd.s32 v1, v25  }
.LBB2_5:
0x45: {  	s2 =	sadd.s32 $0x100, s2;
	[tilespmem:v23+s15+$0x0] =	vst.idx.add.s32.msk $0xffff, v3;
	v8 =	vmin.f32 v19, v8;
	v19 =	vmax.f32 v24, v5;
	v23 =	vshra.s32 v15, $0x13  }
0x46: {  	v27 =	vadd.s32 v1, v18;
	v24 =	vld [tilespmem:s6+$0xFFFFFFF0];
	p1 =	slt.u32 s2, $0x1F00;
	v18 =	vmax.f32 v19, v13;
	v19 =	vadd.s32 v1, v23  }
0x47: {  	v10 =	vmin.f32 v8, v10;
	[tilespmem:v22+s15+$0x0] =	vst.idx.add.s32.msk $0xffff, v3;
	v18 =	vmax.f32 v18, v7;
	v22 =	vshra.s32 v12, $0x13  }
0x48: {  	v6 =	vmin.f32 v10, v6;
	v8 =	vld [tilespmem:s6+$0xFFFFFFD0];
	v10 =	vmax.f32 v18, v14;
	v22 =	vadd.s32 v1, v22  }
0x49: {  	v18 =	vmin.f32 v6, v5;
	v5 =	vld [tilespmem:s6+$0x0];
	v10 =	vmax.f32 v10, v11  }
0x4a: {  	v13 =	vmin.f32 v18, v13;
	[tilespmem:v26+s15+$0x0] =	vst.idx.add.s32.msk $0xffff, v3;
	v10 =	vmax.f32 v10, v9  }
0x4b: {  	v7 =	vmin.f32 v13, v7;
	[tilespmem:v25+s15+$0x0] =	vst.idx.add.s32.msk $0xffff, v3;
	v10 =	vmax.f32 v10, v15;
	v6 =	vmov v24  }
0x4c: {  	v7 =	vmin.f32 v7, v14;
	v24 =	vld [tilespmem:s6+$0xFFFFFFC0];
	v13 =	vmax.f32 v10, v12  }
0x4d: {  	v7 =	vmin.f32 v7, v11;
	v10 =	vld [tilespmem:s6+$0xFFFFFFE0]  }
0x4e: {  	v7 =	vmin.f32 v7, v9;
	[tilespmem:v21+s15+$0x0] =	vst.idx.add.s32.msk $0xffff, v3  }
0x4f: {  	v7 =	vmin.f32 v7, v15;
	[tilespmem:v19+s15+$0x0] =	vst.idx.add.s32.msk $0xffff, v3  }
0x50: {  	v9 =	vmin.f32 v7, v12;
	v14 =	vld [tilespmem:s6+$0xFFFFFFB0]  }
0x51: {  	v11 =	vld [tilespmem:s6+$0xFFFFFFA0];
	v18 =	vshra.s32 v24, $0x13  }
0x52: {  	v12 =	vld [tilespmem:s6+$0xFFFFFF80]  }
0x53: {  	v7 =	vld [tilespmem:s6+$0x20]  }
0x54: {  	v15 =	vld [tilespmem:s6+$0xFFFFFF90]  }
0x55: {  	[tilespmem:v17+s15+$0x0] =	vst.idx.add.s32.msk $0xffff, v3  }
0x56: {  	[tilespmem:v20+s15+$0x0] =	vst.idx.add.s32.msk $0xffff, v3  }
0x57: {  	v17 =	vshra.s32 v12, $0x13;
	[tilespmem:v27+s15+$0x0] =	vst.idx.add.s32.msk $0xffff, v3  }
0x58: {  	v9 =	vmin.f32 v9, v12;
	v12 =	vmax.f32 v13, v12;
	v13 =	vshra.s32 v7, $0x13;
	[tilespmem:v22+s15+$0x0] =	vst.idx.add.s32.msk $0xffff, v3  }
0x59: {  	v19 =	vshra.s32 v14, $0x13;
	v20 =	vshra.s32 v15, $0x13;
	v21 =	vadd.s32 v1, v13;
	[tilespmem:v16+s15+$0x0] =	vst.idx.add.s32.msk $0xffff, v3  }
0x5a: {  	v25 =	vadd.s32 v1, v19;
	v13 =	vmin.f32 v9, v15;
	v12 =	vmax.f32 v12, v15;
	v9 =	vld [tilespmem:s6+$0x50]  }
0x5b: {  	v16 =	vshra.s32 v8, $0x13;
	v15 =	vmin.f32 v13, v11;
	v12 =	vmax.f32 v12, v11;
	v13 =	vld [tilespmem:s6+$0x10]  }
0x5c: {  	v22 =	vshra.s32 v11, $0x13;
	v16 =	vadd.s32 v1, v16;
	v15 =	vmin.f32 v15, v14;
	v11 =	vld [tilespmem:s6+$0x40]  }
0x5d: {  	v27 =	vshra.s32 v10, $0x13;
	v26 =	vmax.f32 v12, v14;
	v19 =	vmin.f32 v15, v24;
	v14 =	vld [tilespmem:s6+$0x30]  }
0x5e: {  	v20 =	vadd.s32 v1, v20;
	v12 =	vshra.s32 v5, $0x13;
	v15 =	vshra.s32 v6, $0x13;
	[tilespmem:v21+s15+$0x0] =	vst.idx.add.s32.msk $0xffff, v3  }
0x5f: {  	v28 =	vadd.s32 v1, v17;
	v23 =	vadd.s32 v1, v22;
	v22 =	vadd.s32 v1, v12;
	v12 =	vld [tilespmem:s6+$0x70]  }
.Ltmp1:
0x60: {  	v17 =	vadd.s32 v1, v15;
	v21 =	vmax.f32 v26, v24;
	v26 =	vshra.s32 v13, $0x13;
	v15 =	vld [tilespmem:s6+$0x60];
	(pc) =	sbr.rel @p1 .LBB2_5-.Ltmp1, $4  }
0x61: {  	v21 =	vmax.f32 v21, v8;
	v24 =	vshra.s32 v9, $0x13;
	[tilespmem:v16+s15+$0x0] =	vst.idx.add.s32.msk $0xffff, v3;
	v16 =	vadd.s32 v1, v27  }
0x62: {  	[tilespmem:v25+s15+$0x0] =	vst.idx.add.s32.msk $0xffff, v3;
	v25 =	vmax.f32 v21, v10;
	v27 =	vshra.s32 v14, $0x13;
	v21 =	vadd.s32 v1, v24  }
0x63: {  	[tilespmem:v20+s15+$0x0] =	vst.idx.add.s32.msk $0xffff, v3;
	v24 =	vmax.f32 v25, v6;
	v20 =	vadd.s32 v1, v26;
	v25 =	vshra.s32 v11, $0x13  }
0x64: {  	s6 =	sadd.s32 $0x100, s6;
	v26 =	vadd.s32 v1, v27;
	[tilespmem:v28+s15+$0x0] =	vst.idx.add.s32.msk $0xffff, v3;
	v25 =	vadd.s32 v1, v25  }
0x65: {  	_ =	sdelay $0x3  }
0x66: {  	[tilespmem:v23+s15+$0x0] =	vst.idx.add.s32.msk $0xffff, v3  }
0x67: {  	[tilespmem:v22+s15+$0x0] =	vst.idx.add.s32.msk $0xffff, v3  }
0x68: {  	[tilespmem:v26+s15+$0x0] =	vst.idx.add.s32.msk $0xffff, v3  }
0x69: {  	v27 =	vshra.s32 v15, $0x13;
	v18 =	vadd.s32 v1, v18;
	[tilespmem:v25+s15+$0x0] =	vst.idx.add.s32.msk $0xffff, v3  }
0x6a: {  	v22 =	vshra.s32 v12, $0x13;
	[tilespmem:v21+s15+$0x0] =	vst.idx.add.s32.msk $0xffff, v3;
	v23 =	vadd.s32 v1, v27  }
0x6b: {  	[tilespmem:v17+s15+$0x0] =	vst.idx.add.s32.msk $0xffff, v3;
	v22 =	vadd.s32 v1, v22  }
0x6c: {  	[tilespmem:v20+s15+$0x0] =	vst.idx.add.s32.msk $0xffff, v3  }
0x6d: {  	[tilespmem:v16+s15+$0x0] =	vst.idx.add.s32.msk $0xffff, v3  }
0x6e: {  	[tilespmem:v18+s15+$0x0] =	vst.idx.add.s32.msk $0xffff, v3  }
0x6f: {  	[tilespmem:v23+s15+$0x0] =	vst.idx.add.s32.msk $0xffff, v3  }
0x70: {  	[tilespmem:v22+s15+$0x0] =	vst.idx.add.s32.msk $0xffff, v3  }
0x71: {  	p1 =	seq.s32 s0, $0x7;
	s31 =	simm.s32 $0x2080;
	_ =	swait.ge [sflag:s16], $0x2000  }
0x72: {  	v8 =	vmin.f32 v19, v8;
	s2 =	sadd.s32 @!p1 s10, s19;
	s6 =	simm.s32 @!p1 $0x80;
	[sflag:s16] =	ssyncset.done $0x0  }
0x73: {  	s8 =	simm.s32 @!p1 $0x400;
	s19 =	simm.s32 @!p1 $0x0;
	v8 =	vmin.f32 v8, v10;
	[sflag:s16] =	ssyncadd.s32 $0xFFFFE000  }
0x74: {  	v6 =	vmin.f32 v8, v6;
	[tilespmem:s19], [sflag:$0x1] =	stream.strided.gather @!p1 [hbm4b:s2+s6], $0x2000, s8, s6, $0x200038;
	[tilespmem:$0x1F080] =	vst v63  }
0x75: {  	v8 =	vmax.f32 v24, v5;
	v6 =	vmin.f32 v6, v5;
	v5 =	vld [tilespmem:s31+$0xFFFFFFF0]  }
0x76: {  	v8 =	vmax.f32 v8, v13;
	v6 =	vmin.f32 v6, v13;
	v13 =	vld [tilespmem:s31+$0xFFFFFFB0]  }
0x77: {  	v8 =	vmax.f32 v8, v7;
	v6 =	vmin.f32 v6, v7;
	v16 =	vld [tilespmem:s31+$0xFFFFFF80]  }
0x78: {  	v8 =	vmax.f32 v8, v14;
	v6 =	vmin.f32 v6, v14;
	v7 =	vld [tilespmem:s31+$0x20]  }
0x79: {  	v8 =	vmax.f32 v8, v11;
	v6 =	vmin.f32 v6, v11;
	v11 =	vld [tilespmem:s31+$0xFFFFFF90]  }
0x7a: {  	v10 =	vmax.f32 v8, v9;
	v6 =	vmin.f32 v6, v9;
	v8 =	vld [tilespmem:s31+$0xFFFFFFD0]  }
0x7b: {  	v9 =	vmax.f32 v10, v15;
	v6 =	vmin.f32 v6, v15;
	v10 =	vld [tilespmem:s31+$0xFFFFFFE0]  }
0x7c: {  	v6 =	vmin.f32 v6, v12;
	v15 =	vld [tilespmem:s31+$0xFFFFFFA0]  }
0x7d: {  	v9 =	vmax.f32 v9, v12;
	v19 =	vld [tilespmem:s31+$0xFFFFFFC0];
	v12 =	vmin.f32 v6, v16  }
0x7e: {  	v9 =	vmax.f32 v9, v16;
	v14 =	vshra.s32 v7, $0x13;
	v6 =	vld [tilespmem:s31+$0x0];
	v18 =	vshra.s32 v11, $0x13  }
0x7f: {  	v20 =	vadd.s32 v1, v14;
	v12 =	vmin.f32 v12, v11;
	v11 =	vmax.f32 v9, v11;
	v9 =	vld [tilespmem:s31+$0x50]  }
0x80: {  	v17 =	vshra.s32 v16, $0x13;
	v16 =	vshra.s32 v13, $0x13;
	v26 =	vshra.s32 v10, $0x13;
	v14 =	vld [tilespmem:s31+$0x10]  }
0x81: {  	v24 =	vadd.s32 v1, v16;
	v16 =	vshra.s32 v8, $0x13;
	v28 =	vadd.s32 v1, v17;
	v17 =	vld [tilespmem:s31+$0x60]  }
0x82: {  	v18 =	vadd.s32 v1, v18;
	v12 =	vmin.f32 v12, v15;
	v25 =	vadd.s32 v1, v16;
	v16 =	vld [tilespmem:s31+$0x30]  }
0x83: {  	v27 =	vshra.s32 v5, $0x13;
	v11 =	vmax.f32 v11, v15;
	v21 =	vmin.f32 v12, v13;
	v12 =	vld [tilespmem:s31+$0x40]  }
0x84: {  	v15 =	vshra.s32 v15, $0x13;
	v11 =	vmax.f32 v11, v13;
	v13 =	vshra.s32 v6, $0x13;
	[tilespmem:v20+s15+$0x0] =	vst.idx.add.s32.msk $0xffff, v3  }
0x85: {  	v23 =	vadd.s32 v1, v15;
	v15 =	vadd.s32 v1, v27;
	v22 =	vadd.s32 v1, v13;
	v13 =	vld [tilespmem:s31+$0x70]  }
0x86: {  	v21 =	vmin.f32 v21, v19;
	v11 =	vmax.f32 v11, v19;
	v19 =	vshra.s32 v19, $0x13;
	[tilespmem:v24+s15+$0x0] =	vst.idx.add.s32.msk $0xffff, v3  }
0x87: {  	v27 =	vshra.s32 v14, $0x13;
	v20 =	vmax.f32 v11, v8;
	v11 =	vadd.s32 v1, v26;
	[tilespmem:v18+s15+$0x0] =	vst.idx.add.s32.msk $0xffff, v3  }
0x88: {  	[tilespmem:v25+s15+$0x0] =	vst.idx.add.s32.msk $0xffff, v3;
	v25 =	vshra.s32 v9, $0x13;
	v24 =	vmax.f32 v20, v10;
	v29 =	vshra.s32 v16, $0x13  }
0x89: {  	[tilespmem:v28+s15+$0x0] =	vst.idx.add.s32.msk $0xffff, v3;
	v18 =	vadd.s32 v1, v27;
	v26 =	vmax.f32 v24, v5;
	v24 =	vshra.s32 v12, $0x13  }
0x8a: {  	s2 =	simm.s32 $0x0;
	s6 =	simm.s32 $0x2180;
	v20 =	vadd.s32 v1, v25;
	v25 =	vadd.s32 v1, v29;
	v24 =	vadd.s32 v1, v24  }
.LBB2_7:
0x8b: {  	s2 =	sadd.s32 $0x100, s2;
	[tilespmem:v23+s15+$0x0] =	vst.idx.add.s32.msk $0xffff, v3;
	v8 =	vmin.f32 v21, v8;
	v21 =	vmax.f32 v26, v6;
	v23 =	vshra.s32 v17, $0x13  }
0x8c: {  	v27 =	vadd.s32 v1, v19;
	v26 =	vld [tilespmem:s6+$0xFFFFFFF0];
	p1 =	slt.u32 s2, $0x1F00;
	v19 =	vmax.f32 v21, v14;
	v21 =	vadd.s32 v1, v23  }
0x8d: {  	v10 =	vmin.f32 v8, v10;
	[tilespmem:v22+s15+$0x0] =	vst.idx.add.s32.msk $0xffff, v3;
	v19 =	vmax.f32 v19, v7;
	v22 =	vshra.s32 v13, $0x13  }
0x8e: {  	v5 =	vmin.f32 v10, v5;
	v8 =	vld [tilespmem:s6+$0xFFFFFFD0];
	v10 =	vmax.f32 v19, v16;
	v22 =	vadd.s32 v1, v22  }
0x8f: {  	v19 =	vmin.f32 v5, v6;
	v6 =	vld [tilespmem:s6+$0x0];
	v10 =	vmax.f32 v10, v12  }
0x90: {  	v14 =	vmin.f32 v19, v14;
	[tilespmem:v25+s15+$0x0] =	vst.idx.add.s32.msk $0xffff, v3;
	v10 =	vmax.f32 v10, v9  }
0x91: {  	v7 =	vmin.f32 v14, v7;
	[tilespmem:v24+s15+$0x0] =	vst.idx.add.s32.msk $0xffff, v3;
	v10 =	vmax.f32 v10, v17;
	v5 =	vmov v26  }
0x92: {  	v7 =	vmin.f32 v7, v16;
	v24 =	vld [tilespmem:s6+$0xFFFFFFC0];
	v14 =	vmax.f32 v10, v13  }
0x93: {  	v7 =	vmin.f32 v7, v12;
	v10 =	vld [tilespmem:s6+$0xFFFFFFE0]  }
0x94: {  	v7 =	vmin.f32 v7, v9;
	[tilespmem:v20+s15+$0x0] =	vst.idx.add.s32.msk $0xffff, v3  }
0x95: {  	v7 =	vmin.f32 v7, v17;
	[tilespmem:v21+s15+$0x0] =	vst.idx.add.s32.msk $0xffff, v3  }
0x96: {  	v9 =	vmin.f32 v7, v13;
	v16 =	vld [tilespmem:s6+$0xFFFFFFB0]  }
0x97: {  	v12 =	vld [tilespmem:s6+$0xFFFFFFA0];
	v19 =	vshra.s32 v24, $0x13  }
0x98: {  	v13 =	vld [tilespmem:s6+$0xFFFFFF80]  }
0x99: {  	v7 =	vld [tilespmem:s6+$0x20]  }
0x9a: {  	v17 =	vld [tilespmem:s6+$0xFFFFFF90]  }
0x9b: {  	[tilespmem:v15+s15+$0x0] =	vst.idx.add.s32.msk $0xffff, v3  }
0x9c: {  	[tilespmem:v18+s15+$0x0] =	vst.idx.add.s32.msk $0xffff, v3  }
0x9d: {  	v15 =	vshra.s32 v13, $0x13;
	[tilespmem:v27+s15+$0x0] =	vst.idx.add.s32.msk $0xffff, v3  }
0x9e: {  	v9 =	vmin.f32 v9, v13;
	v13 =	vmax.f32 v14, v13;
	v14 =	vshra.s32 v7, $0x13;
	[tilespmem:v22+s15+$0x0] =	vst.idx.add.s32.msk $0xffff, v3  }
0x9f: {  	v20 =	vshra.s32 v16, $0x13;
	v18 =	vshra.s32 v17, $0x13;
	v22 =	vadd.s32 v1, v14;
	[tilespmem:v11+s15+$0x0] =	vst.idx.add.s32.msk $0xffff, v3  }
0xa0: {  	v20 =	vadd.s32 v1, v20;
	v11 =	vmin.f32 v9, v17;
	v13 =	vmax.f32 v13, v17;
	v9 =	vld [tilespmem:s6+$0x50]  }
0xa1: {  	v17 =	vshra.s32 v8, $0x13;
	v11 =	vmin.f32 v11, v12;
	v13 =	vmax.f32 v13, v12;
	v14 =	vld [tilespmem:s6+$0x10]  }
0xa2: {  	v23 =	vshra.s32 v12, $0x13;
	v25 =	vadd.s32 v1, v17;
	v11 =	vmin.f32 v11, v16;
	v12 =	vld [tilespmem:s6+$0x40]  }
0xa3: {  	v17 =	vmax.f32 v13, v16;
	v21 =	vmin.f32 v11, v24;
	v11 =	vshra.s32 v10, $0x13;
	v16 =	vld [tilespmem:s6+$0x30]  }
0xa4: {  	v26 =	vshra.s32 v5, $0x13;
	v18 =	vadd.s32 v1, v18;
	v13 =	vshra.s32 v6, $0x13;
	[tilespmem:v22+s15+$0x0] =	vst.idx.add.s32.msk $0xffff, v3  }
0xa5: {  	v23 =	vadd.s32 v1, v23;
	v27 =	vadd.s32 v1, v15;
	v22 =	vadd.s32 v1, v13;
	v13 =	vld [tilespmem:s6+$0x70]  }
.Ltmp2:
0xa6: {  	v15 =	vadd.s32 v1, v26;
	v24 =	vmax.f32 v17, v24;
	v28 =	vshra.s32 v14, $0x13;
	v17 =	vld [tilespmem:s6+$0x60];
	(pc) =	sbr.rel @p1 .LBB2_7-.Ltmp2, $4  }
0xa7: {  	v24 =	vmax.f32 v24, v8;
	v11 =	vadd.s32 v1, v11;
	[tilespmem:v25+s15+$0x0] =	vst.idx.add.s32.msk $0xffff, v3;
	v25 =	vshra.s32 v9, $0x13  }
0xa8: {  	v24 =	vmax.f32 v24, v10;
	[tilespmem:v20+s15+$0x0] =	vst.idx.add.s32.msk $0xffff, v3;
	v29 =	vshra.s32 v16, $0x13;
	v20 =	vadd.s32 v1, v25  }
0xa9: {  	v26 =	vmax.f32 v24, v5;
	v24 =	vshra.s32 v12, $0x13;
	[tilespmem:v18+s15+$0x0] =	vst.idx.add.s32.msk $0xffff, v3;
	v18 =	vadd.s32 v1, v28  }
0xaa: {  	s6 =	sadd.s32 $0x100, s6;
	v24 =	vadd.s32 v1, v24;
	v25 =	vadd.s32 v1, v29;
	[tilespmem:v27+s15+$0x0] =	vst.idx.add.s32.msk $0xffff, v3  }
0xab: {  	_ =	sdelay $0x3  }
0xac: {  	[tilespmem:v23+s15+$0x0] =	vst.idx.add.s32.msk $0xffff, v3  }
0xad: {  	[tilespmem:v22+s15+$0x0] =	vst.idx.add.s32.msk $0xffff, v3  }
0xae: {  	v8 =	vmin.f32 v21, v8;
	[tilespmem:v25+s15+$0x0] =	vst.idx.add.s32.msk $0xffff, v3  }
0xaf: {  	[tilespmem:v24+s15+$0x0] =	vst.idx.add.s32.msk $0xffff, v3;
	v8 =	vmin.f32 v8, v10  }
0xb0: {  	v27 =	vshra.s32 v17, $0x13;
	v62 =	vmax.f32 v26, v6;
	[tilespmem:v20+s15+$0x0] =	vst.idx.add.s32.msk $0xffff, v3;
	v5 =	vmin.f32 v8, v5  }
0xb1: {  	v63 =	vshra.s32 v13, $0x13;
	[tilespmem:v15+s15+$0x0] =	vst.idx.add.s32.msk $0xffff, v3;
	v61 =	vadd.s32 v1, v27;
	v5 =	vmin.f32 v5, v6  }
0xb2: {  	s0 =	sadd.s32 $0x1, s0;
	v10 =	vadd.s32 v1, v19;
	v8 =	vmax.f32 v62, v14;
	v5 =	vmin.f32 v5, v14  }
0xb3: {  	p1 =	sne.s32 s0, $0x8;
	v6 =	vadd.s32 v1, v63;
	v8 =	vmax.f32 v8, v7;
	v5 =	vmin.f32 v5, v7  }
.Ltmp3:
0xb4: {  	[tilespmem:v18+s15+$0x0] =	vst.idx.add.s32.msk $0xffff, v3;
	v7 =	vmax.f32 v8, v16;
	v5 =	vmin.f32 v5, v16;
	(pc) =	sbr.rel @p1 .LBB2_4-.Ltmp3, $4  }
0xb5: {  	[tilespmem:v11+s15+$0x0] =	vst.idx.add.s32.msk $0xffff, v3;
	v7 =	vmax.f32 v7, v12;
	v5 =	vmin.f32 v5, v12  }
0xb6: {  	[tilespmem:v61+s15+$0x0] =	vst.idx.add.s32.msk $0xffff, v3;
	v7 =	vmax.f32 v7, v9;
	v5 =	vmin.f32 v5, v9  }
0xb7: {  	[tilespmem:v10+s15+$0x0] =	vst.idx.add.s32.msk $0xffff, v3;
	v7 =	vmax.f32 v7, v17;
	v8 =	vmin.f32 v5, v17  }
0xb8: {  	[tilespmem:v6+s15+$0x0] =	vst.idx.add.s32.msk $0xffff, v3;
	v5 =	vmax.f32 v7, v13;
	v9 =	vmin.f32 v8, v13  }
0xb9: {  	_ =	strace $0x90000049  }
0xba: {  	s2 =	simm.s32 $0x0;
	s0 =	simm.s32 $0x0;
	_ =	strace $0x8000004A  }
0xbb: {  	s6 =	sand.u32 $0x7E0, s2;
	v6 =	vld [tilespmem:s0+$0x4000]  }
0xbc: {  	v7 =	vld [tilespmem:s6+$0x5800]  }
0xbd: {  	v8 =	vld [tilespmem:s6+$0x7000]  }
0xbe: {  	v10 =	vld [tilespmem:s6+$0x8800]  }
0xbf: {  	v11 =	vld [tilespmem:s6+$0xA000]  }
0xc0: {  	v12 =	vld [tilespmem:s6+$0xB800]  }
0xc1: {  	v13 =	vld [tilespmem:s6+$0xD000]  }
0xc2: {  	v14 =	vld [tilespmem:s6+$0xE800]  }
0xc3: {  	v15 =	vld [tilespmem:s6+$0x10000]  }
0xc4: {  	v16 =	vld [tilespmem:s6+$0x11800]  }
0xc5: {  	v17 =	vld [tilespmem:s6+$0x13000]  }
0xc6: {  	v18 =	vld [tilespmem:s6+$0x14800]  }
0xc7: {  	v19 =	vld [tilespmem:s6+$0x16000]  }
0xc8: {  	v20 =	vld [tilespmem:s6+$0x17800]  }
0xc9: {  	v21 =	vld [tilespmem:s6+$0x19000]  }
0xca: {  	v22 =	vld [tilespmem:s6+$0x1A800];
	v6 =	vadd.s32 v6, v7  }
0xcb: {  	v7 =	vld [tilespmem:s0+$0x4010];
	v6 =	vadd.s32 v8, v6  }
0xcc: {  	v8 =	vld [tilespmem:s0+$0x5810];
	v6 =	vadd.s32 v10, v6  }
0xcd: {  	v10 =	vld [tilespmem:s0+$0x7010];
	v6 =	vadd.s32 v11, v6  }
0xce: {  	v11 =	vld [tilespmem:s0+$0x8810];
	v6 =	vadd.s32 v12, v6  }
0xcf: {  	v12 =	vld [tilespmem:s0+$0xA010];
	v6 =	vadd.s32 v13, v6  }
0xd0: {  	v13 =	vld [tilespmem:s0+$0xB810];
	v6 =	vadd.s32 v14, v6  }
0xd1: {  	v7 =	vadd.s32 v7, v8;
	v8 =	vld [tilespmem:s0+$0xD010];
	v6 =	vadd.s32 v15, v6  }
0xd2: {  	v7 =	vadd.s32 v10, v7;
	v10 =	vld [tilespmem:s0+$0xE810];
	v6 =	vadd.s32 v16, v6  }
0xd3: {  	v7 =	vadd.s32 v11, v7;
	v11 =	vld [tilespmem:s0+$0x10010];
	v6 =	vadd.s32 v17, v6  }
0xd4: {  	v7 =	vadd.s32 v12, v7;
	v12 =	vld [tilespmem:s0+$0x11810];
	v6 =	vadd.s32 v18, v6  }
0xd5: {  	v13 =	vadd.s32 v13, v7;
	v7 =	vld [tilespmem:s0+$0x13010];
	v6 =	vadd.s32 v19, v6  }
0xd6: {  	v8 =	vadd.s32 v8, v13;
	v14 =	vadd.s32 v20, v6;
	v6 =	vld [tilespmem:s0+$0x14810]  }
0xd7: {  	v10 =	vadd.s32 v10, v8;
	v8 =	vld [tilespmem:s0+$0x16010];
	v13 =	vadd.s32 v21, v14  }
0xd8: {  	v11 =	vadd.s32 v11, v10;
	v10 =	vld [tilespmem:s0+$0x17810];
	v13 =	vadd.s32 v22, v13  }
0xd9: {  	s6 =	simm.s32 $0x80;
	v12 =	vadd.s32 v12, v11;
	v11 =	vld [tilespmem:s0+$0x19010];
	[tilespmem:s0+$0x1C000] =	vst v13  }
.LBB2_10:
0xda: {  	s2 =	sadd.s32 $0x20, s2;
	s8 =	sshra.s32 s6, $0x2;
	v7 =	vadd.s32 v7, v12;
	v12 =	vld [tilespmem:s0+$0x1A810]  }
0xdb: {  	v13 =	vld [tilespmem:s8+$0x4000];
	s19 =	sand.u32 $0x7E0, s2;
	p1 =	slt.u32 s2, $0x7E0;
	v6 =	vadd.s32 v6, v7  }
0xdc: {  	v7 =	vld [tilespmem:s19+$0x5800];
	v6 =	vadd.s32 v8, v6  }
0xdd: {  	v8 =	vld [tilespmem:s19+$0x7000];
	v6 =	vadd.s32 v10, v6  }
0xde: {  	v10 =	vld [tilespmem:s19+$0x8800];
	v6 =	vadd.s32 v11, v6  }
0xdf: {  	v11 =	vld [tilespmem:s19+$0xA000];
	v6 =	vadd.s32 v12, v6  }
0xe0: {  	v12 =	vld [tilespmem:s19+$0xB800];
	[tilespmem:s0+$0x1C010] =	vst v6;
	s0 =	smov.u32 s8  }
0xe1: {  	v6 =	vadd.s32 v13, v7;
	v7 =	vld [tilespmem:s19+$0xD000]  }
0xe2: {  	v6 =	vadd.s32 v8, v6;
	v8 =	vld [tilespmem:s19+$0xE800]  }
0xe3: {  	v6 =	vadd.s32 v10, v6;
	v10 =	vld [tilespmem:s19+$0x10000]  }
0xe4: {  	v6 =	vadd.s32 v11, v6;
	v11 =	vld [tilespmem:s19+$0x11800]  }
0xe5: {  	v6 =	vadd.s32 v12, v6;
	v12 =	vld [tilespmem:s19+$0x13000]  }
0xe6: {  	v6 =	vadd.s32 v7, v6;
	v7 =	vld [tilespmem:s19+$0x14800]  }
0xe7: {  	v6 =	vadd.s32 v8, v6;
	v8 =	vld [tilespmem:s19+$0x16000]  }
0xe8: {  	v6 =	vadd.s32 v10, v6;
	v10 =	vld [tilespmem:s19+$0x17800]  }
0xe9: {  	v6 =	vadd.s32 v11, v6;
	v11 =	vld [tilespmem:s19+$0x19000]  }
0xea: {  	v6 =	vadd.s32 v12, v6;
	v12 =	vld [tilespmem:s19+$0x1A800]  }
0xeb: {  	v6 =	vadd.s32 v7, v6;
	v7 =	vld [tilespmem:s0+$0x4010]  }
0xec: {  	v6 =	vadd.s32 v8, v6;
	v8 =	vld [tilespmem:s0+$0x5810]  }
0xed: {  	v6 =	vadd.s32 v10, v6;
	v10 =	vld [tilespmem:s0+$0x7010]  }
0xee: {  	v6 =	vadd.s32 v11, v6;
	v11 =	vld [tilespmem:s0+$0x8810]  }
0xef: {  	v6 =	vadd.s32 v12, v6;
	v12 =	vld [tilespmem:s0+$0xA010]  }
0xf0: {  	[tilespmem:s0+$0x1C000] =	vst v6;
	v6 =	vld [tilespmem:s0+$0xB810]  }
0xf1: {  	v7 =	vadd.s32 v7, v8;
	v8 =	vld [tilespmem:s0+$0xD010]  }
0xf2: {  	v7 =	vadd.s32 v10, v7;
	v10 =	vld [tilespmem:s0+$0xE810]  }
0xf3: {  	v7 =	vadd.s32 v11, v7;
	v11 =	vld [tilespmem:s0+$0x10010]  }
0xf4: {  	v7 =	vadd.s32 v12, v7;
	v12 =	vld [tilespmem:s0+$0x11810]  }
.Ltmp4:
0xf5: {  	v6 =	vadd.s32 v6, v7;
	v7 =	vld [tilespmem:s0+$0x13010];
	(pc) =	sbr.rel @p1 .LBB2_10-.Ltmp4, $4  }
0xf6: {  	v8 =	vadd.s32 v8, v6;
	v6 =	vld [tilespmem:s0+$0x14810]  }
0xf7: {  	v10 =	vadd.s32 v10, v8;
	v8 =	vld [tilespmem:s0+$0x16010]  }
0xf8: {  	v11 =	vadd.s32 v11, v10;
	v10 =	vld [tilespmem:s0+$0x17810]  }
0xf9: {  	s6 =	sadd.s32 $0x80, s6;
	v12 =	vadd.s32 v12, v11;
	v11 =	vld [tilespmem:s0+$0x19010]  }
0xfa: {  	(xrf0) =	vmin.scan.msk.f32 $0xffff, v9  }
0xfb: {  	(xrf0) =	vmax.scan.msk.f32 $0xffff, v5;
	v5 =	vadd.s32 v7, v12  }
0xfc: {  	v5 =	vadd.s32 v6, v5  }
0xfd: {  	v7 =	vld [tilespmem:s0+$0x1A810];
	v5 =	vadd.s32 v8, v5  }
0xfe: {  	v6 =	vadd.s32 v10, v5;
	_ =	sdelay $0x1  }
0xff: {  	v5, _, _ =	vpop (xrf0)  }
0x100: {  	v8 =	vadd.s32 v11, v6;
	v6, _, _ =	vpop (xrf0)  }
0x101: {  	v7 =	vadd.s32 v7, v8;
	v9 =	vbroadcast v5, $0xF;
	v8 =	vbroadcast v6, $0xF  }
0x102: {  	vm0 =	vcmask $0x308;
	[tilespmem:s0+$0x1C010] =	vst v7  }
0x103: {  	_ =	strace $0x9000004A;
	v7 =	vsel vm0, v9, v8  }
0x104: {  	s2 =	simm.s32 $0x1C000;
	s26 =	rddreg [dreg:$0x3];
	[tilespmem:$0x1C800] =	vst v7  }
0x105: {  	[spmem:s26] =	stream.strided.scatter [tilespmem:s2], [sflag:$0x3], $0x880, s12, s11, $0x38;
	[tilespmem:$0x1F080] =	vst v63  }
0x106: {  	_ =	swait.ge [sflag:s18], $0x880  }
0x107: {  	[sflag:s18] =	ssyncset.done $0x0  }
0x108: {  	[sflag:s18] =	ssyncadd.s32 $0xFFFFF780  }
0x109: {  	[bflag:$0x0] =	sbarrier.arrive $0xFFFF  }
0x10a: {  	s28 =	rddreg [dreg:$0x4]  }
0x10b: {  	[tilespmem:s15], [sflag:$0x3] =	stream.strided.gather [spmem:s28], $0x880, s12, s11, $0x38;
	[tilespmem:$0x1F080] =	vst v63  }
0x10c: {  	_ =	swait.ge [sflag:s18], $0x880  }
0x10d: {  	[sflag:s18] =	ssyncset.done $0x0  }
0x10e: {  	[sflag:s18] =	ssyncadd.s32 $0xFFFFF780  }
0x10f: {  	v7 =	vld [tilespmem:$0x4800];
	[bflag:$0x0] =	sbarrier.arrive $0xFFFF  }
0x110: {  	s29 =	simm.s32 $0x0;
	_ =	strace $0x8000004B  }
0x111: {  	v8 =	vld [tilespmem:s29+$0x1C000]  }
0x112: {  	v9 =	vld [tilespmem:s29+$0x4000];
	_ =	sdelay $0x4  }
0x113: {  	v8 =	vadd.s32 v8, v9  }
0x114: {  	(xrf0) =	vadd.scan.msk.s32 $0xffff, v8;
	_ =	sdelay $0x5  }
0x115: {  	s0 =	simm.s32 $0x0;
	v8, _, _ =	vpop (xrf0)  }
0x116: {  	v8 =	vadd.s32 s0, v8  }
0x117: {  	v9 =	vxor.u32 $0x80000000, v8;
	vm15 =	vlt.s32 v8, $0x20001  }
0x118: {  	v10 =	vnsel vm15, $0x80000000, v9;
	(xrf0) =	vmax.scan.msk.u32 $0xffff, v9  }
0x119: {  	(xrf0) =	vmax.scan.msk.u32 $0xffff, v10  }
0x11a: {  	vm1 =	vlt.s32 v8, $0x10001  }
0x11b: {  	v10 =	vnsel vm1, $0x80000000, v9  }
0x11c: {  	(xrf0) =	vmax.scan.msk.u32 $0xffff, v10;
	_ =	sdelay $0x1  }
0x11d: {  	v10, _, _ =	vpop (xrf0)  }
0x11e: {  	v11, _, _ =	vpop (xrf0);
	(v2sf) =	vpush v10, $0xF  }
0x11f: {  	(v2sf) =	vpush v11, $0xF  }
0x120: {  	s30 =	simm.s32 $0x10  }
0x121: {  	v10, _, _ =	vpop (xrf0);
	v11 =	vld [tilespmem:s30+$0x4000]  }
0x122: {  	(v2sf) =	vpush v10, $0xF;
	v10 =	vld [tilespmem:s30+$0x1C000]  }
0x123: {  	vm2 =	vlt.s32 v8, $0x30001;
	v8 =	vsel vm1, $0x1, v2  }
0x124: {  	v9 =	vnsel vm2, $0x80000000, v9;
	(xrf0) =	vadd.scan.msk.s32 $0xffff, v8  }
0x125: {  	v8 =	vsel vm2, $0x1, v2;
	(xrf0) =	vmax.scan.msk.u32 $0xffff, v9  }
0x126: {  	v9 =	vsel vm15, $0x1, v2;
	(xrf0) =	vadd.scan.msk.s32 $0xffff, v8  }
0x127: {  	(xrf0) =	vadd.scan.msk.s32 $0xffff, v9;
	v8 =	vadd.s32 v10, v11;
	_ =	sdelay $0x2  }
0x128: {  	(xrf0) =	vadd.scan.msk.s32 $0xffff, v8;
	v8, _, _ =	vpop (xrf0)  }
0x129: {  	v9, _, _ =	vpop (xrf0);
	(v2sf) =	vpush v8, $0xF  }
0x12a: {  	v8, _, _ =	vpop (xrf0);
	(v2sf) =	vpush v9, $0xF  }
0x12b: {  	v9, _, _ =	vpop (xrf0);
	s31 =	spop (v2sf);
	(v2sf) =	vpush v8, $0xF  }
0x12c: {  	s6 =	spop (v2sf);
	(v2sf) =	vpush v9, $0xF;
	_ =	sdelay $0x6  }
0x12d: {  	s25 =	simm.s32 $0x80;
	s19 =	simm.s32 $0x0;
	s20 =	simm.s32 $0x0  }
0x12e: {  	s21 =	simm.s32 $0x0;
	v8, _, _ =	vpop (xrf0);
	s2 =	sxor.u32 $0x80000000, s31;
	s22 =	sxor.u32 $0x80000000, s6  }
0x12f: {  	s24 =	spop (v2sf);
	v8 =	vadd.s32 s2, v8;
	s6 =	simm.s32 $0x0;
	s2 =	simm.s32 $0x0  }
.LBB2_12:
0x130: {  	s8 =	smov.u32 s21;
	s26 =	smov.u32 s20  }
0x131: {  	s28 =	smov.u32 s0;
	p1 =	sgt.s32 s0, s22;
	s29 =	smov.u32 s25  }
0x132: {  	vm0 =	vlt.s32 v8, $0x10001;
	v9 =	vxor.u32 $0x80000000, v8;
	vm1 =	vlt.s32 v8, $0x20001;
	s23 =	sadd.s32 $0x40, s25;
	s20 =	sxor.u32 $0x80000000, s24;
	s0 =	spop (v2sf)  }
0x133: {  	vm2 =	vlt.s32 v8, $0x30001;
	v10 =	vnsel vm0, $0x80000000, v9;
	v11 =	vnsel vm1, $0x80000000, v9;
	p2 =	sgt.s32 s26, s20;
	(xrf0) =	vmax.scan.msk.u32 $0xffff, v9;
	s19 =	sadd.s32 s19, s0;
	s0 =	spop (v2sf)  }
0x134: {  	v8 =	vsel vm1, $0x1, v2;
	v12 =	vsel vm2, $0x1, v2;
	v9 =	vnsel vm2, $0x80000000, v9;
	s20 =	smov.u32 @p2 s26;
	(xrf0) =	vmax.scan.msk.u32 $0xffff, v11;
	s21 =	sxor.u32 $0x80000000, s0;
	s24 =	spop (v2sf)  }
0x135: {  	v11 =	vsel vm0, $0x1, v2;
	s0 =	smov.u32 s22;
	(xrf0) =	vmax.scan.msk.u32 $0xffff, v10;
	p2 =	sgt.s32 s8, s21;
	s26 =	spop (v2sf)  }
0x136: {  	s0 =	smov.u32 @p1 s28;
	s6 =	sadd.s32 s6, s24;
	(xrf0) =	vadd.scan.msk.s32 $0xffff, v11;
	s21 =	smov.u32 @p2 s8  }
0x137: {  	p1 =	sne.s32 s25, $0x1FC0;
	s2 =	sadd.s32 s2, s26;
	(xrf0) =	vmax.scan.msk.u32 $0xffff, v9  }
0x138: {  	(xrf0) =	vadd.scan.msk.s32 $0xffff, v12  }
0x139: {  	(xrf0) =	vadd.scan.msk.s32 $0xffff, v8;
	v8, _, _ =	vpop (xrf0)  }
0x13a: {  	v9, _, _ =	vpop (xrf0);
	(v2sf) =	vpush v8, $0xF  }
0x13b: {  	v8, _, _ =	vpop (xrf0);
	(v2sf) =	vpush v9, $0xF  }
0x13c: {  	s8 =	sshra.s32 s29, $0x2;
	v9, _, _ =	vpop (xrf0);
	(v2sf) =	vpush v8, $0xF  }
0x13d: {  	v8 =	vld [tilespmem:s8+$0x1C000];
	(v2sf) =	vpush v9, $0xF;
	v9, _, _ =	vpop (xrf0)  }
0x13e: {  	v10 =	vld [tilespmem:s8+$0x4000];
	v11, _, _ =	vpop (xrf0);
	(v2sf) =	vpush v9, $0xF  }
0x13f: {  	v9, _, _ =	vpop (xrf0);
	(v2sf) =	vpush v11, $0xF  }
0x140: {  	(v2sf) =	vpush v9, $0xF;
	_ =	sdelay $0x2  }
0x141: {  	v8 =	vadd.s32 v8, v10  }
0x142: {  	(xrf0) =	vadd.scan.msk.s32 $0xffff, v8;
	_ =	sdelay $0x2  }
.Ltmp5:
0x143: {  	(pc) =	sbr.rel @p1 .LBB2_12-.Ltmp5, $4  }
0x144: {  	_ = 	snop  }
0x145: {  	s8 =	spop (v2sf)  }
0x146: {  	v8, _, _ =	vpop (xrf0);
	s8 =	sxor.u32 $0x80000000, s8;
	s22 =	spop (v2sf)  }
0x147: {  	s25 =	smov.u32 s23;
	v8 =	vadd.s32 s8, v8;
	s22 =	sxor.u32 $0x80000000, s22;
	s24 =	spop (v2sf)  }
0x148: {  	v9 =	vxor.u32 $0x80000000, v8;
	vm0 =	vlt.s32 v8, $0x20001  }
0x149: {  	vm1 =	vlt.s32 v8, $0x10001;
	v10 =	vnsel vm0, $0x80000000, v9;
	(xrf0) =	vmax.scan.msk.u32 $0xffff, v9  }
0x14a: {  	v11 =	vnsel vm1, $0x80000000, v9;
	(xrf0) =	vmax.scan.msk.u32 $0xffff, v10  }
0x14b: {  	vm2 =	vlt.s32 v8, $0x30001;
	v8 =	vsel vm1, $0x1, v2;
	(xrf0) =	vmax.scan.msk.u32 $0xffff, v11  }
0x14c: {  	v9 =	vnsel vm2, $0x80000000, v9;
	(xrf0) =	vadd.scan.msk.s32 $0xffff, v8;
	v8 =	vsel vm2, $0x1, v2  }
0x14d: {  	(xrf0) =	vmax.scan.msk.u32 $0xffff, v9  }
0x14e: {  	v60 =	vsel vm0, $0x1, v2;
	(xrf0) =	vadd.scan.msk.s32 $0xffff, v8  }
0x14f: {  	(xrf0) =	vadd.scan.msk.s32 $0xffff, v60;
	v8, _, _ =	vpop (xrf0)  }
0x150: {  	v61, _, _ =	vpop (xrf0);
	(v2sf) =	vpush v8, $0xF  }
0x151: {  	v8, _, _ =	vpop (xrf0);
	(v2sf) =	vpush v61, $0xF  }
0x152: {  	v62, _, _ =	vpop (xrf0);
	(v2sf) =	vpush v8, $0xF  }
0x153: {  	(v2sf) =	vpush v62, $0xF;
	v8, _, _ =	vpop (xrf0)  }
0x154: {  	v63, _, _ =	vpop (xrf0);
	(v2sf) =	vpush v8, $0xF  }
0x155: {  	v8, _, _ =	vpop (xrf0);
	(v2sf) =	vpush v63, $0xF  }
0x156: {  	(v2sf) =	vpush v8, $0xF;
	_ =	sdelay $0x4  }
0x157: {  	s8 =	spop (v2sf)  }
0x158: {  	s25 =	spop (v2sf)  }
0x159: {  	s26 =	spop (v2sf)  }
0x15a: {  	s28 =	spop (v2sf)  }
0x15b: {  	s23 =	spop (v2sf)  }
0x15c: {  	s29 =	spop (v2sf)  }
0x15d: {  	s30 =	spop (v2sf)  }
0x15e: {  	s31 =	spop (v2sf)  }
0x15f: {  	s17 =	spop (v2sf)  }
0x160: {  	s24 =	sxor.u32 $0x80000000, s24;
	s3 =	spop (v2sf)  }
0x161: {  	s8 =	sadd.s32 s19, s8;
	p1 =	sgt.s32 s20, s24;
	s5 =	spop (v2sf)  }
0x162: {  	s24 =	smov.u32 @p1 s20;
	s23 =	simm.s32 $0x4040;
	_ =	strace $0x9000004B  }
0x163: {  	p1 =	sgt.s32 s0, s22;
	s25 =	sxor.u32 $0x80000000, s25;
	_ =	strace $0x8000004C;
	[tilespmem:s23+$0xFFFFFFC0] =	vst v2  }
0x164: {  	s22 =	smov.u32 @p1 s0;
	s26 =	sadd.s32 s6, s26;
	p1 =	sgt.s32 s21, s25;
	[tilespmem:s23+$0x30] =	vst v2  }
0x165: {  	s25 =	smov.u32 @p1 s21;
	s28 =	sadd.s32 s2, s28;
	s0 =	sxor.u32 $0x80000000, s30;
	[tilespmem:s23+$0x20] =	vst v2  }
0x166: {  	s2 =	sxor.u32 $0x80000000, s29;
	s19 =	sadd.s32 s8, s31;
	p1 =	sgt.s32 s24, s0;
	[tilespmem:s23+$0x10] =	vst v2  }
0x167: {  	s0 =	smov.u32 @p1 s24;
	p1 =	sgt.s32 s22, s2;
	s6 =	sxor.u32 $0x80000000, s17;
	[tilespmem:s23+$0x0] =	vst v2  }
0x168: {  	s8 =	simm.s32 $0x0;
	s2 =	smov.u32 @p1 s22;
	p1 =	sgt.s32 s25, s6;
	[tilespmem:s23+$0xFFFFFFF0] =	vst v2  }
0x169: {  	s20 =	sadd.s32 s26, s3;
	s6 =	smov.u32 @p1 s25;
	s21 =	sadd.s32 s28, s5;
	[tilespmem:s23+$0xFFFFFFE0] =	vst v2  }
.LBB2_14:
0x16a: {  	s8 =	sadd.s32 $0x80, s8;
	[tilespmem:s23+$0xFFFFFFD0] =	vst v2;
	s23 =	sadd.s32 $0x80, s23  }
0x16b: {  	[tilespmem:s23+$0xFFFFFFC0] =	vst v2;
	p1 =	slt.u32 s8, $0x17F80  }
0x16c: {  	[tilespmem:s23+$0x30] =	vst v2  }
.Ltmp6:
0x16d: {  	[tilespmem:s23+$0x20] =	vst v2;
	(pc) =	sbr.rel @p1 .LBB2_14-.Ltmp6, $4  }
0x16e: {  	[tilespmem:s23+$0x10] =	vst v2  }
0x16f: {  	[tilespmem:s23+$0x0] =	vst v2  }
0x170: {  	[tilespmem:s23+$0xFFFFFFF0] =	vst v2  }
0x171: {  	[tilespmem:s23+$0xFFFFFFE0] =	vst v2  }
0x172: {  	(xrf0) =	vmin.scan.msk.f32 $0xffff, v7  }
0x173: {  	(xrf0) =	vmax.scan.msk.f32 $0xffff, v7;
	_ =	sdelay $0x3  }
0x174: {  	(v2sf) =	vpush v5, $0xF  }
0x175: {  	(v2sf) =	vpush v6, $0xF;
	v5, _, _ =	vpop (xrf0)  }
0x176: {  	(v2sf) =	vpush v5, $0xF;
	v5, _, _ =	vpop (xrf0)  }
0x177: {  	(v2sf) =	vpush v5, $0xF;
	_ =	sdelay $0xb  }
0x178: {  	s3 =	spop (v2sf)  }
0x179: {  	s5 =	spop (v2sf)  }
0x17a: {  	s8 =	spop (v2sf)  }
0x17b: {  	[tilespmem:s23+$0xFFFFFFD0] =	vst v2;
	s28 =	simm.s32 $0x0;
	s17 =	spop (v2sf)  }
0x17c: {  	s24 =	ssub.s32 $0x10001, s0;
	s3 =	smin.f32 s3, s8;
	_ =	strace $0x9000004C  }
0x17d: {  	s31 =	smax.f32 s5, s17;
	_ =	strace $0x8000004D;
	[dreg:$0x8] =	wrdreg s3  }
0x17e: {  	s25 =	ssub.s32 $0x20001, s2;
	s26 =	ssub.s32 $0x30001, s6;
	v6 =	vmov s21;
	[dreg:$0x7] =	wrdreg s31  }
0x17f: {  	v7 =	vmov s20;
	v5 =	vmov s19;
	[tilespmem:s28], [sflag:$0x1] =	stream.strided.gather [hbm4b:s7+s11], $0x2000, s12, s11, $0x200038;
	[tilespmem:$0x1F080] =	vst v63  }
.LBB2_16:
0x180: {  	s0 =	sshll.u32 s28, $0xE;
	_ =	swait.ge [sflag:s13], $0x2000  }
0x181: {  	[sflag:s13] =	ssyncset.done $0x0;
	s2 =	sor.u32 s9, s0  }
0x182: {  	s31 =	simm.s32 $0x40;
	[sflag:s13] =	ssyncadd.s32 $0xFFFFE000;
	s2 =	sadd.s32 s2, s4  }
0x183: {  	[tilespmem:s14], [sflag:$0x2] =	stream.strided.gather [hbm4b:s2+s11], $0x2000, s12, s11, $0x200038;
	[tilespmem:$0x1F080] =	vst v63  }
0x184: {  	v9 =	vld [tilespmem:s31+$0xFFFFFFD0]  }
0x185: {  	v15 =	vld [tilespmem:s31+$0x30]  }
0x186: {  	v14 =	vld [tilespmem:s31+$0x0]  }
0x187: {  	v22 =	vld [tilespmem:s31+$0x20]  }
0x188: {  	v24 =	vld [tilespmem:s31+$0x10];
	_ =	sdelay $0x2  }
0x189: {  	v8 =	vadd.s32 $0x1000, v1;
	v36 =	vld [tilespmem:s31+$0xFFFFFFF0];
	v13 =	vshrl.u32 v9, $0x8  }
0x18a: {  	v11 =	vshra.s32 v9, $0x13;
	v10 =	vshrl.u32 v15, $0x8;
	v9 =	vshra.s32 v14, $0x13  }
0x18b: {  	v25 =	vshrl.u32 v22, $0x8;
	v17 =	vshrl.u32 v24, $0x8;
	v39 =	vshrl.u32 v14, $0x8  }
0x18c: {  	v15 =	vshra.s32 v15, $0x13;
	v18 =	vand.u32 $0x7FF, v13;
	v30 =	vand.u32 $0x7FF, v10  }
0x18d: {  	v26 =	vand.u32 $0x7FF, v25;
	v35 =	vand.u32 $0x7F, v10;
	vm7 =	veq.s32 v11, v5  }
0x18e: {  	v23 =	vld [tilespmem:s31+$0xFFFFFFC0];
	vm6 =	veq.s32 v11, v6;
	vm5 =	veq.s32 v11, v7;
	v11 =	vshra.s32 v36, $0x13  }
0x18f: {  	v36 =	vshrl.u32 v36, $0x8;
	vm0 =	veq.s32 v15, v5;
	vm10 =	veq.s32 v15, v6  }
0x190: {  	vm8 =	veq.s32 v15, v7;
	v19 =	vor.u32 v4, v18;
	v12 =	vor.u32 v1, v30  }
0x191: {  	v16 =	vor.u32 v4, v30;
	v20 =	vor.u32 v8, v18;
	v34 =	vor.u32 v1, v26  }
0x192: {  	v32 =	vor.u32 v4, v26;
	v14 =	vand.u32 $0x7FF, v36;
	vm1 =	veq.s32 v11, v5  }
0x193: {  	v21 =	vld [tilespmem:s31+$0xFFFFFFE0];
	v26 =	vor.u32 v8, v26;
	v10 =	vand.u32 $0x1FF80, v16;
	v16 =	vshrl.u32 v23, $0x8  }
0x194: {  	v29 =	vand.u32 $0x1FF80, v12;
	v32 =	vand.u32 $0x1FF80, v32;
	v23 =	vshra.s32 v23, $0x13  }
0x195: {  	v37 =	vor.u32 v8, v14;
	v34 =	vand.u32 $0x1FF80, v34;
	v12 =	vand.u32 $0x7FF, v16  }
0x196: {  	v10 =	vor.u32 v35, v10;
	v33 =	vand.u32 $0x7F, v16;
	vm3 =	veq.s32 v23, v5  }
0x197: {  	vm4 =	veq.s32 v23, v6;
	vm2 =	veq.s32 v23, v7;
	v27 =	vor.u32 v1, v12  }
0x198: {  	v28 =	vor.u32 v4, v12;
	v31 =	vor.u32 v8, v12;
	v12 =	vshrl.u32 v21, $0x8  }
0x199: {  	v27 =	vand.u32 $0x1FF80, v27;
	v16 =	vand.u32 $0x7FF, v12;
	v12 =	vand.u32 $0x7F, v12  }
0x19a: {  	v23 =	vand.u32 $0x1FF80, v31;
	v31 =	vor.u32 v4, v14;
	v38 =	vor.u32 v33, v27  }
0x19b: {  	v27 =	vand.u32 $0x1FF80, v28;
	v28 =	vand.u32 $0x7F, v25;
	v25 =	vor.u32 v1, v16  }
0x19c: {  	v41 =	vor.u32 v33, v23;
	v23 =	vand.u32 $0x7F, v36;
	v40 =	vor.u32 v33, v27  }
0x19d: {  	v27 =	vor.u32 v1, v14;
	v25 =	vand.u32 $0x1FF80, v25;
	v33 =	vand.u32 $0x7F, v39  }
0x19e: {  	v39 =	vand.u32 $0x7FF, v39;
	v14 =	vand.u32 $0x1FF80, v27;
	v27 =	vand.u32 $0x1FF80, v37  }
0x19f: {  	v42 =	vor.u32 v23, v14;
	v14 =	vand.u32 $0x1FF80, v26;
	v26 =	vor.u32 v4, v16  }
0x1a0: {  	v37 =	vor.u32 v35, v29;
	v29 =	vor.u32 v12, v25;
	v25 =	vand.u32 $0x1FF80, v26  }
0x1a1: {  	v36 =	vor.u32 v28, v34;
	v26 =	vor.u32 v12, v25;
	v25 =	vor.u32 v1, v39  }
0x1a2: {  	v43 =	vor.u32 v8, v39;
	v14 =	vor.u32 v28, v14;
	[tilespmem:v38+s15+$0x0] =	vst.idx.add.s32.msk vm3, v3;
	v63 =	vand.u32 $0x1FF80, v25  }
0x1a3: {  	v25 =	vshra.s32 v22, $0x13;
	v22 =	vor.u32 v8, v30;
	[tilespmem:v40+s15+$0x0] =	vst.idx.add.s32.msk vm4, v3;
	v30 =	vor.u32 v4, v39  }
0x1a4: {  	v39 =	vand.u32 $0x1FF80, v43;
	v38 =	vor.u32 v33, v63;
	v22 =	vand.u32 $0x1FF80, v22;
	[tilespmem:v41+s15+$0x0] =	vst.idx.add.s32.msk vm2, v3  }
0x1a5: {  	s29 =	simm.s32 $0x0;
	s30 =	simm.s32 $0xC0;
	v15 =	vmovc v8;
	v34 =	vand.u32 $0x1FF80, v30;
	[tilespmem:v42+s15+$0x0] =	vst.idx.add.s32.msk vm1, v3;
	v22 =	vor.u32 v35, v22;
	v35 =	vshra.s32 v24, $0x13  }
.LBB2_17:
0x1a6: {  	v24 =	vld [tilespmem:s30+$0x30];
	s29 =	sadd.s32 $0x80, s29;
	v40 =	vor.u32 v33, v34;
	vm2 =	veq.s32 v25, v5;
	vm11 =	veq.s32 v25, v6  }
0x1a7: {  	vm3 =	veq.s32 v9, v5;
	v33 =	vor.u32 v33, v39;
	vm9 =	veq.s32 v25, v7;
	v34 =	vld [tilespmem:s30+$0xFFFFFFC0];
	p1 =	slt.u32 s29, $0x1F80  }
0x1a8: {  	v18 =	vor.u32 v1, v18;
	v19 =	vand.u32 $0x1FF80, v19;
	v28 =	vor.u32 v28, v32;
	[tilespmem:v37+s15+$0x0] =	vst.idx.add.s32.msk vm0, v3  }
0x1a9: {  	v13 =	vand.u32 $0x7F, v13;
	v21 =	vshra.s32 v21, $0x13;
	v18 =	vand.u32 $0x1FF80, v18;
	v25 =	vld [tilespmem:s30+$0x20]  }
0x1aa: {  	v19 =	vor.u32 v13, v19;
	v18 =	vor.u32 v13, v18;
	v37 =	vand.u32 $0x7FF, v17;
	v32 =	vld [tilespmem:s30+$0xFFFFFFD0]  }
0x1ab: {  	v27 =	vor.u32 v23, v27;
	vm12 =	veq.s32 v21, v5;
	vm4 =	veq.s32 v21, v6;
	v39 =	vld [tilespmem:s30+$0x0]  }
0x1ac: {  	v20 =	vand.u32 $0x1FF80, v20;
	vm1 =	veq.s32 v21, v7;
	v21 =	vand.u32 $0x1FF80, v31;
	[tilespmem:v36+s15+$0x0] =	vst.idx.add.s32.msk vm2, v3  }
0x1ad: {  	vm2 =	veq.s32 v9, v6;
	[tilespmem:v38+s15+$0x0] =	vst.idx.add.s32.msk vm3, v3;
	vm3 =	veq.s32 v35, v5  }
0x1ae: {  	v20 =	vor.u32 v13, v20;
	vm0 =	veq.s32 v9, v7;
	v17 =	vand.u32 $0x7F, v17;
	[tilespmem:v28+s15+$0x0] =	vst.idx.add.s32.msk vm11, v3  }
0x1af: {  	v21 =	vor.u32 v23, v21;
	vm11 =	veq.s32 v11, v6;
	v31 =	vshra.s32 v32, $0x13;
	v30 =	vld [tilespmem:s30+$0x10]  }
0x1b0: {  	v13 =	vor.u32 v1, v37;
	v9 =	vshra.s32 v39, $0x13;
	[tilespmem:v18+s15+$0x0] =	vst.idx.add.s32.msk vm7, v3;
	v18 =	vor.u32 v4, v37  }
0x1b1: {  	v23 =	vor.u32 v15, v37;
	v13 =	vand.u32 $0x1FF80, v13;
	v18 =	vand.u32 $0x1FF80, v18;
	[tilespmem:v10+s15+$0x0] =	vst.idx.add.s32.msk vm10, v3  }
0x1b2: {  	v23 =	vand.u32 $0x1FF80, v23;
	v10 =	vor.u32 v15, v16;
	v16 =	vor.u32 v17, v13;
	[tilespmem:v29+s15+$0x0] =	vst.idx.add.s32.msk vm12, v3  }
0x1b3: {  	v28 =	vshrl.u32 v24, $0x8;
	v15 =	vmovc v8;
	v10 =	vand.u32 $0x1FF80, v10;
	v29 =	vor.u32 v17, v18;
	[tilespmem:v19+s15+$0x0] =	vst.idx.add.s32.msk vm6, v3  }
0x1b4: {  	v23 =	vor.u32 v17, v23;
	v13 =	vshrl.u32 v32, $0x8;
	vm6 =	veq.s32 v35, v6;
	[tilespmem:v26+s15+$0x0] =	vst.idx.add.s32.msk vm4, v3  }
0x1b5: {  	v18 =	vand.u32 $0x7FF, v13;
	v12 =	vor.u32 v12, v10;
	[tilespmem:v20+s15+$0x0] =	vst.idx.add.s32.msk vm5, v3;
	vm5 =	veq.s32 v35, v7  }
0x1b6: {  	v19 =	vor.u32 v4, v18;
	vm4 =	veq.s32 v11, v7;
	v35 =	vand.u32 $0x7FF, v28;
	[tilespmem:v21+s15+$0x0] =	vst.idx.add.s32.msk vm11, v3  }
0x1b7: {  	v11 =	vshrl.u32 v25, $0x8;
	v10 =	vor.u32 v1, v35;
	v17 =	vor.u32 v4, v35;
	[tilespmem:v16+s15+$0x0] =	vst.idx.add.s32.msk vm3, v3  }
0x1b8: {  	v41 =	vand.u32 $0x7F, v28;
	v26 =	vand.u32 $0x7FF, v11;
	v16 =	vand.u32 $0x1FF80, v17;
	v21 =	vld [tilespmem:s30+$0xFFFFFFE0]  }
0x1b9: {  	v28 =	vshrl.u32 v34, $0x8;
	v20 =	vor.u32 v15, v18;
	v36 =	vand.u32 $0x1FF80, v10;
	[tilespmem:v40+s15+$0x0] =	vst.idx.add.s32.msk vm2, v3  }
0x1ba: {  	v32 =	vand.u32 $0x7FF, v28;
	v37 =	vor.u32 v1, v26;
	v10 =	vor.u32 v41, v16;
	[tilespmem:v29+s15+$0x0] =	vst.idx.add.s32.msk vm6, v3  }
0x1bb: {  	v17 =	vshrl.u32 v30, $0x8;
	v16 =	vor.u32 v1, v32;
	v29 =	vor.u32 v4, v32;
	[tilespmem:v12+s15+$0x0] =	vst.idx.add.s32.msk vm1, v3  }
0x1bc: {  	v38 =	vand.u32 $0x7F, v28;
	v40 =	vor.u32 v15, v32;
	v12 =	vand.u32 $0x1FF80, v16;
	v42 =	vld [tilespmem:s30+$0xFFFFFFF0]  }
0x1bd: {  	v29 =	vand.u32 $0x1FF80, v29;
	v43 =	vor.u32 v38, v12;
	v12 =	vshrl.u32 v21, $0x8;
	[tilespmem:v22+s15+$0x0] =	vst.idx.add.s32.msk vm8, v3  }
0x1be: {  	vm7 =	veq.s32 v31, v5;
	v22 =	vor.u32 v4, v26;
	v16 =	vand.u32 $0x7FF, v12;
	[tilespmem:v14+s15+$0x0] =	vst.idx.add.s32.msk vm9, v3  }
0x1bf: {  	v28 =	vand.u32 $0x7F, v11;
	vm6 =	veq.s32 v31, v6;
	v12 =	vand.u32 $0x7F, v12;
	[tilespmem:v23+s15+$0x0] =	vst.idx.add.s32.msk vm5, v3  }
0x1c0: {  	v32 =	vand.u32 $0x1FF80, v22;
	vm5 =	veq.s32 v31, v7;
	v14 =	vor.u32 v1, v16;
	[tilespmem:v27+s15+$0x0] =	vst.idx.add.s32.msk vm4, v3  }
0x1c1: {  	v39 =	vshrl.u32 v39, $0x8;
	v11 =	vshra.s32 v42, $0x13;
	v22 =	vshrl.u32 v42, $0x8;
	[tilespmem:v33+s15+$0x0] =	vst.idx.add.s32.msk vm0, v3  }
0x1c2: {  	v26 =	vor.u32 v15, v26;
	v23 =	vand.u32 $0x7FF, v22;
	vm1 =	veq.s32 v11, v5  }
0x1c3: {  	v27 =	vshra.s32 v34, $0x13;
	v34 =	vor.u32 v38, v29;
	v29 =	vor.u32 v1, v23  }
0x1c4: {  	vm0 =	veq.s32 v27, v5;
	vm3 =	veq.s32 v27, v6;
	v33 =	vor.u32 v15, v23  }
0x1c5: {  	vm2 =	veq.s32 v27, v7;
	v27 =	vand.u32 $0x1FF80, v40;
	v31 =	vor.u32 v4, v23  }
0x1c6: {  	v40 =	vor.u32 v38, v27;
	v23 =	vand.u32 $0x7F, v22;
	v27 =	vand.u32 $0x1FF80, v29  }
0x1c7: {  	v22 =	vand.u32 $0x1FF80, v14;
	v14 =	vand.u32 $0x1FF80, v26;
	v38 =	vor.u32 v23, v27  }
0x1c8: {  	v14 =	vor.u32 v28, v14;
	v27 =	vand.u32 $0x1FF80, v33;
	v33 =	vand.u32 $0x7F, v39  }
0x1c9: {  	v42 =	vand.u32 $0x1FF80, v37;
	v37 =	vor.u32 v41, v36;
	v26 =	vor.u32 v4, v16  }
0x1ca: {  	v29 =	vor.u32 v12, v22;
	v22 =	vand.u32 $0x1FF80, v26;
	v39 =	vand.u32 $0x7FF, v39  }
0x1cb: {  	v24 =	vshra.s32 v24, $0x13;
	v26 =	vor.u32 v12, v22;
	v22 =	vor.u32 v1, v39;
	[tilespmem:v43+s15+$0x0] =	vst.idx.add.s32.msk vm0, v3  }
.Ltmp7:
0x1cc: {  	v36 =	vor.u32 v28, v42;
	v43 =	vor.u32 v15, v39;
	vm0 =	veq.s32 v24, v5;
	(pc) =	sbr.rel @p1 .LBB2_17-.Ltmp7, $4  }
0x1cd: {  	v25 =	vshra.s32 v25, $0x13;
	v22 =	vand.u32 $0x1FF80, v22;
	[tilespmem:v34+s15+$0x0] =	vst.idx.add.s32.msk vm3, v3;
	v34 =	vor.u32 v15, v35  }
0x1ce: {  	[tilespmem:v38+s15+$0x0] =	vst.idx.add.s32.msk vm1, v3;
	v38 =	vor.u32 v33, v22;
	v22 =	vor.u32 v4, v39;
	v35 =	vand.u32 $0x1FF80, v34  }
0x1cf: {  	vm10 =	veq.s32 v24, v6;
	[tilespmem:v40+s15+$0x0] =	vst.idx.add.s32.msk vm2, v3;
	v34 =	vand.u32 $0x1FF80, v22;
	v22 =	vor.u32 v41, v35  }
0x1d0: {  	s30 =	sadd.s32 $0x80, s30;
	vm8 =	veq.s32 v24, v7;
	v39 =	vand.u32 $0x1FF80, v43;
	v35 =	vshra.s32 v30, $0x13  }
0x1d1: {  	_ =	sdelay $0x1  }
0x1d2: {  	vm1 =	veq.s32 v25, v5  }
0x1d3: {  	vm2 =	veq.s32 v9, v5  }
0x1d4: {  	vm3 =	veq.s32 v25, v6;
	v18 =	vor.u32 v1, v18;
	v24 =	vor.u32 v28, v32  }
0x1d5: {  	v13 =	vand.u32 $0x7F, v13;
	v21 =	vshra.s32 v21, $0x13;
	[tilespmem:v37+s15+$0x0] =	vst.idx.add.s32.msk vm0, v3;
	v18 =	vand.u32 $0x1FF80, v18  }
0x1d6: {  	v19 =	vand.u32 $0x1FF80, v19;
	vm4 =	veq.s32 v21, v5;
	[tilespmem:v10+s15+$0x0] =	vst.idx.add.s32.msk vm10, v3;
	v18 =	vor.u32 v13, v18  }
0x1d7: {  	v28 =	vor.u32 v33, v34;
	v20 =	vand.u32 $0x1FF80, v20;
	vm0 =	veq.s32 v9, v6;
	[tilespmem:v22+s15+$0x0] =	vst.idx.add.s32.msk vm8, v3  }
0x1d8: {  	v30 =	vand.u32 $0x7FF, v17;
	v16 =	vor.u32 v15, v16;
	v19 =	vor.u32 v13, v19;
	[tilespmem:v36+s15+$0x0] =	vst.idx.add.s32.msk vm1, v3  }
0x1d9: {  	v10 =	vor.u32 v4, v30;
	v16 =	vand.u32 $0x1FF80, v16;
	v13 =	vor.u32 v13, v20;
	[tilespmem:v38+s15+$0x0] =	vst.idx.add.s32.msk vm2, v3  }
0x1da: {  	v17 =	vand.u32 $0x7F, v17;
	v12 =	vor.u32 v12, v16;
	vm1 =	veq.s32 v21, v6;
	[tilespmem:v24+s15+$0x0] =	vst.idx.add.s32.msk vm3, v3  }
0x1db: {  	v20 =	vand.u32 $0x1FF80, v31;
	vm3 =	veq.s32 v11, v6;
	[tilespmem:v18+s15+$0x0] =	vst.idx.add.s32.msk vm7, v3;
	v18 =	vor.u32 v1, v30  }
0x1dc: {  	v20 =	vor.u32 v23, v20;
	vm2 =	veq.s32 v35, v5;
	[tilespmem:v29+s15+$0x0] =	vst.idx.add.s32.msk vm4, v3;
	v18 =	vand.u32 $0x1FF80, v18  }
0x1dd: {  	[tilespmem:v28+s15+$0x0] =	vst.idx.add.s32.msk vm0, v3;
	vm0 =	veq.s32 v9, v7;
	v18 =	vor.u32 v17, v18  }
0x1de: {  	v10 =	vand.u32 $0x1FF80, v10;
	v9 =	vor.u32 v33, v39;
	[tilespmem:v19+s15+$0x0] =	vst.idx.add.s32.msk vm6, v3;
	vm6 =	veq.s32 v21, v7  }
0x1df: {  	v10 =	vor.u32 v17, v10;
	vm4 =	veq.s32 v35, v6;
	[tilespmem:v13+s15+$0x0] =	vst.idx.add.s32.msk vm5, v3  }
0x1e0: {  	v13 =	vor.u32 v15, v30;
	[tilespmem:v26+s15+$0x0] =	vst.idx.add.s32.msk vm1, v3;
	vm1 =	veq.s32 v25, v7  }
0x1e1: {  	v13 =	vand.u32 $0x1FF80, v13;
	[tilespmem:v20+s15+$0x0] =	vst.idx.add.s32.msk vm3, v3;
	vm3 =	veq.s32 v35, v7  }
0x1e2: {  	v13 =	vor.u32 v17, v13;
	[tilespmem:v18+s15+$0x0] =	vst.idx.add.s32.msk vm2, v3;
	vm2 =	veq.s32 v11, v7  }
0x1e3: {  	[tilespmem:v9+s15+$0x0] =	vst.idx.add.s32.msk vm0, v3;
	v11 =	vor.u32 v23, v27  }
0x1e4: {  	[tilespmem:v12+s15+$0x0] =	vst.idx.add.s32.msk vm6, v3  }
0x1e5: {  	[tilespmem:v10+s15+$0x0] =	vst.idx.add.s32.msk vm4, v3  }
0x1e6: {  	[tilespmem:v14+s15+$0x0] =	vst.idx.add.s32.msk vm1, v3  }
0x1e7: {  	[tilespmem:v13+s15+$0x0] =	vst.idx.add.s32.msk vm3, v3  }
0x1e8: {  	[tilespmem:v11+s15+$0x0] =	vst.idx.add.s32.msk vm2, v3  }
0x1e9: {  	p1 =	seq.s32 s28, $0x7;
	s31 =	simm.s32 $0x2040;
	_ =	swait.ge [sflag:s16], $0x2000  }
0x1ea: {  	s0 =	sadd.s32 @!p1 s10, s0;
	s2 =	simm.s32 @!p1 $0x80;
	[sflag:s16] =	ssyncset.done $0x0  }
0x1eb: {  	s3 =	simm.s32 @!p1 $0x400;
	s5 =	simm.s32 @!p1 $0x0;
	[sflag:s16] =	ssyncadd.s32 $0xFFFFE000  }
0x1ec: {  	[tilespmem:s5], [sflag:$0x1] =	stream.strided.gather @!p1 [hbm4b:s0+s2], $0x2000, s3, s2, $0x200038;
	[tilespmem:$0x1F080] =	vst v63  }
0x1ed: {  	v11 =	vld [tilespmem:s31+$0xFFFFFFE0]  }
0x1ee: {  	v21 =	vld [tilespmem:s31+$0x10]  }
0x1ef: {  	v10 =	vld [tilespmem:s31+$0x30]  }
0x1f0: {  	v16 =	vld [tilespmem:s31+$0xFFFFFFC0]  }
0x1f1: {  	v12 =	vld [tilespmem:s31+$0xFFFFFFD0]  }
0x1f2: {  	v25 =	vld [tilespmem:s31+$0xFFFFFFF0];
	_ =	sdelay $0x2  }
0x1f3: {  	v9 =	vshra.s32 v10, $0x13;
	v13 =	vshrl.u32 v11, $0x8;
	v17 =	vshrl.u32 v21, $0x8  }
0x1f4: {  	v54 =	vshrl.u32 v10, $0x8;
	v29 =	vshra.s32 v11, $0x13;
	v19 =	vshrl.u32 v12, $0x8  }
0x1f5: {  	v20 =	vshrl.u32 v25, $0x8;
	v62 =	vshra.s32 v16, $0x13;
	v21 =	vshra.s32 v21, $0x13  }
0x1f6: {  	v22 =	vand.u32 $0x7FF, v13;
	v24 =	vand.u32 $0x7F, v13;
	v23 =	vand.u32 $0x7FF, v17  }
0x1f7: {  	v13 =	vshrl.u32 v16, $0x8;
	v15 =	vand.u32 $0x7FF, v54;
	vm8 =	veq.s32 v9, v5  }
0x1f8: {  	v56 =	vand.u32 $0x7FF, v20;
	v57 =	vand.u32 $0x7F, v20;
	vm3 =	veq.s32 v29, v5  }
0x1f9: {  	vm6 =	veq.s32 v9, v6;
	vm4 =	veq.s32 v62, v5;
	vm12 =	veq.s32 v62, v6  }
0x1fa: {  	vm7 =	veq.s32 v62, v7;
	vm14 =	veq.s32 v21, v5;
	vm13 =	veq.s32 v29, v7  }
0x1fb: {  	v18 =	vld [tilespmem:s31+$0x0];
	vm10 =	veq.s32 v21, v6;
	vm9 =	veq.s32 v21, v7;
	v14 =	vor.u32 v1, v22  }
0x1fc: {  	v10 =	vand.u32 $0x7F, v13;
	v13 =	vand.u32 $0x7FF, v13;
	v55 =	vor.u32 v1, v15  }
0x1fd: {  	v26 =	vld [tilespmem:s31+$0x20];
	v58 =	vor.u32 v1, v56;
	v59 =	vor.u32 v4, v22;
	v41 =	vor.u32 v8, v23  }
0x1fe: {  	v42 =	vor.u32 v1, v23;
	v23 =	vor.u32 v4, v23;
	v22 =	vor.u32 v8, v22  }
0x1ff: {  	v32 =	vor.u32 v4, v15;
	v11 =	vand.u32 $0x1FF80, v14;
	v14 =	vor.u32 v1, v13  }
0x200: {  	v28 =	vor.u32 v4, v13;
	v20 =	vor.u32 v8, v13;
	v13 =	vshra.s32 v18, $0x13  }
0x201: {  	v31 =	vor.u32 v24, v11;
	v27 =	vand.u32 $0x1FF80, v14;
	v14 =	vand.u32 $0x7FF, v19  }
0x202: {  	v11 =	vshra.s32 v12, $0x13;
	v12 =	vand.u32 $0x7F, v19;
	v19 =	vshrl.u32 v26, $0x8  }
0x203: {  	v26 =	vshra.s32 v26, $0x13;
	v60 =	vand.u32 $0x7FF, v19;
	v61 =	vand.u32 $0x7F, v19  }
0x204: {  	v19 =	vand.u32 $0x7F, v17;
	vm0 =	veq.s32 v26, v5;
	vm1 =	veq.s32 v26, v6  }
0x205: {  	v43 =	vor.u32 v10, v27;
	vm2 =	veq.s32 v26, v7;
	v26 =	vor.u32 v4, v56  }
0x206: {  	v17 =	vor.u32 v1, v60;
	v40 =	vor.u32 v4, v60;
	v38 =	vor.u32 v8, v60  }
0x207: {  	v16 =	vand.u32 $0x1FF80, v26;
	v17 =	vand.u32 $0x1FF80, v17;
	v40 =	vand.u32 $0x1FF80, v40  }
0x208: {  	v26 =	vor.u32 v8, v56;
	v40 =	vor.u32 v61, v40;
	v63 =	vor.u32 v61, v17  }
0x209: {  	v17 =	vor.u32 v57, v16;
	v16 =	vand.u32 $0x1FF80, v26;
	v26 =	vand.u32 $0x1FF80, v38  }
0x20a: {  	v37 =	vand.u32 $0x1FF80, v59;
	v33 =	vand.u32 $0x1FF80, v41;
	v38 =	vor.u32 v61, v26  }
0x20b: {  	vm5 =	veq.s32 v13, v5;
	v28 =	vand.u32 $0x1FF80, v28;
	v30 =	vor.u32 v1, v14;
	[tilespmem:v31+s15+$0x0] =	vst.idx.add.s32.msk vm3, v3  }
0x20c: {  	v27 =	vand.u32 $0x1FF80, v42;
	v30 =	vand.u32 $0x1FF80, v30;
	v16 =	vor.u32 v57, v16;
	[tilespmem:v43+s15+$0x0] =	vst.idx.add.s32.msk vm4, v3  }
0x20d: {  	v26 =	vand.u32 $0x1FF80, v22;
	v22 =	vshra.s32 v25, $0x13;
	v31 =	vor.u32 v24, v37;
	[tilespmem:v63+s15+$0x0] =	vst.idx.add.s32.msk vm0, v3  }
0x20e: {  	v25 =	vand.u32 $0x1FF80, v58;
	v26 =	vor.u32 v24, v26;
	vm0 =	veq.s32 v29, v6;
	[tilespmem:v40+s15+$0x0] =	vst.idx.add.s32.msk vm1, v3  }
0x20f: {  	s29 =	simm.s32 $0x20C0;
	s0 =	simm.s32 $0x0;
	v24 =	vand.u32 $0x1FF80, v55;
	v29 =	vor.u32 v57, v25;
	v25 =	vand.u32 $0x7F, v54;
	[tilespmem:v38+s15+$0x0] =	vst.idx.add.s32.msk vm2, v3  }
.LBB2_19:
0x210: {  	v34 =	vld [tilespmem:s29+$0xFFFFFFE0];
	s0 =	sadd.s32 $0x80, s0;
	vm2 =	veq.s32 v22, v5;
	vm11 =	veq.s32 v22, v6;
	v15 =	vor.u32 v8, v15  }
0x211: {  	v28 =	vor.u32 v10, v28;
	v18 =	vshrl.u32 v18, $0x8;
	v35 =	vor.u32 v25, v24;
	v21 =	vld [tilespmem:s29+$0x10];
	p1 =	slt.u32 s0, $0x1F80  }
0x212: {  	v30 =	vor.u32 v12, v30;
	v33 =	vor.u32 v19, v33;
	v36 =	vand.u32 $0x7FF, v18;
	v24 =	vld [tilespmem:s29+$0xFFFFFFC0]  }
0x213: {  	v27 =	vor.u32 v19, v27;
	v38 =	vor.u32 v1, v36;
	v39 =	vor.u32 v4, v36;
	v37 =	vld [tilespmem:s29+$0x30]  }
0x214: {  	v40 =	vor.u32 v4, v14;
	v18 =	vand.u32 $0x7F, v18;
	[tilespmem:v31+s15+$0x0] =	vst.idx.add.s32.msk vm0, v3;
	v31 =	vand.u32 $0x1FF80, v38  }
0x215: {  	v20 =	vand.u32 $0x1FF80, v20;
	vm3 =	veq.s32 v11, v5;
	v38 =	vld [tilespmem:s29+$0x20];
	v31 =	vor.u32 v18, v31  }
0x216: {  	v32 =	vand.u32 $0x1FF80, v32;
	v36 =	vor.u32 v8, v36;
	v39 =	vand.u32 $0x1FF80, v39;
	[tilespmem:v35+s15+$0x0] =	vst.idx.add.s32.msk vm8, v3  }
0x217: {  	vm1 =	veq.s32 v9, v7;
	v32 =	vor.u32 v25, v32;
	[tilespmem:v28+s15+$0x0] =	vst.idx.add.s32.msk vm12, v3;
	v28 =	vand.u32 $0x1FF80, v36  }
0x218: {  	v9 =	vand.u32 $0x1FF80, v23;
	v20 =	vor.u32 v10, v20;
	v35 =	vor.u32 v18, v39;
	[tilespmem:v27+s15+$0x0] =	vst.idx.add.s32.msk vm14, v3  }
0x219: {  	v10 =	vor.u32 v8, v14;
	v14 =	vor.u32 v19, v9;
	[tilespmem:v26+s15+$0x0] =	vst.idx.add.s32.msk vm13, v3  }
0x21a: {  	vm4 =	veq.s32 v11, v6;
	v9 =	vand.u32 $0x1FF80, v10;
	vm0 =	veq.s32 v13, v7;
	v26 =	vld [tilespmem:s29+$0xFFFFFFF0]  }
0x21b: {  	v10 =	vand.u32 $0x1FF80, v40;
	v19 =	vor.u32 v12, v9;
	v23 =	vor.u32 v18, v28;
	[tilespmem:v30+s15+$0x0] =	vst.idx.add.s32.msk vm3, v3  }
0x21c: {  	v12 =	vor.u32 v12, v10;
	v10 =	vand.u32 $0x1FF80, v15;
	vm3 =	veq.s32 v11, v7;
	[tilespmem:v29+s15+$0x0] =	vst.idx.add.s32.msk vm2, v3  }
0x21d: {  	v9 =	vshra.s32 v37, $0x13;
	vm2 =	veq.s32 v22, v7;
	v22 =	vor.u32 v25, v10;
	v11 =	vld [tilespmem:s29+$0xFFFFFFD0]  }
0x21e: {  	vm12 =	veq.s32 v13, v6;
	v10 =	vshrl.u32 v34, $0x8;
	v25 =	vshrl.u32 v21, $0x8;
	v18 =	vld [tilespmem:s29+$0x0]  }
0x21f: {  	v29 =	vand.u32 $0x7FF, v10;
	v36 =	vand.u32 $0x7F, v10;
	v27 =	vand.u32 $0x7FF, v25;
	[tilespmem:v31+s15+$0x0] =	vst.idx.add.s32.msk vm5, v3  }
0x220: {  	v13 =	vshrl.u32 v24, $0x8;
	v37 =	vshrl.u32 v37, $0x8;
	v28 =	vor.u32 v1, v29;
	[tilespmem:v14+s15+$0x0] =	vst.idx.add.s32.msk vm10, v3  }
0x221: {  	v15 =	vand.u32 $0x7FF, v37;
	v34 =	vshra.s32 v34, $0x13;
	v10 =	vand.u32 $0x7F, v13;
	[tilespmem:v12+s15+$0x0] =	vst.idx.add.s32.msk vm4, v3  }
0x222: {  	v39 =	vor.u32 v1, v15;
	v13 =	vand.u32 $0x7FF, v13;
	v12 =	vand.u32 $0x1FF80, v28;
	[tilespmem:v33+s15+$0x0] =	vst.idx.add.s32.msk vm9, v3  }
0x223: {  	v14 =	vor.u32 v1, v13;
	v28 =	vshrl.u32 v11, $0x8;
	v31 =	vor.u32 v36, v12;
	[tilespmem:v32+s15+$0x0] =	vst.idx.add.s32.msk vm6, v3  }
0x224: {  	vm8 =	veq.s32 v9, v5;
	v30 =	vand.u32 $0x1FF80, v14;
	v14 =	vand.u32 $0x7FF, v28;
	[tilespmem:v19+s15+$0x0] =	vst.idx.add.s32.msk vm3, v3  }
0x225: {  	v11 =	vshra.s32 v11, $0x13;
	v32 =	vor.u32 v4, v13;
	v19 =	vshrl.u32 v26, $0x8;
	[tilespmem:v35+s15+$0x0] =	vst.idx.add.s32.msk vm12, v3  }
0x226: {  	v12 =	vand.u32 $0x7F, v28;
	v33 =	vand.u32 $0x7FF, v19;
	v35 =	vand.u32 $0x7F, v19;
	[tilespmem:v17+s15+$0x0] =	vst.idx.add.s32.msk vm11, v3  }
0x227: {  	v19 =	vshrl.u32 v38, $0x8;
	v17 =	vor.u32 v1, v14;
	v40 =	vor.u32 v1, v33;
	[tilespmem:v22+s15+$0x0] =	vst.idx.add.s32.msk vm1, v3  }
0x228: {  	v28 =	vand.u32 $0x7FF, v19;
	v41 =	vand.u32 $0x7F, v19;
	v22 =	vor.u32 v4, v29;
	[tilespmem:v16+s15+$0x0] =	vst.idx.add.s32.msk vm2, v3  }
0x229: {  	v19 =	vand.u32 $0x7F, v25;
	v25 =	vor.u32 v4, v28;
	v16 =	vor.u32 v1, v28;
	[tilespmem:v20+s15+$0x0] =	vst.idx.add.s32.msk vm7, v3  }
0x22a: {  	v42 =	vor.u32 v8, v28;
	v20 =	vor.u32 v8, v13;
	v13 =	vshra.s32 v18, $0x13;
	[tilespmem:v23+s15+$0x0] =	vst.idx.add.s32.msk vm0, v3  }
0x22b: {  	v38 =	vshra.s32 v38, $0x13;
	v16 =	vand.u32 $0x1FF80, v16;
	vm5 =	veq.s32 v13, v5  }
0x22c: {  	v43 =	vor.u32 v8, v27;
	vm0 =	veq.s32 v38, v5;
	v23 =	vand.u32 $0x1FF80, v25  }
0x22d: {  	vm1 =	veq.s32 v38, v6;
	v25 =	vor.u32 v1, v27;
	v44 =	vor.u32 v41, v23  }
0x22e: {  	v45 =	vor.u32 v10, v30;
	vm3 =	veq.s32 v34, v5;
	v46 =	vand.u32 $0x1FF80, v22  }
0x22f: {  	v28 =	vand.u32 $0x1FF80, v32;
	vm2 =	veq.s32 v38, v7;
	v23 =	vor.u32 v4, v27  }
0x230: {  	vm6 =	veq.s32 v9, v6;
	v22 =	vor.u32 v4, v33;
	v27 =	vand.u32 $0x1FF80, v25  }
0x231: {  	v24 =	vshra.s32 v24, $0x13;
	v30 =	vand.u32 $0x1FF80, v17;
	v17 =	vand.u32 $0x1FF80, v22  }
0x232: {  	vm4 =	veq.s32 v24, v5;
	v22 =	vor.u32 v8, v33;
	v25 =	vor.u32 v41, v16  }
0x233: {  	v17 =	vor.u32 v35, v17;
	v16 =	vand.u32 $0x1FF80, v22;
	v22 =	vand.u32 $0x1FF80, v42  }
0x234: {  	v29 =	vor.u32 v8, v29;
	v16 =	vor.u32 v35, v16;
	v32 =	vor.u32 v41, v22  }
0x235: {  	v21 =	vshra.s32 v21, $0x13;
	v29 =	vand.u32 $0x1FF80, v29;
	v22 =	vshra.s32 v26, $0x13;
	[tilespmem:v31+s15+$0x0] =	vst.idx.add.s32.msk vm3, v3  }
.Ltmp8:
0x236: {  	vm12 =	veq.s32 v24, v6;
	vm7 =	veq.s32 v24, v7;
	v26 =	vor.u32 v36, v29;
	(pc) =	sbr.rel @p1 .LBB2_19-.Ltmp8, $4  }
0x237: {  	vm14 =	veq.s32 v21, v5;
	v29 =	vand.u32 $0x1FF80, v40;
	v31 =	vor.u32 v36, v46;
	[tilespmem:v25+s15+$0x0] =	vst.idx.add.s32.msk vm0, v3  }
0x238: {  	vm13 =	veq.s32 v34, v7;
	vm10 =	veq.s32 v21, v6;
	v33 =	vand.u32 $0x1FF80, v43;
	[tilespmem:v45+s15+$0x0] =	vst.idx.add.s32.msk vm4, v3  }
0x239: {  	vm9 =	veq.s32 v21, v7;
	v24 =	vand.u32 $0x1FF80, v39;
	vm0 =	veq.s32 v34, v6;
	[tilespmem:v44+s15+$0x0] =	vst.idx.add.s32.msk vm1, v3  }
0x23a: {  	s29 =	sadd.s32 $0x80, s29;
	v29 =	vor.u32 v35, v29;
	v25 =	vand.u32 $0x7F, v37;
	[tilespmem:v32+s15+$0x0] =	vst.idx.add.s32.msk vm2, v3;
	v32 =	vor.u32 v4, v15  }
0x23b: {  	_ =	sdelay $0x1  }
0x23c: {  	v21 =	vor.u32 v25, v24  }
0x23d: {  	v50 =	vor.u32 v10, v28  }
0x23e: {  	v27 =	vor.u32 v19, v27;
	vm1 =	veq.s32 v22, v5;
	vm2 =	veq.s32 v11, v5  }
0x23f: {  	v30 =	vor.u32 v12, v30;
	[tilespmem:v31+s15+$0x0] =	vst.idx.add.s32.msk vm0, v3;
	vm11 =	veq.s32 v22, v6  }
0x240: {  	v53 =	vor.u32 v4, v14;
	v23 =	vand.u32 $0x1FF80, v23;
	vm3 =	veq.s32 v11, v6;
	[tilespmem:v26+s15+$0x0] =	vst.idx.add.s32.msk vm13, v3  }
0x241: {  	v54 =	vor.u32 v19, v33;
	v56 =	vand.u32 $0x1FF80, v32;
	v23 =	vor.u32 v19, v23;
	[tilespmem:v21+s15+$0x0] =	vst.idx.add.s32.msk vm8, v3  }
0x242: {  	v57 =	vor.u32 v8, v14;
	v62 =	vand.u32 $0x1FF80, v20;
	v26 =	vor.u32 v25, v56;
	[tilespmem:v50+s15+$0x0] =	vst.idx.add.s32.msk vm12, v3  }
0x243: {  	v18 =	vshrl.u32 v18, $0x8;
	v60 =	vor.u32 v8, v15;
	v63 =	vor.u32 v10, v62;
	[tilespmem:v27+s15+$0x0] =	vst.idx.add.s32.msk vm14, v3  }
0x244: {  	vm4 =	veq.s32 v9, v7;
	v51 =	vand.u32 $0x7FF, v18;
	v18 =	vand.u32 $0x7F, v18;
	[tilespmem:v30+s15+$0x0] =	vst.idx.add.s32.msk vm2, v3  }
0x245: {  	vm13 =	veq.s32 v13, v6;
	v61 =	vand.u32 $0x1FF80, v60;
	v34 =	vor.u32 v1, v51;
	[tilespmem:v29+s15+$0x0] =	vst.idx.add.s32.msk vm1, v3  }
0x246: {  	v55 =	vor.u32 v4, v51;
	v9 =	vor.u32 v25, v61;
	v52 =	vand.u32 $0x1FF80, v34;
	[tilespmem:v23+s15+$0x0] =	vst.idx.add.s32.msk vm10, v3  }
0x247: {  	v8 =	vor.u32 v8, v51;
	v58 =	vand.u32 $0x1FF80, v55;
	v31 =	vor.u32 v18, v52;
	[tilespmem:v26+s15+$0x0] =	vst.idx.add.s32.msk vm6, v3  }
0x248: {  	v21 =	vand.u32 $0x1FF80, v53;
	vm12 =	veq.s32 v11, v7;
	v11 =	vor.u32 v18, v58;
	[tilespmem:v63+s15+$0x0] =	vst.idx.add.s32.msk vm7, v3  }
0x249: {  	vm14 =	veq.s32 v22, v7;
	v21 =	vor.u32 v12, v21;
	[tilespmem:v54+s15+$0x0] =	vst.idx.add.s32.msk vm9, v3  }
0x24a: {  	vm15 =	veq.s32 v13, v7;
	v8 =	vand.u32 $0x1FF80, v8;
	[tilespmem:v17+s15+$0x0] =	vst.idx.add.s32.msk vm11, v3  }
0x24b: {  	s28 =	sadd.s32 $0x1, s28;
	v14 =	vand.u32 $0x1FF80, v57;
	v8 =	vor.u32 v18, v8;
	[tilespmem:v9+s15+$0x0] =	vst.idx.add.s32.msk vm4, v3  }
0x24c: {  	p1 =	sne.s32 s28, $0x8;
	v59 =	vor.u32 v12, v14;
	[tilespmem:v31+s15+$0x0] =	vst.idx.add.s32.msk vm5, v3  }
.Ltmp9:
0x24d: {  	[tilespmem:v11+s15+$0x0] =	vst.idx.add.s32.msk vm13, v3;
	(pc) =	sbr.rel @p1 .LBB2_16-.Ltmp9, $4  }
0x24e: {  	[tilespmem:v21+s15+$0x0] =	vst.idx.add.s32.msk vm3, v3  }
0x24f: {  	[tilespmem:v16+s15+$0x0] =	vst.idx.add.s32.msk vm14, v3  }
0x250: {  	[tilespmem:v8+s15+$0x0] =	vst.idx.add.s32.msk vm15, v3  }
0x251: {  	[tilespmem:v59+s15+$0x0] =	vst.idx.add.s32.msk vm12, v3  }
0x252: {  	_ =	strace $0x9000004D  }
0x253: {  	s2 =	simm.s32 $0x0;
	s0 =	simm.s32 $0x0;
	_ =	strace $0x8000004E  }
0x254: {  	s3 =	sand.u32 $0x1FE0, s2;
	v5 =	vld [tilespmem:s0+$0x4000]  }
0x255: {  	v6 =	vld [tilespmem:s3+$0x5800]  }
0x256: {  	v7 =	vld [tilespmem:s3+$0x7000]  }
0x257: {  	v8 =	vld [tilespmem:s3+$0x8800]  }
0x258: {  	v9 =	vld [tilespmem:s3+$0xA000]  }
0x259: {  	v10 =	vld [tilespmem:s3+$0xB800]  }
0x25a: {  	v11 =	vld [tilespmem:s3+$0xD000]  }
0x25b: {  	v12 =	vld [tilespmem:s3+$0xE800]  }
0x25c: {  	v13 =	vld [tilespmem:s3+$0x10000]  }
0x25d: {  	v14 =	vld [tilespmem:s3+$0x11800]  }
0x25e: {  	v15 =	vld [tilespmem:s3+$0x13000]  }
0x25f: {  	v16 =	vld [tilespmem:s3+$0x14800]  }
0x260: {  	v17 =	vld [tilespmem:s3+$0x16000]  }
0x261: {  	v18 =	vld [tilespmem:s3+$0x17800]  }
0x262: {  	v19 =	vld [tilespmem:s3+$0x19000]  }
0x263: {  	v20 =	vld [tilespmem:s3+$0x1A800];
	v5 =	vadd.s32 v5, v6  }
0x264: {  	v6 =	vld [tilespmem:s0+$0x4010];
	v5 =	vadd.s32 v7, v5  }
0x265: {  	v7 =	vld [tilespmem:s0+$0x5810];
	v5 =	vadd.s32 v8, v5  }
0x266: {  	v8 =	vld [tilespmem:s0+$0x7010];
	v5 =	vadd.s32 v9, v5  }
0x267: {  	v9 =	vld [tilespmem:s0+$0x8810];
	v5 =	vadd.s32 v10, v5  }
0x268: {  	v10 =	vld [tilespmem:s0+$0xA010];
	v5 =	vadd.s32 v11, v5  }
0x269: {  	v11 =	vld [tilespmem:s0+$0xB810];
	v5 =	vadd.s32 v12, v5  }
0x26a: {  	v6 =	vadd.s32 v6, v7;
	v7 =	vld [tilespmem:s0+$0xD010];
	v5 =	vadd.s32 v13, v5  }
0x26b: {  	v6 =	vadd.s32 v8, v6;
	v8 =	vld [tilespmem:s0+$0xE810];
	v5 =	vadd.s32 v14, v5  }
0x26c: {  	v6 =	vadd.s32 v9, v6;
	v9 =	vld [tilespmem:s0+$0x10010];
	v5 =	vadd.s32 v15, v5  }
0x26d: {  	v6 =	vadd.s32 v10, v6;
	v10 =	vld [tilespmem:s0+$0x11810];
	v5 =	vadd.s32 v16, v5  }
0x26e: {  	v11 =	vadd.s32 v11, v6;
	v6 =	vld [tilespmem:s0+$0x13010];
	v5 =	vadd.s32 v17, v5  }
0x26f: {  	v7 =	vadd.s32 v7, v11;
	v63 =	vadd.s32 v18, v5;
	v5 =	vld [tilespmem:s0+$0x14810]  }
0x270: {  	v8 =	vadd.s32 v8, v7;
	v7 =	vld [tilespmem:s0+$0x16010];
	v11 =	vadd.s32 v19, v63  }
0x271: {  	v9 =	vadd.s32 v9, v8;
	v8 =	vld [tilespmem:s0+$0x17810];
	v11 =	vadd.s32 v20, v11  }
0x272: {  	s6 =	simm.s32 $0x80;
	v10 =	vadd.s32 v10, v9;
	v9 =	vld [tilespmem:s0+$0x19010];
	[tilespmem:s0+$0x1C000] =	vst v11  }
.LBB2_22:
0x273: {  	s2 =	sadd.s32 $0x20, s2;
	s3 =	sshra.s32 s6, $0x2;
	v6 =	vadd.s32 v6, v10;
	v10 =	vld [tilespmem:s0+$0x1A810]  }
0x274: {  	v11 =	vld [tilespmem:s3+$0x4000];
	s5 =	sand.u32 $0x1FE0, s2;
	p1 =	slt.u32 s2, $0x17E0;
	v5 =	vadd.s32 v5, v6  }
0x275: {  	v6 =	vld [tilespmem:s5+$0x5800];
	v5 =	vadd.s32 v7, v5  }
0x276: {  	v7 =	vld [tilespmem:s5+$0x7000];
	v5 =	vadd.s32 v8, v5  }
0x277: {  	v8 =	vld [tilespmem:s5+$0x8800];
	v5 =	vadd.s32 v9, v5  }
0x278: {  	v9 =	vld [tilespmem:s5+$0xA000];
	v5 =	vadd.s32 v10, v5  }
0x279: {  	v10 =	vld [tilespmem:s5+$0xB800];
	[tilespmem:s0+$0x1C010] =	vst v5;
	s0 =	smov.u32 s3  }
0x27a: {  	v5 =	vadd.s32 v11, v6;
	v6 =	vld [tilespmem:s5+$0xD000]  }
0x27b: {  	v5 =	vadd.s32 v7, v5;
	v7 =	vld [tilespmem:s5+$0xE800]  }
0x27c: {  	v5 =	vadd.s32 v8, v5;
	v8 =	vld [tilespmem:s5+$0x10000]  }
0x27d: {  	v5 =	vadd.s32 v9, v5;
	v9 =	vld [tilespmem:s5+$0x11800]  }
0x27e: {  	v5 =	vadd.s32 v10, v5;
	v10 =	vld [tilespmem:s5+$0x13000]  }
0x27f: {  	v5 =	vadd.s32 v6, v5;
	v6 =	vld [tilespmem:s5+$0x14800]  }
0x280: {  	v5 =	vadd.s32 v7, v5;
	v7 =	vld [tilespmem:s5+$0x16000]  }
0x281: {  	v5 =	vadd.s32 v8, v5;
	v8 =	vld [tilespmem:s5+$0x17800]  }
0x282: {  	v5 =	vadd.s32 v9, v5;
	v9 =	vld [tilespmem:s5+$0x19000]  }
0x283: {  	v5 =	vadd.s32 v10, v5;
	v10 =	vld [tilespmem:s5+$0x1A800]  }
0x284: {  	v5 =	vadd.s32 v6, v5;
	v6 =	vld [tilespmem:s0+$0x4010]  }
0x285: {  	v5 =	vadd.s32 v7, v5;
	v7 =	vld [tilespmem:s0+$0x5810]  }
0x286: {  	v5 =	vadd.s32 v8, v5;
	v8 =	vld [tilespmem:s0+$0x7010]  }
0x287: {  	v5 =	vadd.s32 v9, v5;
	v9 =	vld [tilespmem:s0+$0x8810]  }
0x288: {  	v5 =	vadd.s32 v10, v5;
	v10 =	vld [tilespmem:s0+$0xA010]  }
0x289: {  	[tilespmem:s0+$0x1C000] =	vst v5;
	v5 =	vld [tilespmem:s0+$0xB810]  }
0x28a: {  	v6 =	vadd.s32 v6, v7;
	v7 =	vld [tilespmem:s0+$0xD010]  }
0x28b: {  	v6 =	vadd.s32 v8, v6;
	v8 =	vld [tilespmem:s0+$0xE810]  }
0x28c: {  	v6 =	vadd.s32 v9, v6;
	v9 =	vld [tilespmem:s0+$0x10010]  }
0x28d: {  	v6 =	vadd.s32 v10, v6;
	v10 =	vld [tilespmem:s0+$0x11810]  }
.Ltmp10:
0x28e: {  	v5 =	vadd.s32 v5, v6;
	v6 =	vld [tilespmem:s0+$0x13010];
	(pc) =	sbr.rel @p1 .LBB2_22-.Ltmp10, $4  }
0x28f: {  	v7 =	vadd.s32 v7, v5;
	v5 =	vld [tilespmem:s0+$0x14810]  }
0x290: {  	v8 =	vadd.s32 v8, v7;
	v7 =	vld [tilespmem:s0+$0x16010]  }
0x291: {  	v9 =	vadd.s32 v9, v8;
	v8 =	vld [tilespmem:s0+$0x17810]  }
0x292: {  	s6 =	sadd.s32 $0x80, s6;
	v10 =	vadd.s32 v10, v9;
	v9 =	vld [tilespmem:s0+$0x19010]  }
0x293: {  	v6 =	vadd.s32 v6, v10;
	v47 =	vld [tilespmem:s0+$0x1A810]  }
0x294: {  	v5 =	vadd.s32 v5, v6  }
0x295: {  	v5 =	vadd.s32 v7, v5  }
0x296: {  	v5 =	vadd.s32 v8, v5  }
0x297: {  	v5 =	vadd.s32 v9, v5  }
0x298: {  	v5 =	vadd.s32 v47, v5  }
0x299: {  	[tilespmem:s0+$0x1C010] =	vst v5  }
0x29a: {  	_ =	strace $0x9000004E  }
0x29b: {  	s2 =	simm.s32 $0x1C000;
	s8 =	rddreg [dreg:$0x3]  }
0x29c: {  	[spmem:s8] =	stream.strided.scatter [tilespmem:s2], [sflag:$0x3], $0x1800, s12, s11, $0x38;
	[tilespmem:$0x1F080] =	vst v63  }
0x29d: {  	_ =	swait.ge [sflag:s18], $0x1800  }
0x29e: {  	[sflag:s18] =	ssyncset.done $0x0  }
0x29f: {  	[sflag:s18] =	ssyncadd.s32 $0xFFFFE800  }
0x2a0: {  	[bflag:$0x0] =	sbarrier.arrive $0xFFFF  }
0x2a1: {  	s17 =	rddreg [dreg:$0x4]  }
0x2a2: {  	[tilespmem:s15], [sflag:$0x3] =	stream.strided.gather [spmem:s17], $0x1800, s12, s11, $0x38;
	[tilespmem:$0x1F080] =	vst v63  }
0x2a3: {  	_ =	swait.ge [sflag:s18], $0x1800  }
0x2a4: {  	[sflag:s18] =	ssyncset.done $0x0  }
0x2a5: {  	[sflag:s18] =	ssyncadd.s32 $0xFFFFE800  }
0x2a6: {  	s22 =	simm.s32 $0x0;
	[bflag:$0x0] =	sbarrier.arrive $0xFFFF  }
0x2a7: {  	v5 =	vld [tilespmem:s22+$0x4800]  }
0x2a8: {  	v6 =	vld [tilespmem:s22+$0x1C800]  }
0x2a9: {  	v7 =	vld [tilespmem:s22+$0x5000]  }
0x2aa: {  	v8 =	vld [tilespmem:s22+$0x1D000]  }
0x2ab: {  	v48 =	vld [tilespmem:s22+$0x1C000]  }
0x2ac: {  	v49 =	vld [tilespmem:s22+$0x4000]  }
0x2ad: {  	v5 =	vadd.s32 v6, v5  }
0x2ae: {  	(xrf0) =	vadd.scan.msk.s32 $0xffff, v5;
	_ =	sdelay $0x1  }
0x2af: {  	v5 =	vadd.s32 v8, v7  }
0x2b0: {  	(xrf0) =	vadd.scan.msk.s32 $0xffff, v5;
	v5 =	vadd.s32 v48, v49;
	_ =	sdelay $0x2  }
0x2b1: {  	s0 =	simm.s32 $0x0;
	(xrf0) =	vadd.scan.msk.s32 $0xffff, v5;
	v5, _, _ =	vpop (xrf0)  }
0x2b2: {  	v7 =	vmov s25;
	v5 =	vadd.s32 s0, v5  }
0x2b3: {  	vm0 =	vlt.s32 v5, v7;
	v5 =	vxor.u32 $0x80000000, v5  }
0x2b4: {  	v6, _, _ =	vpop (xrf0);
	v8 =	vnsel vm0, $0x80000000, v5  }
0x2b5: {  	v6 =	vadd.s32 s0, v6;
	(xrf0) =	vmax.scan.msk.u32 $0xffff, v5  }
0x2b6: {  	v5 =	vmov s26;
	v50 =	vxor.u32 $0x80000000, v6;
	(xrf0) =	vmax.scan.msk.u32 $0xffff, v8  }
0x2b7: {  	v51 =	vsel vm0, $0x1, v2;
	vm15 =	vlt.s32 v6, v5;
	v8, _, _ =	vpop (xrf0);
	(xrf0) =	vmax.scan.msk.u32 $0xffff, v50  }
0x2b8: {  	v6 =	vmov s24;
	v9 =	vnsel vm15, $0x80000000, v50;
	v8 =	vadd.s32 s0, v8;
	(xrf0) =	vadd.scan.msk.s32 $0xffff, v51  }
0x2b9: {  	s23 =	simm.s32 $0x10;
	vm1 =	vlt.s32 v8, v6;
	v8 =	vxor.u32 $0x80000000, v8;
	(xrf0) =	vmax.scan.msk.u32 $0xffff, v9  }
0x2ba: {  	v56 =	vld [tilespmem:s23+$0x1C800];
	v53 =	vnsel vm1, $0x80000000, v8;
	(xrf0) =	vmax.scan.msk.u32 $0xffff, v8  }
0x2bb: {  	v8 =	vld [tilespmem:s23+$0x4800];
	v11 =	vsel vm1, $0x1, v2;
	v54, _, _ =	vpop (xrf0);
	(xrf0) =	vmax.scan.msk.u32 $0xffff, v53  }
0x2bc: {  	v13 =	vsel vm15, $0x1, v2;
	v55, _, _ =	vpop (xrf0);
	(v2sf) =	vpush v54, $0xF;
	(xrf0) =	vadd.scan.msk.s32 $0xffff, v11  }
0x2bd: {  	(v2sf) =	vpush v55, $0xF;
	(xrf0) =	vadd.scan.msk.s32 $0xffff, v13;
	v57, _, _ =	vpop (xrf0)  }
0x2be: {  	v14, _, _ =	vpop (xrf0);
	(v2sf) =	vpush v57, $0xF  }
0x2bf: {  	v52 =	vld [tilespmem:s23+$0x5000];
	(v2sf) =	vpush v14, $0xF;
	v60, _, _ =	vpop (xrf0)  }
0x2c0: {  	v12 =	vld [tilespmem:s23+$0x1C000];
	v8 =	vadd.s32 v56, v8;
	v15, _, _ =	vpop (xrf0);
	(v2sf) =	vpush v60, $0xF  }
0x2c1: {  	v58 =	vld [tilespmem:s23+$0x1D000];
	v61, _, _ =	vpop (xrf0);
	(v2sf) =	vpush v15, $0xF  }
0x2c2: {  	v59 =	vld [tilespmem:s23+$0x4000];
	v62, _, _ =	vpop (xrf0);
	(v2sf) =	vpush v61, $0xF  }
0x2c3: {  	(xrf0) =	vadd.scan.msk.s32 $0xffff, v8;
	(v2sf) =	vpush v62, $0xF;
	v8, _, _ =	vpop (xrf0)  }
0x2c4: {  	(v2sf) =	vpush v8, $0xF;
	_ =	sdelay $0x1  }
0x2c5: {  	v9 =	vadd.s32 v58, v52  }
0x2c6: {  	s31 =	simm.s32 $0x80;
	s28 =	simm.s32 $0x0;
	s29 =	simm.s32 $0x0;
	v63 =	vadd.s32 v12, v59;
	(xrf0) =	vadd.scan.msk.s32 $0xffff, v9  }
0x2c7: {  	s6 =	simm.s32 $0x0;
	s30 =	simm.s32 $0x0;
	s2 =	simm.s32 $0x0;
	(xrf0) =	vadd.scan.msk.s32 $0xffff, v63  }
.LBB2_24:
0x2c8: {  	s3 =	smov.u32 s30  }
0x2c9: {  	s5 =	smov.u32 s29;
	s8 =	smov.u32 s0;
	p1 =	sne.s32 s31, $0x1FC0  }
0x2ca: {  	s17 =	smov.u32 s31;
	s31 =	sadd.s32 $0x40, s31;
	s0 =	spop (v2sf)  }
0x2cb: {  	v8, _, _ =	vpop (xrf0);
	s0 =	sxor.u32 $0x80000000, s0;
	s29 =	spop (v2sf)  }
0x2cc: {  	v8 =	vadd.s32 s0, v8;
	v9, _, _ =	vpop (xrf0);
	s0 =	spop (v2sf)  }
0x2cd: {  	vm0 =	vlt.s32 v8, v7;
	v8 =	vxor.u32 $0x80000000, v8;
	v10, _, _ =	vpop (xrf0);
	s0 =	sxor.u32 $0x80000000, s0;
	s30 =	spop (v2sf)  }
0x2ce: {  	v11 =	vnsel vm0, $0x80000000, v8;
	v9 =	vadd.s32 s0, v9;
	(xrf0) =	vmax.scan.msk.u32 $0xffff, v8;
	s28 =	sadd.s32 s28, s30;
	s0 =	sxor.u32 $0x80000000, s29;
	s29 =	spop (v2sf)  }
0x2cf: {  	v8 =	vsel vm0, $0x1, v2;
	vm0 =	vlt.s32 v9, v5;
	v9 =	vxor.u32 $0x80000000, v9;
	(xrf0) =	vmax.scan.msk.u32 $0xffff, v11;
	p2 =	sgt.s32 s8, s0;
	s29 =	sxor.u32 $0x80000000, s29;
	s30 =	spop (v2sf)  }
0x2d0: {  	v11 =	vsel vm0, $0x1, v2;
	v12 =	vnsel vm0, $0x80000000, v9;
	(xrf0) =	vmax.scan.msk.u32 $0xffff, v9;
	s30 =	sxor.u32 $0x80000000, s30;
	s0 =	smov.u32 @p2 s8;
	s8 =	spop (v2sf)  }
0x2d1: {  	p2 =	sgt.s32 s5, s29;
	v9 =	vadd.s32 s30, v10;
	(xrf0) =	vadd.scan.msk.s32 $0xffff, v8;
	s30 =	sxor.u32 $0x80000000, s8;
	s8 =	spop (v2sf)  }
0x2d2: {  	vm0 =	vlt.s32 v9, v6;
	v13 =	vxor.u32 $0x80000000, v9;
	(xrf0) =	vmax.scan.msk.u32 $0xffff, v12;
	s6 =	sadd.s32 s6, s8;
	p3 =	sgt.s32 s3, s30;
	s8 =	spop (v2sf)  }
0x2d3: {  	s29 =	smov.u32 @p2 s5;
	v12 =	vsel vm0, $0x1, v2;
	v10 =	vnsel vm0, $0x80000000, v13;
	(xrf0) =	vmax.scan.msk.u32 $0xffff, v13;
	s30 =	smov.u32 @p3 s3;
	s2 =	sadd.s32 s2, s8  }
0x2d4: {  	s3 =	sshra.s32 s17, $0x2;
	(xrf0) =	vmax.scan.msk.u32 $0xffff, v10;
	v8, _, _ =	vpop (xrf0)  }
0x2d5: {  	v10 =	vld [tilespmem:s3+$0x5000];
	(xrf0) =	vadd.scan.msk.s32 $0xffff, v12;
	v9, _, _ =	vpop (xrf0);
	(v2sf) =	vpush v8, $0xF  }
0x2d6: {  	v8 =	vld [tilespmem:s3+$0x4800];
	(v2sf) =	vpush v9, $0xF;
	(xrf0) =	vadd.scan.msk.s32 $0xffff, v11;
	v9, _, _ =	vpop (xrf0)  }
0x2d7: {  	v11 =	vld [tilespmem:s3+$0x1C000];
	v12, _, _ =	vpop (xrf0);
	(v2sf) =	vpush v9, $0xF  }
0x2d8: {  	v9 =	vld [tilespmem:s3+$0x1D000];
	(v2sf) =	vpush v12, $0xF;
	v12, _, _ =	vpop (xrf0)  }
0x2d9: {  	v13 =	vld [tilespmem:s3+$0x1C800];
	v14, _, _ =	vpop (xrf0);
	(v2sf) =	vpush v12, $0xF  }
0x2da: {  	v12 =	vld [tilespmem:s3+$0x4000];
	v15, _, _ =	vpop (xrf0);
	(v2sf) =	vpush v14, $0xF  }
0x2db: {  	v14, _, _ =	vpop (xrf0);
	(v2sf) =	vpush v15, $0xF  }
0x2dc: {  	(v2sf) =	vpush v14, $0xF;
	v14, _, _ =	vpop (xrf0)  }
.Ltmp11:
0x2dd: {  	v9 =	vadd.s32 v9, v10;
	(v2sf) =	vpush v14, $0xF;
	(pc) =	sbr.rel @p1 .LBB2_24-.Ltmp11, $4  }
0x2de: {  	v8 =	vadd.s32 v13, v8  }
0x2df: {  	v10 =	vadd.s32 v11, v12;
	(xrf0) =	vadd.scan.msk.s32 $0xffff, v8  }
0x2e0: {  	(xrf0) =	vadd.scan.msk.s32 $0xffff, v9  }
0x2e1: {  	(xrf0) =	vadd.scan.msk.s32 $0xffff, v10  }
0x2e2: {  	_ =	sdelay $0x1  }
0x2e3: {  	s3 =	spop (v2sf)  }
0x2e4: {  	s5 =	spop (v2sf)  }
0x2e5: {  	v8, _, _ =	vpop (xrf0);
	s3 =	sxor.u32 $0x80000000, s3;
	s22 =	spop (v2sf)  }
0x2e6: {  	v8 =	vadd.s32 s3, v8;
	v9, _, _ =	vpop (xrf0);
	s3 =	sxor.u32 $0x80000000, s22;
	s8 =	spop (v2sf)  }
0x2e7: {  	vm0 =	vlt.s32 v8, v7;
	v7 =	vxor.u32 $0x80000000, v8;
	v9 =	vadd.s32 s3, v9;
	s3 =	spop (v2sf)  }
0x2e8: {  	v8 =	vnsel vm0, $0x80000000, v7;
	(xrf0) =	vmax.scan.msk.u32 $0xffff, v7;
	s17 =	spop (v2sf)  }
0x2e9: {  	v63, _, _ =	vpop (xrf0);
	v7 =	vxor.u32 $0x80000000, v9;
	(xrf0) =	vmax.scan.msk.u32 $0xffff, v8;
	vm15 =	vlt.s32 v9, v5;
	s17 =	sxor.u32 $0x80000000, s17  }
0x2ea: {  	v10 =	vsel vm0, $0x1, v2;
	(xrf0) =	vmax.scan.msk.u32 $0xffff, v7;
	v5 =	vnsel vm15, $0x80000000, v7;
	v7 =	vadd.s32 s17, v63  }
0x2eb: {  	(xrf0) =	vadd.scan.msk.s32 $0xffff, v10;
	vm1 =	vlt.s32 v7, v6;
	v6 =	vxor.u32 $0x80000000, v7  }
0x2ec: {  	(xrf0) =	vmax.scan.msk.u32 $0xffff, v5;
	v5 =	vnsel vm1, $0x80000000, v6  }
0x2ed: {  	(xrf0) =	vmax.scan.msk.u32 $0xffff, v6;
	v6 =	vsel vm1, $0x1, v2;
	_ =	sdelay $0x1  }
0x2ee: {  	(xrf0) =	vmax.scan.msk.u32 $0xffff, v5;
	v5, _, _ =	vpop (xrf0)  }
0x2ef: {  	(xrf0) =	vadd.scan.msk.s32 $0xffff, v6;
	v6, _, _ =	vpop (xrf0);
	(v2sf) =	vpush v5, $0xF  }
0x2f0: {  	v7 =	vsel vm15, $0x1, v2;
	(v2sf) =	vpush v6, $0xF;
	v5, _, _ =	vpop (xrf0)  }
0x2f1: {  	(xrf0) =	vadd.scan.msk.s32 $0xffff, v7;
	v6, _, _ =	vpop (xrf0);
	(v2sf) =	vpush v5, $0xF  }
0x2f2: {  	(v2sf) =	vpush v6, $0xF;
	v5, _, _ =	vpop (xrf0)  }
0x2f3: {  	v6, _, _ =	vpop (xrf0);
	(v2sf) =	vpush v5, $0xF  }
0x2f4: {  	(v2sf) =	vpush v6, $0xF  }
0x2f5: {  	v5, _, _ =	vpop (xrf0)  }
0x2f6: {  	v6, _, _ =	vpop (xrf0);
	(v2sf) =	vpush v5, $0xF  }
0x2f7: {  	(v2sf) =	vpush v6, $0xF;
	v5, _, _ =	vpop (xrf0)  }
0x2f8: {  	(v2sf) =	vpush v5, $0xF;
	_ =	sdelay $0x2  }
0x2f9: {  	s5 =	sxor.u32 $0x80000000, s5;
	s23 =	spop (v2sf)  }
0x2fa: {  	p1 =	sgt.s32 s0, s5;
	s31 =	spop (v2sf)  }
0x2fb: {  	s5 =	smov.u32 @p1 s0;
	s3 =	sxor.u32 $0x80000000, s3;
	s22 =	spop (v2sf)  }
0x2fc: {  	p1 =	sgt.s32 s29, s3;
	s17 =	sxor.u32 $0x80000000, s23;
	s23 =	spop (v2sf)  }
0x2fd: {  	s8 =	sadd.s32 s28, s8;
	s3 =	smov.u32 @p1 s29;
	s0 =	spop (v2sf)  }
0x2fe: {  	p2 =	sgt.s32 s30, s17;
	s23 =	sadd.s32 s6, s31;
	s6 =	spop (v2sf)  }
0x2ff: {  	s17 =	smov.u32 @p2 s30;
	s22 =	sadd.s32 s2, s22;
	s6 =	spop (v2sf)  }
0x300: {  	s2 =	sxor.u32 $0x80000000, s0;
	s28 =	sadd.s32 s8, s6;
	s6 =	spop (v2sf)  }
0x301: {  	p1 =	sgt.s32 s5, s2;
	s8 =	simm.s32 $0x0;
	s0 =	spop (v2sf)  }
0x302: {  	s2 =	smov.u32 @p1 s5;
	s6 =	sxor.u32 $0x80000000, s6;
	s0 =	smul.u32 $0x6000, s8  }
0x303: {  	s29 =	spop (v2sf);
	s8 =	simm.s32 $0x0;
	p1 =	sgt.s32 s3, s6  }
0x304: {  	s30 =	spop (v2sf);
	s31 =	sand.u32 $0x380, s8;
	s0 =	sshra.s32 s0, $0x2  }
0x305: {  	s5 =	spop (v2sf);
	s0 =	sor.u32 s31, s0;
	s31 =	sxor.u32 $0x80000000, s29  }
0x306: {  	s6 =	smov.u32 @p1 s3;
	_ =	strace $0x8000004F;
	p2 =	sgt.s32 s17, s31;
	[tilespmem:s0+$0x4070] =	vst v2  }
0x307: {  	s30 =	sadd.s32 s23, s30;
	s29 =	sadd.s32 s22, s5;
	[tilespmem:s0+$0x4000] =	vst v2;
	s31 =	smov.u32 @p2 s17  }
.LBB2_26:
0x308: {  	s8 =	sadd.s32 $0x80, s8;
	[tilespmem:s0+$0x4010] =	vst v2  }
0x309: {  	s3 =	sshrl.u32 s8, $0xA;
	p1 =	slt.u32 s8, $0x3F80;
	[tilespmem:s0+$0x4020] =	vst v2  }
0x30a: {  	s3 =	smul.u32 $0x6000, s3;
	[tilespmem:s0+$0x4030] =	vst v2  }
.Ltmp12:
0x30b: {  	[tilespmem:s0+$0x4040] =	vst v2;
	(pc) =	sbr.rel @p1 .LBB2_26-.Ltmp12, $4  }
0x30c: {  	s5 =	sand.u32 $0x380, s8;
	s3 =	sshra.s32 s3, $0x2;
	[tilespmem:s0+$0x4050] =	vst v2  }
0x30d: {  	[tilespmem:s0+$0x4060] =	vst v2;
	s0 =	sor.u32 s5, s3  }
0x30e: {  	[tilespmem:s0+$0x4070] =	vst v2  }
0x30f: {  	[tilespmem:s0+$0x4000] =	vst v2  }
0x310: {  	[tilespmem:s0+$0x4010] =	vst v2  }
0x311: {  	[tilespmem:s0+$0x4020] =	vst v2  }
0x312: {  	[tilespmem:s0+$0x4030] =	vst v2  }
0x313: {  	[tilespmem:s0+$0x4040] =	vst v2  }
0x314: {  	[tilespmem:s0+$0x4050] =	vst v2;
	s3 =	sshll.u32 s19, $0xB;
	s5 =	sshll.u32 s21, $0xB;
	s8 =	sshll.u32 s20, $0xB  }
0x315: {  	[tilespmem:s0+$0x4060] =	vst v2;
	s0 =	simm.s32 $0x0;
	s31 =	ssub.s32 s24, s31;
	s25 =	ssub.s32 s25, s2  }
0x316: {  	s24 =	ssub.s32 s26, s6;
	_ =	strace $0x9000004F;
	s3 =	sor.u32 s3, s30  }
0x317: {  	s5 =	sor.u32 s5, s28;
	s8 =	sor.u32 s8, s29;
	_ =	strace $0x80000050;
	v5 =	vmov s3  }
0x318: {  	v6 =	vmov s5;
	v7 =	vmov s8;
	[tilespmem:s0], [sflag:$0x1] =	stream.strided.gather [hbm4b:s7+s11], $0x2000, s12, s11, $0x200038;
	[tilespmem:$0x1F080] =	vst v63  }
.LBB2_28:
0x319: {  	s26 =	sshll.u32 s0, $0xE;
	_ =	swait.ge [sflag:s13], $0x2000  }
0x31a: {  	[sflag:s13] =	ssyncset.done $0x0;
	s2 =	sor.u32 s9, s26  }
0x31b: {  	s23 =	simm.s32 $0x40;
	[sflag:s13] =	ssyncadd.s32 $0xFFFFE000;
	s2 =	sadd.s32 s2, s4  }
0x31c: {  	[tilespmem:s14], [sflag:$0x2] =	stream.strided.gather [hbm4b:s2+s11], $0x2000, s12, s11, $0x200038;
	[tilespmem:$0x1F080] =	vst v63  }
0x31d: {  	v14 =	vld [tilespmem:s23+$0xFFFFFFC0]  }
0x31e: {  	v12 =	vld [tilespmem:s23+$0xFFFFFFF0]  }
0x31f: {  	v16 =	vld [tilespmem:s23+$0x30]  }
0x320: {  	v15 =	vld [tilespmem:s23+$0x0]  }
0x321: {  	v30 =	vld [tilespmem:s23+$0xFFFFFFE0]  }
0x322: {  	v37 =	vld [tilespmem:s23+$0x20]  }
0x323: {  	v25 =	vld [tilespmem:s23+$0xFFFFFFD0]  }
0x324: {  	v8 =	vor.u32 $0x200, v1;
	v9 =	vor.u32 $0x100, v1;
	v40 =	vld [tilespmem:s23+$0x10];
	v10 =	vand.u32 $0x7F, v12  }
0x325: {  	v26 =	vshra.s32 v14, $0x8;
	v11 =	vshra.s32 v12, $0x8;
	v32 =	vand.u32 $0xFF, v12  }
0x326: {  	v13 =	vshra.s32 v16, $0x8;
	v17 =	vand.u32 $0xFF, v16;
	v12 =	vand.u32 $0x7F, v16  }
0x327: {  	v33 =	vand.u32 $0xFF, v14;
	v35 =	vand.u32 $0x7F, v14;
	v22 =	vand.u32 $0xFF, v30  }
0x328: {  	v34 =	vand.u32 $0xFF, v15;
	v38 =	vand.u32 $0x7F, v30;
	v39 =	vand.u32 $0xFF, v37  }
0x329: {  	v23 =	vand.u32 $0xFF, v25;
	v45 =	vand.u32 $0xFF, v40;
	v46 =	vshra.s32 v30, $0x8  }
0x32a: {  	v58 =	vand.u32 $0x7F, v40;
	v40 =	vshra.s32 v40, $0x8;
	v16 =	vor.u32 v1, v17  }
0x32b: {  	vm1 =	veq.s32 v13, v5;
	v19 =	vor.u32 v8, v17;
	vm6 =	veq.s32 v13, v7  }
0x32c: {  	v14 =	vor.u32 v9, v17;
	v20 =	vor.u32 v1, v33;
	v21 =	vor.u32 v8, v33  }
0x32d: {  	v31 =	vor.u32 v8, v22;
	v24 =	vor.u32 v8, v34;
	vm9 =	veq.s32 v26, v7  }
0x32e: {  	v28 =	vor.u32 v9, v34;
	v42 =	vor.u32 v9, v22;
	vm2 =	veq.s32 v26, v5  }
0x32f: {  	v27 =	vor.u32 v8, v39;
	vm5 =	veq.s32 v11, v6;
	v56 =	vor.u32 v1, v32  }
0x330: {  	vm4 =	veq.s32 v11, v5;
	v47 =	vor.u32 v1, v45;
	vm7 =	veq.s32 v46, v5  }
0x331: {  	vm0 =	veq.s32 v46, v6;
	v30 =	vor.u32 v9, v32;
	v59 =	vor.u32 v8, v45  }
0x332: {  	v61 =	vor.u32 v9, v33;
	vm11 =	veq.s32 v46, v7;
	v34 =	vor.u32 v1, v34  }
0x333: {  	v62 =	vor.u32 v9, v45;
	vm3 =	veq.s32 v26, v6;
	vm13 =	veq.s32 v40, v5  }
0x334: {  	vm8 =	veq.s32 v40, v7;
	v18 =	vand.u32 $0x1F880, v16;
	v17 =	vand.u32 $0x1FA80, v19  }
0x335: {  	v19 =	vand.u32 $0x1F880, v20;
	v20 =	vor.u32 v1, v22;
	v21 =	vand.u32 $0x1FA80, v21  }
0x336: {  	v22 =	vand.u32 $0x1F980, v14;
	v14 =	vor.u32 v1, v23;
	v44 =	vand.u32 $0x1FA80, v31  }
0x337: {  	v57 =	vand.u32 $0x1F880, v47;
	v42 =	vand.u32 $0x1F980, v42;
	v36 =	vor.u32 v12, v18  }
0x338: {  	v60 =	vand.u32 $0x1F880, v56;
	v63 =	vand.u32 $0x1FA80, v59;
	v20 =	vand.u32 $0x1F880, v20  }
0x339: {  	v18 =	vor.u32 v8, v32;
	v41 =	vor.u32 v35, v19;
	v19 =	vshra.s32 v25, $0x8  }
0x33a: {  	v29 =	vor.u32 v35, v21;
	v21 =	vand.u32 $0x7F, v25;
	v25 =	vor.u32 v9, v39  }
0x33b: {  	v31 =	vand.u32 $0x1F880, v14;
	v33 =	vor.u32 v58, v57;
	v43 =	vor.u32 v38, v20  }
0x33c: {  	v32 =	vand.u32 $0x1F980, v62;
	[tilespmem:v36+s15+$0x0] =	vst.idx.add.s32.msk vm1, v3;
	v36 =	vor.u32 v38, v42;
	v42 =	vor.u32 v10, v60  }
0x33d: {  	v20 =	vand.u32 $0x7F, v37;
	v14 =	vand.u32 $0x1F980, v25;
	v25 =	vor.u32 v38, v44  }
0x33e: {  	v32 =	vor.u32 v58, v32;
	v37 =	vshra.s32 v37, $0x8;
	v14 =	vor.u32 v20, v14  }
0x33f: {  	v26 =	vand.u32 $0x1F980, v61;
	vm10 =	veq.s32 v37, v5;
	[tilespmem:v41+s15+$0x0] =	vst.idx.add.s32.msk vm2, v3;
	vm1 =	veq.s32 v40, v6  }
0x340: {  	v38 =	vor.u32 v35, v26;
	v26 =	vor.u32 v58, v63;
	[tilespmem:v43+s15+$0x0] =	vst.idx.add.s32.msk vm7, v3  }
0x341: {  	s6 =	simm.s32 $0xC0;
	s2 =	simm.s32 $0x0;
	v16 =	vshra.s32 v15, $0x8;
	v35 =	vor.u32 v1, v39;
	vm7 =	veq.s32 v37, v6;
	[tilespmem:v42+s15+$0x0] =	vst.idx.add.s32.msk vm4, v3  }
.LBB2_29:
0x342: {  	vm4 =	veq.s32 v16, v6  }
0x343: {  	v39 =	vld [tilespmem:s6+$0xFFFFFFC0];
	s2 =	sadd.s32 $0x80, s2;
	vm12 =	veq.s32 v37, v7;
	v27 =	vand.u32 $0x1FA80, v27;
	vm2 =	vmmov vm6  }
0x344: {  	v31 =	vor.u32 v21, v31;
	vm14 =	veq.s32 v16, v5;
	v24 =	vand.u32 $0x1FA80, v24;
	p1 =	slt.u32 s2, $0x1F80;
	[tilespmem:v36+s15+$0x0] =	vst.idx.add.s32.msk vm0, v3  }
0x345: {  	vm6 =	veq.s32 v19, v5;
	v28 =	vand.u32 $0x1F980, v28;
	v36 =	vor.u32 v9, v23;
	[tilespmem:v33+s15+$0x0] =	vst.idx.add.s32.msk vm13, v3  }
0x346: {  	v15 =	vand.u32 $0x7F, v15;
	v35 =	vand.u32 $0x1F880, v35;
	v33 =	vand.u32 $0x1F980, v36;
	[tilespmem:v38+s15+$0x0] =	vst.idx.add.s32.msk vm3, v3  }
0x347: {  	vm0 =	veq.s32 v19, v6;
	[tilespmem:v29+s15+$0x0] =	vst.idx.add.s32.msk vm9, v3;
	v29 =	vand.u32 $0x1F880, v34;
	v34 =	vor.u32 v20, v35  }
0x348: {  	v23 =	vor.u32 v8, v23;
	v33 =	vor.u32 v21, v33;
	v35 =	vld [tilespmem:s6+$0xFFFFFFE0];
	v29 =	vor.u32 v15, v29  }
0x349: {  	v37 =	vor.u32 v20, v27;
	v23 =	vand.u32 $0x1FA80, v23;
	v36 =	vld [tilespmem:s6+$0xFFFFFFF0]  }
0x34a: {  	vm15 =	veq.s32 v13, v6;
	v20 =	vor.u32 v15, v28;
	[tilespmem:v32+s15+$0x0] =	vst.idx.add.s32.msk vm1, v3  }
0x34b: {  	v13 =	vand.u32 $0x1F980, v30;
	v24 =	vor.u32 v15, v24;
	vm9 =	veq.s32 v11, v7;
	v27 =	vld [tilespmem:s6+$0x30]  }
0x34c: {  	v17 =	vor.u32 v12, v17;
	v11 =	vand.u32 $0x1FA80, v18;
	v18 =	vor.u32 v12, v22;
	v15 =	vld [tilespmem:s6+$0x0]  }
0x34d: {  	vm13 =	veq.s32 v16, v7;
	v21 =	vor.u32 v21, v23;
	v22 =	vor.u32 v10, v11;
	v32 =	vld [tilespmem:s6+$0x10]  }
0x34e: {  	vm3 =	veq.s32 v19, v7;
	v19 =	vor.u32 v10, v13;
	v10 =	vand.u32 $0x7F, v36;
	[tilespmem:v29+s15+$0x0] =	vst.idx.add.s32.msk vm14, v3  }
0x34f: {  	v38 =	vshra.s32 v39, $0x8;
	v11 =	vshra.s32 v36, $0x8;
	v30 =	vand.u32 $0xFF, v36;
	[tilespmem:v25+s15+$0x0] =	vst.idx.add.s32.msk vm11, v3  }
0x350: {  	v13 =	vshra.s32 v27, $0x8;
	v16 =	vand.u32 $0xFF, v27;
	v12 =	vand.u32 $0x7F, v27;
	[tilespmem:v20+s15+$0x0] =	vst.idx.add.s32.msk vm4, v3  }
0x351: {  	v20 =	vor.u32 v1, v16;
	vm1 =	veq.s32 v13, v5;
	[tilespmem:v31+s15+$0x0] =	vst.idx.add.s32.msk vm6, v3  }
0x352: {  	v23 =	vor.u32 v8, v16;
	vm6 =	veq.s32 v13, v7;
	v20 =	vand.u32 $0x1F880, v20;
	[tilespmem:v18+s15+$0x0] =	vst.idx.add.s32.msk vm15, v3  }
0x353: {  	v36 =	vand.u32 $0xFF, v39;
	v39 =	vand.u32 $0x7F, v39;
	v25 =	vor.u32 v9, v16;
	[tilespmem:v17+s15+$0x0] =	vst.idx.add.s32.msk vm2, v3  }
0x354: {  	v27 =	vor.u32 v8, v36;
	v16 =	vshra.s32 v15, $0x8;
	v18 =	vor.u32 v1, v36;
	v40 =	vld [tilespmem:s6+$0x20]  }
0x355: {  	v29 =	vand.u32 $0xFF, v35;
	v41 =	vand.u32 $0xFF, v15;
	v17 =	vand.u32 $0x1FA80, v23;
	[tilespmem:v24+s15+$0x0] =	vst.idx.add.s32.msk vm13, v3  }
0x356: {  	v23 =	vand.u32 $0x1F880, v18;
	v18 =	vor.u32 v1, v29;
	v42 =	vor.u32 v12, v20;
	v31 =	vld [tilespmem:s6+$0xFFFFFFD0]  }
0x357: {  	v44 =	vor.u32 v8, v29;
	v43 =	vand.u32 $0x1FA80, v27;
	v24 =	vor.u32 v8, v41;
	[tilespmem:v19+s15+$0x0] =	vst.idx.add.s32.msk vm5, v3  }
0x358: {  	v45 =	vand.u32 $0x7F, v35;
	v20 =	vand.u32 $0x1F880, v18;
	v18 =	vor.u32 v8, v30;
	[tilespmem:v22+s15+$0x0] =	vst.idx.add.s32.msk vm9, v3  }
0x359: {  	v28 =	vor.u32 v9, v41;
	vm9 =	veq.s32 v38, v7;
	v46 =	vand.u32 $0xFF, v40;
	[tilespmem:v33+s15+$0x0] =	vst.idx.add.s32.msk vm0, v3  }
0x35a: {  	v47 =	vor.u32 v9, v29;
	v22 =	vand.u32 $0x1F980, v25;
	v33 =	vor.u32 v39, v23;
	[tilespmem:v26+s15+$0x0] =	vst.idx.add.s32.msk vm8, v3  }
0x35b: {  	vm0 =	veq.s32 v38, v5;
	v27 =	vor.u32 v8, v46;
	v23 =	vand.u32 $0xFF, v31;
	[tilespmem:v21+s15+$0x0] =	vst.idx.add.s32.msk vm3, v3  }
0x35c: {  	v26 =	vor.u32 v45, v20;
	v20 =	vand.u32 $0x7F, v40;
	v19 =	vshra.s32 v31, $0x8;
	[tilespmem:v34+s15+$0x0] =	vst.idx.add.s32.msk vm10, v3  }
0x35d: {  	v29 =	vor.u32 v39, v43;
	v25 =	vor.u32 v1, v23;
	v34 =	vand.u32 $0x1FA80, v44;
	[tilespmem:v14+s15+$0x0] =	vst.idx.add.s32.msk vm7, v3  }
0x35e: {  	vm5 =	veq.s32 v11, v6;
	v21 =	vand.u32 $0x7F, v31;
	v14 =	vor.u32 v9, v46;
	[tilespmem:v37+s15+$0x0] =	vst.idx.add.s32.msk vm12, v3  }
0x35f: {  	v31 =	vand.u32 $0x1F880, v25;
	v37 =	vand.u32 $0xFF, v32;
	v14 =	vand.u32 $0x1F980, v14;
	[tilespmem:v42+s15+$0x0] =	vst.idx.add.s32.msk vm1, v3  }
0x360: {  	v25 =	vor.u32 v45, v34;
	v34 =	vor.u32 v1, v30;
	v14 =	vor.u32 v20, v14  }
0x361: {  	v35 =	vshra.s32 v35, $0x8;
	vm2 =	veq.s32 v11, v5;
	[tilespmem:v33+s15+$0x0] =	vst.idx.add.s32.msk vm0, v3;
	v33 =	vor.u32 v1, v37  }
0x362: {  	v30 =	vor.u32 v9, v30;
	vm1 =	veq.s32 v35, v5;
	vm0 =	veq.s32 v35, v6  }
0x363: {  	v42 =	vand.u32 $0x7F, v32;
	v43 =	vor.u32 v8, v37;
	v33 =	vand.u32 $0x1F880, v33  }
0x364: {  	v44 =	vor.u32 v9, v36;
	v34 =	vand.u32 $0x1F880, v34;
	v33 =	vor.u32 v42, v33  }
0x365: {  	vm11 =	veq.s32 v35, v7;
	v36 =	vand.u32 $0x1F980, v47;
	v35 =	vor.u32 v10, v34  }
0x366: {  	v36 =	vor.u32 v45, v36;
	v34 =	vor.u32 v1, v41;
	v37 =	vor.u32 v9, v37  }
.Ltmp13:
0x367: {  	v41 =	vshra.s32 v32, $0x8;
	v32 =	vand.u32 $0x1F980, v37;
	v37 =	vand.u32 $0x1FA80, v43;
	(pc) =	sbr.rel @p1 .LBB2_29-.Ltmp13, $4  }
0x368: {  	vm3 =	veq.s32 v38, v6;
	vm13 =	veq.s32 v41, v5;
	v32 =	vor.u32 v42, v32  }
0x369: {  	v38 =	vand.u32 $0x1F980, v44;
	vm8 =	veq.s32 v41, v7;
	[tilespmem:v26+s15+$0x0] =	vst.idx.add.s32.msk vm1, v3;
	vm1 =	veq.s32 v41, v6  }
0x36a: {  	v38 =	vor.u32 v39, v38;
	v26 =	vor.u32 v42, v37;
	v37 =	vshra.s32 v40, $0x8;
	[tilespmem:v35+s15+$0x0] =	vst.idx.add.s32.msk vm2, v3  }
0x36b: {  	s6 =	sadd.s32 $0x80, s6;
	v35 =	vor.u32 v1, v46;
	vm10 =	veq.s32 v37, v5;
	vm7 =	veq.s32 v37, v6  }
0x36c: {  	_ =	sdelay $0x4  }
0x36d: {  	[tilespmem:v36+s15+$0x0] =	vst.idx.add.s32.msk vm0, v3  }
0x36e: {  	vm2 =	veq.s32 v16, v5;
	v15 =	vand.u32 $0x7F, v15;
	v34 =	vand.u32 $0x1F880, v34;
	[tilespmem:v33+s15+$0x0] =	vst.idx.add.s32.msk vm13, v3  }
0x36f: {  	[tilespmem:v38+s15+$0x0] =	vst.idx.add.s32.msk vm3, v3;
	vm3 =	veq.s32 v13, v6;
	v34 =	vor.u32 v15, v34  }
0x370: {  	vm0 =	veq.s32 v16, v6;
	v28 =	vand.u32 $0x1F980, v28;
	v13 =	vor.u32 v12, v22;
	[tilespmem:v29+s15+$0x0] =	vst.idx.add.s32.msk vm9, v3  }
0x371: {  	vm6 =	vmmov vm6;
	v28 =	vor.u32 v15, v28;
	[tilespmem:v32+s15+$0x0] =	vst.idx.add.s32.msk vm1, v3  }
0x372: {  	vm4 =	veq.s32 v19, v5;
	v12 =	vor.u32 v12, v17;
	[tilespmem:v25+s15+$0x0] =	vst.idx.add.s32.msk vm11, v3  }
0x373: {  	v31 =	vor.u32 v21, v31;
	v17 =	vand.u32 $0x1F980, v30;
	vm1 =	veq.s32 v16, v7;
	[tilespmem:v26+s15+$0x0] =	vst.idx.add.s32.msk vm8, v3  }
0x374: {  	v22 =	vand.u32 $0x1FA80, v24;
	v16 =	vor.u32 v9, v23;
	v17 =	vor.u32 v10, v17;
	[tilespmem:v34+s15+$0x0] =	vst.idx.add.s32.msk vm2, v3  }
0x375: {  	v15 =	vor.u32 v15, v22;
	vm2 =	veq.s32 v11, v7;
	v11 =	vand.u32 $0x1FA80, v18;
	[tilespmem:v13+s15+$0x0] =	vst.idx.add.s32.msk vm3, v3  }
0x376: {  	v16 =	vand.u32 $0x1F980, v16;
	[tilespmem:v28+s15+$0x0] =	vst.idx.add.s32.msk vm0, v3;
	vm0 =	veq.s32 v19, v6;
	v10 =	vor.u32 v10, v11  }
0x377: {  	v11 =	vor.u32 v21, v16;
	v16 =	vor.u32 v8, v23;
	[tilespmem:v12+s15+$0x0] =	vst.idx.add.s32.msk vm6, v3;
	v12 =	vand.u32 $0x1F880, v35  }
0x378: {  	[tilespmem:v31+s15+$0x0] =	vst.idx.add.s32.msk vm4, v3;
	vm3 =	veq.s32 v19, v7;
	v13 =	vand.u32 $0x1FA80, v16;
	v12 =	vor.u32 v20, v12  }
0x379: {  	[tilespmem:v17+s15+$0x0] =	vst.idx.add.s32.msk vm5, v3;
	v13 =	vor.u32 v21, v13  }
0x37a: {  	[tilespmem:v15+s15+$0x0] =	vst.idx.add.s32.msk vm1, v3;
	vm1 =	veq.s32 v37, v7;
	v15 =	vand.u32 $0x1FA80, v27  }
0x37b: {  	[tilespmem:v10+s15+$0x0] =	vst.idx.add.s32.msk vm2, v3;
	v10 =	vor.u32 v20, v15  }
0x37c: {  	[tilespmem:v11+s15+$0x0] =	vst.idx.add.s32.msk vm0, v3  }
0x37d: {  	[tilespmem:v12+s15+$0x0] =	vst.idx.add.s32.msk vm10, v3  }
0x37e: {  	[tilespmem:v13+s15+$0x0] =	vst.idx.add.s32.msk vm3, v3  }
0x37f: {  	[tilespmem:v14+s15+$0x0] =	vst.idx.add.s32.msk vm7, v3  }
0x380: {  	p1 =	seq.s32 s0, $0x7;
	[tilespmem:v10+s15+$0x0] =	vst.idx.add.s32.msk vm1, v3  }
0x381: {  	s2 =	sadd.s32 @!p1 s10, s26;
	_ =	swait.ge [sflag:s16], $0x2000  }
0x382: {  	s3 =	simm.s32 @!p1 $0x80;
	s5 =	simm.s32 @!p1 $0x400;
	[sflag:s16] =	ssyncset.done $0x0  }
0x383: {  	s6 =	simm.s32 @!p1 $0x0;
	s26 =	simm.s32 $0x2040;
	[sflag:s16] =	ssyncadd.s32 $0xFFFFE000  }
0x384: {  	[tilespmem:s6], [sflag:$0x1] =	stream.strided.gather @!p1 [hbm4b:s2+s3], $0x2000, s5, s3, $0x200038;
	[tilespmem:$0x1F080] =	vst v63  }
0x385: {  	v10 =	vld [tilespmem:s26+$0x0]  }
0x386: {  	v17 =	vld [tilespmem:s26+$0x30]  }
0x387: {  	v24 =	vld [tilespmem:s26+$0x20];
	_ =	sdelay $0x1  }
0x388: {  	v11 =	vld [tilespmem:s26+$0xFFFFFFC0]  }
0x389: {  	v12 =	vand.u32 $0xFF, v10;
	v13 =	vshra.s32 v10, $0x8  }
0x38a: {  	v18 =	vand.u32 $0x7F, v10;
	v19 =	vand.u32 $0x7F, v17;
	v25 =	vand.u32 $0xFF, v17  }
0x38b: {  	v21 =	vld [tilespmem:s26+$0xFFFFFFD0];
	v17 =	vshra.s32 v17, $0x8;
	v56 =	vand.u32 $0xFF, v24;
	v14 =	vor.u32 v9, v12  }
0x38c: {  	vm3 =	veq.s32 v13, v5;
	vm2 =	veq.s32 v13, v6;
	v15 =	vor.u32 v1, v12  }
0x38d: {  	v10 =	vor.u32 v8, v12;
	vm1 =	veq.s32 v13, v7;
	v13 =	vand.u32 $0xFF, v11  }
0x38e: {  	v55 =	vor.u32 v9, v25;
	vm5 =	veq.s32 v17, v5;
	vm7 =	veq.s32 v17, v7  }
0x38f: {  	vm4 =	veq.s32 v17, v6;
	v14 =	vand.u32 $0x1F980, v14;
	v12 =	vand.u32 $0x1F880, v15  }
0x390: {  	v10 =	vand.u32 $0x1FA80, v10;
	v15 =	vshra.s32 v21, $0x8;
	v16 =	vor.u32 v9, v13  }
0x391: {  	v60 =	vand.u32 $0x1F980, v55;
	v23 =	vor.u32 v18, v14;
	v14 =	vshra.s32 v11, $0x8  }
0x392: {  	v27 =	vor.u32 v18, v10;
	v10 =	vimm.s32 $0x0;
	v20 =	vand.u32 $0x1F980, v16  }
0x393: {  	v16 =	vand.u32 $0x7F, v11;
	v11 =	vand.u32 $0xFF, v21;
	vm6 =	veq.s32 v15, v6  }
0x394: {  	v30 =	vor.u32 v18, v12;
	v12 =	vand.u32 $0x7F, v24;
	vm0 =	veq.s32 v14, v5  }
0x395: {  	v18 =	vor.u32 v1, v13;
	v61 =	vor.u32 v19, v60;
	v10 =	vsel vm0, $0xFFFFFFFF, v10  }
0x396: {  	v21 =	vand.u32 $0x7F, v21;
	vm9 =	veq.s32 v14, v7;
	v53 =	vor.u32 v9, v11;
	[tilespmem:$0x1FFF0] =	vst v10  }
0x397: {  	v22 =	vor.u32 v8, v11;
	vm8 =	veq.s32 v14, v6;
	v14 =	vor.u32 v16, v20;
	v29 =	vld [tilespmem:s26+$0xFFFFFFE0]  }
0x398: {  	v31 =	vor.u32 v1, v11;
	v20 =	vand.u32 $0x1FA80, v22;
	v22 =	vand.u32 $0x1F880, v18;
	v28 =	vld [tilespmem:s26+$0x10]  }
0x399: {  	v18 =	vor.u32 v1, v25;
	v33 =	vand.u32 $0x1F880, v31;
	v34 =	vand.u32 $0x1F980, v53;
	v41 =	vld [tilespmem:s26+$0xFFFFFFF0]  }
0x39a: {  	v10 =	vor.u32 v8, v13;
	v13 =	vshra.s32 v24, $0x8;
	v18 =	vand.u32 $0x1F880, v18;
	[tilespmem:v30+s15+$0x0] =	vst.idx.add.s32.msk vm3, v3  }
0x39b: {  	v24 =	vor.u32 v8, v25;
	v10 =	vand.u32 $0x1FA80, v10;
	v59 =	vor.u32 v19, v18;
	[tilespmem:v23+s15+$0x0] =	vst.idx.add.s32.msk vm2, v3  }
0x39c: {  	v39 =	vand.u32 $0x1FA80, v24;
	v10 =	vor.u32 v16, v10;
	[tilespmem:v27+s15+$0x0] =	vst.idx.add.s32.msk vm1, v3;
	v27 =	vor.u32 v9, v56  }
0x39d: {  	vm3 =	veq.s32 v15, v5;
	v27 =	vand.u32 $0x1F980, v27;
	v54 =	vand.u32 $0xFF, v29  }
0x39e: {  	v11 =	vand.u32 $0x7F, v29;
	v57 =	vand.u32 $0xFF, v28;
	v24 =	vshra.s32 v28, $0x8  }
0x39f: {  	v40 =	vand.u32 $0x7F, v28;
	v30 =	vshra.s32 v29, $0x8;
	v29 =	vand.u32 $0xFF, v41  }
0x3a0: {  	v63 =	vshra.s32 v41, $0x8;
	v58 =	vor.u32 v8, v57;
	v18 =	vor.u32 v1, v54  }
0x3a1: {  	v17 =	vor.u32 v1, v57;
	vm10 =	veq.s32 v24, v5;
	v25 =	vor.u32 v9, v54  }
0x3a2: {  	vm14 =	veq.s32 v24, v7;
	vm0 =	veq.s32 v24, v6;
	v17 =	vand.u32 $0x1F880, v17  }
0x3a3: {  	v24 =	vor.u32 v8, v56;
	v32 =	vor.u32 v1, v29;
	v42 =	vor.u32 v40, v17  }
0x3a4: {  	vm11 =	veq.s32 v63, v5;
	vm12 =	veq.s32 v63, v6;
	v17 =	vor.u32 v9, v57  }
0x3a5: {  	[tilespmem:v59+s15+$0x0] =	vst.idx.add.s32.msk vm5, v3;
	v26 =	vand.u32 $0x1F880, v18;
	v62 =	vand.u32 $0x1FA80, v58;
	v17 =	vand.u32 $0x1F980, v17  }
0x3a6: {  	v28 =	vor.u32 v40, v17;
	v17 =	vor.u32 v19, v39;
	v19 =	vor.u32 v1, v56  }
0x3a7: {  	[tilespmem:v61+s15+$0x0] =	vst.idx.add.s32.msk vm4, v3;
	v18 =	vor.u32 v8, v54;
	v31 =	vor.u32 v40, v62;
	v19 =	vand.u32 $0x1F880, v19  }
0x3a8: {  	s2 =	simm.s32 $0x20C0;
	s26 =	simm.s32 $0x0;
	v23 =	vand.u32 $0x7F, v41;
	v19 =	vor.u32 v12, v19;
	[tilespmem:v42+s15+$0x0] =	vst.idx.add.s32.msk vm10, v3;
	vm10 =	veq.s32 v63, v7  }
.LBB2_31:
0x3a9: {  	v33 =	vor.u32 v21, v33  }
0x3aa: {  	v35 =	vld [tilespmem:s2+$0x0];
	v26 =	vor.u32 v11, v26;
	v36 =	vor.u32 v9, v29;
	vm1 =	vmmov vm9  }
0x3ab: {  	v37 =	vld [tilespmem:s2+$0xFFFFFFC0];
	v34 =	vor.u32 v21, v34;
	vm4 =	veq.s32 v15, v7;
	vm13 =	veq.s32 v30, v7  }
0x3ac: {  	v38 =	vld [tilespmem:s2+$0x30];
	v20 =	vor.u32 v21, v20;
	vm5 =	veq.s32 v30, v6;
	v15 =	vand.u32 $0x1F880, v32  }
0x3ad: {  	v21 =	vld [tilespmem:s2+$0xFFFFFFD0];
	v16 =	vor.u32 v16, v22;
	vm9 =	veq.s32 v30, v5;
	v22 =	vor.u32 v8, v29  }
0x3ae: {  	v25 =	vand.u32 $0x1F980, v25;
	[tilespmem:v28+s15+$0x0] =	vst.idx.add.s32.msk vm0, v3;
	v24 =	vand.u32 $0x1FA80, v24;
	vm0 =	veq.s32 v13, v7  }
0x3af: {  	v27 =	vor.u32 v12, v27;
	v18 =	vand.u32 $0x1FA80, v18;
	[tilespmem:v17+s15+$0x0] =	vst.idx.add.s32.msk vm7, v3;
	v29 =	vand.u32 $0x1F980, v36  }
0x3b0: {  	v22 =	vand.u32 $0x1FA80, v22;
	[tilespmem:v31+s15+$0x0] =	vst.idx.add.s32.msk vm14, v3;
	v52 =	vor.u32 v23, v15;
	v25 =	vor.u32 v11, v25  }
0x3b1: {  	v39 =	vld [tilespmem:s2+$0x20];
	v24 =	vor.u32 v12, v24;
	v18 =	vor.u32 v11, v18;
	v29 =	vor.u32 v23, v29  }
0x3b2: {  	v51 =	vld [tilespmem:s2+$0x10];
	v23 =	vor.u32 v23, v22;
	v28 =	vshra.s32 v35, $0x8;
	v30 =	vand.u32 $0xFF, v35  }
0x3b3: {  	v35 =	vand.u32 $0x7F, v35;
	v40 =	vand.u32 $0x7F, v38;
	[tilespmem:v33+s15+$0x0] =	vst.idx.add.s32.msk vm3, v3;
	v53 =	vand.u32 $0xFF, v37  }
0x3b4: {  	v54 =	vand.u32 $0xFF, v21;
	v56 =	vshra.s32 v38, $0x8;
	v31 =	vor.u32 v9, v30;
	[tilespmem:v26+s15+$0x0] =	vst.idx.add.s32.msk vm9, v3  }
0x3b5: {  	vm2 =	veq.s32 v28, v5;
	vm14 =	veq.s32 v28, v6;
	[tilespmem:v34+s15+$0x0] =	vst.idx.add.s32.msk vm6, v3;
	v31 =	vand.u32 $0x1F980, v31  }
0x3b6: {  	v15 =	vor.u32 v1, v30;
	v30 =	vor.u32 v8, v30;
	v26 =	vor.u32 v35, v31;
	v31 =	vld [tilespmem:$0x1FFF0]  }
0x3b7: {  	v58 =	vand.u32 $0xFF, v39;
	vm15 =	veq.s32 v28, v7;
	v42 =	vor.u32 v8, v53;
	[tilespmem:v52+s15+$0x0] =	vst.idx.add.s32.msk vm11, v3  }
0x3b8: {  	v55 =	vor.u32 v9, v54;
	v17 =	vor.u32 v1, v53;
	vm7 =	veq.s32 v56, v7;
	v41 =	vld [tilespmem:s2+$0xFFFFFFE0]  }
0x3b9: {  	v28 =	vand.u32 $0x1F880, v15;
	v30 =	vand.u32 $0x1FA80, v30;
	v15 =	vshra.s32 v21, $0x8;
	[tilespmem:v20+s15+$0x0] =	vst.idx.add.s32.msk vm4, v3  }
0x3ba: {  	v12 =	vand.u32 $0x1FA80, v42;
	[tilespmem:v25+s15+$0x0] =	vst.idx.add.s32.msk vm5, v3;
	v20 =	vor.u32 v8, v54;
	vm4 =	veq.s32 v13, v5  }
0x3bb: {  	v25 =	vand.u32 $0xFF, v38;
	[tilespmem:v29+s15+$0x0] =	vst.idx.add.s32.msk vm12, v3;
	v29 =	vor.u32 v1, v54;
	vm3 =	vnez.u8 v31  }
0x3bc: {  	v22 =	vand.u32 $0x1F880, v17;
	v60 =	vshra.s32 v51, $0x8;
	v61 =	vand.u32 $0x7F, v51  }
0x3bd: {  	v34 =	vand.u32 $0x1F980, v55;
	v21 =	vand.u32 $0x7F, v21;
	v30 =	vor.u32 v35, v30  }
0x3be: {  	vm6 =	veq.s32 v15, v6;
	v20 =	vand.u32 $0x1FA80, v20;
	v17 =	vor.u32 v1, v25;
	[tilespmem:v23+s15+$0x0] =	vst.idx.add.s32.msk vm10, v3  }
0x3bf: {  	v28 =	vor.u32 v35, v28;
	v57 =	vor.u32 v9, v25;
	v17 =	vand.u32 $0x1F880, v17;
	v23 =	vld [tilespmem:s2+$0xFFFFFFF0]  }
0x3c0: {  	v33 =	vand.u32 $0x1F880, v29;
	v29 =	vand.u32 $0x1F980, v57;
	v17 =	vor.u32 v40, v17;
	[tilespmem:v19+s15+$0x0] =	vst.idx.add.s32.msk vm4, v3  }
0x3c1: {  	v62 =	vor.u32 v40, v29;
	v11 =	vand.u32 $0x7F, v41;
	v31 =	vshra.s32 v37, $0x8;
	[tilespmem:v16+s15+$0x0] =	vst.idx.add.s32.msk vm3, v3  }
0x3c2: {  	vm4 =	veq.s32 v56, v5;
	vm3 =	veq.s32 v31, v5;
	[tilespmem:v14+s15+$0x0] =	vst.idx.add.s32.msk vm8, v3;
	v14 =	vimm.s32 $0x0  }
0x3c3: {  	[tilespmem:v18+s15+$0x0] =	vst.idx.add.s32.msk vm13, v3;
	v19 =	vor.u32 v8, v25;
	v14 =	vsel vm3, $0xFFFFFFFF, v14;
	vm3 =	veq.s32 v13, v6  }
0x3c4: {  	[tilespmem:v28+s15+$0x0] =	vst.idx.add.s32.msk vm2, v3;
	vm2 =	veq.s32 v60, v5;
	vm9 =	veq.s32 v31, v7;
	v19 =	vand.u32 $0x1FA80, v19  }
0x3c5: {  	[tilespmem:v26+s15+$0x0] =	vst.idx.add.s32.msk vm14, v3;
	vm14 =	veq.s32 v60, v7;
	v29 =	vand.u32 $0xFF, v23;
	v63 =	vshra.s32 v23, $0x8  }
0x3c6: {  	v23 =	vand.u32 $0x7F, v23;
	[tilespmem:v30+s15+$0x0] =	vst.idx.add.s32.msk vm15, v3;
	v30 =	vshra.s32 v41, $0x8;
	v32 =	vor.u32 v1, v29  }
0x3c7: {  	vm11 =	veq.s32 v63, v5;
	vm10 =	veq.s32 v63, v7;
	vm12 =	veq.s32 v63, v6  }
0x3c8: {  	v16 =	vand.u32 $0x7F, v37;
	[tilespmem:v17+s15+$0x0] =	vst.idx.add.s32.msk vm4, v3;
	v17 =	vor.u32 v40, v19;
	v19 =	vor.u32 v1, v58  }
0x3c9: {  	vm8 =	veq.s32 v31, v6;
	v31 =	vand.u32 $0xFF, v41;
	[tilespmem:v27+s15+$0x0] =	vst.idx.add.s32.msk vm3, v3;
	v27 =	vand.u32 $0xFF, v51  }
0x3ca: {  	v19 =	vand.u32 $0x1F880, v19;
	[tilespmem:v10+s15+$0x0] =	vst.idx.add.s32.msk vm1, v3;
	v18 =	vor.u32 v1, v31;
	v25 =	vor.u32 v1, v27  }
0x3cb: {  	vm1 =	veq.s32 v56, v6;
	v26 =	vand.u32 $0x1F880, v18;
	[tilespmem:v24+s15+$0x0] =	vst.idx.add.s32.msk vm0, v3;
	v24 =	vand.u32 $0x1F880, v25  }
0x3cc: {  	s26 =	sadd.s32 $0x80, s26;
	v18 =	vor.u32 v8, v31;
	v25 =	vor.u32 v9, v31;
	v31 =	vor.u32 v61, v24  }
0x3cd: {  	p1 =	slt.u32 s26, $0x1F80;
	v13 =	vor.u32 v16, v12;
	v12 =	vand.u32 $0x7F, v39;
	[tilespmem:$0x1FFF0] =	vst v14;
	v14 =	vor.u32 v9, v53  }
.Ltmp14:
0x3ce: {  	v19 =	vor.u32 v12, v19;
	v14 =	vand.u32 $0x1F980, v14;
	v24 =	vor.u32 v9, v27;
	(pc) =	sbr.rel @p1 .LBB2_31-.Ltmp14, $4  }
0x3cf: {  	v14 =	vor.u32 v16, v14;
	v59 =	vor.u32 v8, v27;
	v27 =	vand.u32 $0x1F980, v24  }
0x3d0: {  	v10 =	vmovc v13;
	vm3 =	veq.s32 v15, v5;
	v28 =	vor.u32 v61, v27;
	v27 =	vand.u32 $0x1FA80, v59  }
0x3d1: {  	v13 =	vshra.s32 v39, $0x8;
	[tilespmem:v31+s15+$0x0] =	vst.idx.add.s32.msk vm2, v3;
	v31 =	vor.u32 v61, v27;
	v27 =	vor.u32 v9, v58  }
0x3d2: {  	s2 =	sadd.s32 $0x80, s2;
	[tilespmem:v62+s15+$0x0] =	vst.idx.add.s32.msk vm1, v3;
	vm0 =	veq.s32 v60, v6;
	v24 =	vor.u32 v8, v58;
	v27 =	vand.u32 $0x1F980, v27  }
0x3d3: {  	_ =	sdelay $0x1  }
0x3d4: {  	v33 =	vor.u32 v21, v33;
	vm1 =	veq.s32 v30, v5  }
0x3d5: {  	v26 =	vor.u32 v11, v26;
	_ =	sdelay $0x1  }
0x3d6: {  	[tilespmem:v28+s15+$0x0] =	vst.idx.add.s32.msk vm0, v3  }
0x3d7: {  	[tilespmem:v31+s15+$0x0] =	vst.idx.add.s32.msk vm14, v3  }
0x3d8: {  	[tilespmem:v33+s15+$0x0] =	vst.idx.add.s32.msk vm3, v3  }
0x3d9: {  	[tilespmem:v26+s15+$0x0] =	vst.idx.add.s32.msk vm1, v3  }
0x3da: {  	v54 =	vor.u32 v21, v34;
	vm2 =	veq.s32 v30, v6;
	v56 =	vand.u32 $0x1F980, v25;
	v58 =	vld [tilespmem:$0x1FFF0]  }
0x3db: {  	v55 =	vor.u32 v21, v20;
	v57 =	vand.u32 $0x1F880, v32;
	v20 =	vor.u32 v11, v56  }
0x3dc: {  	v21 =	vor.u32 v23, v57  }
0x3dd: {  	vm13 =	veq.s32 v13, v5  }
0x3de: {  	vm15 =	veq.s32 v15, v7  }
0x3df: {  	v9 =	vor.u32 v9, v29;
	[tilespmem:v54+s15+$0x0] =	vst.idx.add.s32.msk vm6, v3;
	vm4 =	vnez.u8 v58  }
0x3e0: {  	v16 =	vor.u32 v16, v22;
	v8 =	vor.u32 v8, v29;
	v9 =	vand.u32 $0x1F980, v9;
	[tilespmem:v20+s15+$0x0] =	vst.idx.add.s32.msk vm2, v3  }
0x3e1: {  	v60 =	vand.u32 $0x1FA80, v18;
	vm14 =	veq.s32 v30, v7;
	v9 =	vor.u32 v23, v9;
	[tilespmem:v21+s15+$0x0] =	vst.idx.add.s32.msk vm11, v3  }
0x3e2: {  	v62 =	vor.u32 v11, v60;
	v8 =	vand.u32 $0x1FA80, v8;
	[tilespmem:v17+s15+$0x0] =	vst.idx.add.s32.msk vm7, v3  }
0x3e3: {  	v8 =	vor.u32 v23, v8;
	[tilespmem:v19+s15+$0x0] =	vst.idx.add.s32.msk vm13, v3  }
0x3e4: {  	[tilespmem:v55+s15+$0x0] =	vst.idx.add.s32.msk vm15, v3  }
0x3e5: {  	[tilespmem:v16+s15+$0x0] =	vst.idx.add.s32.msk vm4, v3;
	vm4 =	veq.s32 v13, v6  }
0x3e6: {  	v59 =	vor.u32 v12, v27;
	v61 =	vand.u32 $0x1FA80, v24;
	s0 =	sadd.s32 $0x1, s0;
	vm15 =	veq.s32 v13, v7;
	[tilespmem:v9+s15+$0x0] =	vst.idx.add.s32.msk vm12, v3  }
0x3e7: {  	v63 =	vor.u32 v12, v61;
	p1 =	sne.s32 s0, $0x8;
	[tilespmem:v62+s15+$0x0] =	vst.idx.add.s32.msk vm14, v3  }
.Ltmp15:
0x3e8: {  	[tilespmem:v8+s15+$0x0] =	vst.idx.add.s32.msk vm10, v3;
	(pc) =	sbr.rel @p1 .LBB2_28-.Ltmp15, $4  }
0x3e9: {  	[tilespmem:v14+s15+$0x0] =	vst.idx.add.s32.msk vm8, v3  }
0x3ea: {  	[tilespmem:v10+s15+$0x0] =	vst.idx.add.s32.msk vm9, v3  }
0x3eb: {  	[tilespmem:v59+s15+$0x0] =	vst.idx.add.s32.msk vm4, v3  }
0x3ec: {  	vm5 =	vmmov vm9;
	[tilespmem:v63+s15+$0x0] =	vst.idx.add.s32.msk vm15, v3  }
0x3ed: {  	_ =	strace $0x90000050  }
0x3ee: {  	s2 =	simm.s32 $0x0;
	s0 =	simm.s32 $0x0;
	_ =	strace $0x80000051  }
0x3ef: {  	s3 =	sand.u32 $0x3E0, s2;
	v5 =	vld [tilespmem:s0+$0x4000]  }
0x3f0: {  	v6 =	vld [tilespmem:s3+$0x5800]  }
0x3f1: {  	v7 =	vld [tilespmem:s3+$0x7000]  }
0x3f2: {  	v8 =	vld [tilespmem:s3+$0x8800]  }
0x3f3: {  	v9 =	vld [tilespmem:s3+$0xA000]  }
0x3f4: {  	v10 =	vld [tilespmem:s3+$0xB800]  }
0x3f5: {  	v11 =	vld [tilespmem:s3+$0xD000]  }
0x3f6: {  	v12 =	vld [tilespmem:s3+$0xE800]  }
0x3f7: {  	v13 =	vld [tilespmem:s3+$0x10000]  }
0x3f8: {  	v14 =	vld [tilespmem:s3+$0x11800]  }
0x3f9: {  	v15 =	vld [tilespmem:s3+$0x13000]  }
0x3fa: {  	v16 =	vld [tilespmem:s3+$0x14800]  }
0x3fb: {  	v17 =	vld [tilespmem:s3+$0x16000]  }
0x3fc: {  	v18 =	vld [tilespmem:s3+$0x17800]  }
0x3fd: {  	v19 =	vld [tilespmem:s3+$0x19000]  }
0x3fe: {  	v20 =	vld [tilespmem:s3+$0x1A800];
	v5 =	vadd.s32 v5, v6  }
0x3ff: {  	v6 =	vld [tilespmem:s0+$0x4010];
	v5 =	vadd.s32 v7, v5  }
0x400: {  	v7 =	vld [tilespmem:s0+$0x5810];
	v5 =	vadd.s32 v8, v5  }
0x401: {  	v8 =	vld [tilespmem:s0+$0x7010];
	v5 =	vadd.s32 v9, v5  }
0x402: {  	v9 =	vld [tilespmem:s0+$0x8810];
	v5 =	vadd.s32 v10, v5  }
0x403: {  	v10 =	vld [tilespmem:s0+$0xA010];
	v5 =	vadd.s32 v11, v5  }
0x404: {  	v11 =	vld [tilespmem:s0+$0xB810];
	v5 =	vadd.s32 v12, v5  }
0x405: {  	v6 =	vadd.s32 v6, v7;
	v7 =	vld [tilespmem:s0+$0xD010];
	v5 =	vadd.s32 v13, v5  }
0x406: {  	v6 =	vadd.s32 v8, v6;
	v8 =	vld [tilespmem:s0+$0xE810];
	v5 =	vadd.s32 v14, v5  }
0x407: {  	v6 =	vadd.s32 v9, v6;
	v9 =	vld [tilespmem:s0+$0x10010];
	v5 =	vadd.s32 v15, v5  }
0x408: {  	v6 =	vadd.s32 v10, v6;
	v10 =	vld [tilespmem:s0+$0x11810];
	v5 =	vadd.s32 v16, v5  }
0x409: {  	v11 =	vadd.s32 v11, v6;
	v6 =	vld [tilespmem:s0+$0x13010];
	v5 =	vadd.s32 v17, v5  }
0x40a: {  	v7 =	vadd.s32 v7, v11;
	v63 =	vadd.s32 v18, v5;
	v5 =	vld [tilespmem:s0+$0x14810]  }
0x40b: {  	v8 =	vadd.s32 v8, v7;
	v7 =	vld [tilespmem:s0+$0x16010];
	v11 =	vadd.s32 v19, v63  }
0x40c: {  	v9 =	vadd.s32 v9, v8;
	v8 =	vld [tilespmem:s0+$0x17810];
	v11 =	vadd.s32 v20, v11  }
0x40d: {  	s6 =	simm.s32 $0x80;
	v10 =	vadd.s32 v10, v9;
	v9 =	vld [tilespmem:s0+$0x19010];
	[tilespmem:s0+$0x1C000] =	vst v11  }
.LBB2_34:
0x40e: {  	s2 =	sadd.s32 $0x20, s2;
	s3 =	sshra.s32 s6, $0x2;
	v6 =	vadd.s32 v6, v10;
	v10 =	vld [tilespmem:s0+$0x1A810]  }
0x40f: {  	v11 =	vld [tilespmem:s3+$0x4000];
	s5 =	sand.u32 $0x3E0, s2;
	p1 =	slt.u32 s2, $0x2E0;
	v5 =	vadd.s32 v5, v6  }
0x410: {  	v6 =	vld [tilespmem:s5+$0x5800];
	v5 =	vadd.s32 v7, v5  }
0x411: {  	v7 =	vld [tilespmem:s5+$0x7000];
	v5 =	vadd.s32 v8, v5  }
0x412: {  	v8 =	vld [tilespmem:s5+$0x8800];
	v5 =	vadd.s32 v9, v5  }
0x413: {  	v9 =	vld [tilespmem:s5+$0xA000];
	v5 =	vadd.s32 v10, v5  }
0x414: {  	v10 =	vld [tilespmem:s5+$0xB800];
	[tilespmem:s0+$0x1C010] =	vst v5;
	s0 =	smov.u32 s3  }
0x415: {  	v5 =	vadd.s32 v11, v6;
	v6 =	vld [tilespmem:s5+$0xD000]  }
0x416: {  	v5 =	vadd.s32 v7, v5;
	v7 =	vld [tilespmem:s5+$0xE800]  }
0x417: {  	v5 =	vadd.s32 v8, v5;
	v8 =	vld [tilespmem:s5+$0x10000]  }
0x418: {  	v5 =	vadd.s32 v9, v5;
	v9 =	vld [tilespmem:s5+$0x11800]  }
0x419: {  	v5 =	vadd.s32 v10, v5;
	v10 =	vld [tilespmem:s5+$0x13000]  }
0x41a: {  	v5 =	vadd.s32 v6, v5;
	v6 =	vld [tilespmem:s5+$0x14800]  }
0x41b: {  	v5 =	vadd.s32 v7, v5;
	v7 =	vld [tilespmem:s5+$0x16000]  }
0x41c: {  	v5 =	vadd.s32 v8, v5;
	v8 =	vld [tilespmem:s5+$0x17800]  }
0x41d: {  	v5 =	vadd.s32 v9, v5;
	v9 =	vld [tilespmem:s5+$0x19000]  }
0x41e: {  	v5 =	vadd.s32 v10, v5;
	v10 =	vld [tilespmem:s5+$0x1A800]  }
0x41f: {  	v5 =	vadd.s32 v6, v5;
	v6 =	vld [tilespmem:s0+$0x4010]  }
0x420: {  	v5 =	vadd.s32 v7, v5;
	v7 =	vld [tilespmem:s0+$0x5810]  }
0x421: {  	v5 =	vadd.s32 v8, v5;
	v8 =	vld [tilespmem:s0+$0x7010]  }
0x422: {  	v5 =	vadd.s32 v9, v5;
	v9 =	vld [tilespmem:s0+$0x8810]  }
0x423: {  	v5 =	vadd.s32 v10, v5;
	v10 =	vld [tilespmem:s0+$0xA010]  }
0x424: {  	[tilespmem:s0+$0x1C000] =	vst v5;
	v5 =	vld [tilespmem:s0+$0xB810]  }
0x425: {  	v6 =	vadd.s32 v6, v7;
	v7 =	vld [tilespmem:s0+$0xD010]  }
0x426: {  	v6 =	vadd.s32 v8, v6;
	v8 =	vld [tilespmem:s0+$0xE810]  }
0x427: {  	v6 =	vadd.s32 v9, v6;
	v9 =	vld [tilespmem:s0+$0x10010]  }
0x428: {  	v6 =	vadd.s32 v10, v6;
	v10 =	vld [tilespmem:s0+$0x11810]  }
.Ltmp16:
0x429: {  	v5 =	vadd.s32 v5, v6;
	v6 =	vld [tilespmem:s0+$0x13010];
	(pc) =	sbr.rel @p1 .LBB2_34-.Ltmp16, $4  }
0x42a: {  	v7 =	vadd.s32 v7, v5;
	v5 =	vld [tilespmem:s0+$0x14810]  }
0x42b: {  	v8 =	vadd.s32 v8, v7;
	v7 =	vld [tilespmem:s0+$0x16010]  }
0x42c: {  	v9 =	vadd.s32 v9, v8;
	v8 =	vld [tilespmem:s0+$0x17810]  }
0x42d: {  	s6 =	sadd.s32 $0x80, s6;
	v10 =	vadd.s32 v10, v9;
	v9 =	vld [tilespmem:s0+$0x19010]  }
0x42e: {  	v6 =	vadd.s32 v6, v10;
	v52 =	vld [tilespmem:s0+$0x1A810]  }
0x42f: {  	v5 =	vadd.s32 v5, v6  }
0x430: {  	v5 =	vadd.s32 v7, v5  }
0x431: {  	v5 =	vadd.s32 v8, v5  }
0x432: {  	v5 =	vadd.s32 v9, v5  }
0x433: {  	v5 =	vadd.s32 v52, v5  }
0x434: {  	[tilespmem:s0+$0x1C010] =	vst v5  }
0x435: {  	_ =	strace $0x90000051  }
0x436: {  	s2 =	simm.s32 $0x1C000;
	s17 =	rddreg [dreg:$0x3]  }
0x437: {  	[spmem:s17] =	stream.strided.scatter [tilespmem:s2], [sflag:$0x3], $0x300, s12, s11, $0x38;
	[tilespmem:$0x1F080] =	vst v63  }
0x438: {  	_ =	swait.ge [sflag:s18], $0x300  }
0x439: {  	[sflag:s18] =	ssyncset.done $0x0  }
0x43a: {  	[sflag:s18] =	ssyncadd.s32 $0xFFFFFD00  }
0x43b: {  	[bflag:$0x0] =	sbarrier.arrive $0xFFFF  }
0x43c: {  	s22 =	rddreg [dreg:$0x4]  }
0x43d: {  	[tilespmem:s15], [sflag:$0x3] =	stream.strided.gather [spmem:s22], $0x300, s12, s11, $0x38;
	[tilespmem:$0x1F080] =	vst v63  }
0x43e: {  	_ =	swait.ge [sflag:s18], $0x300  }
0x43f: {  	[sflag:s18] =	ssyncset.done $0x0  }
0x440: {  	s23 =	simm.s32 $0x0;
	[sflag:s18] =	ssyncadd.s32 $0xFFFFFD00  }
0x441: {  	v5 =	vld [tilespmem:s23+$0x4200]  }
0x442: {  	v6 =	vld [tilespmem:s23+$0x4100]  }
0x443: {  	v7 =	vld [tilespmem:s23+$0x1C200]  }
0x444: {  	v8 =	vld [tilespmem:s23+$0x1C100]  }
0x445: {  	v53 =	vld [tilespmem:s23+$0x1C000]  }
0x446: {  	v54 =	vld [tilespmem:s23+$0x4000];
	_ =	sdelay $0x1  }
0x447: {  	v5 =	vadd.s32 v7, v5  }
0x448: {  	v6 =	vadd.s32 v8, v6;
	(xrf0) =	vadd.scan.msk.s32 $0xffff, v5  }
0x449: {  	(xrf0) =	vadd.scan.msk.s32 $0xffff, v6  }
0x44a: {  	v5 =	vadd.s32 v53, v54  }
0x44b: {  	(xrf0) =	vadd.scan.msk.s32 $0xffff, v5;
	_ =	sdelay $0x2  }
0x44c: {  	s0 =	simm.s32 $0x0;
	v5, _, _ =	vpop (xrf0)  }
0x44d: {  	v8 =	vadd.s32 s0, v5;
	v6, _, _ =	vpop (xrf0)  }
0x44e: {  	v5 =	vmov s25;
	v7 =	vxor.u32 $0x80000000, v8;
	v6 =	vadd.s32 s0, v6  }
0x44f: {  	v55, _, _ =	vpop (xrf0);
	(xrf0) =	vmax.scan.msk.u32 $0xffff, v7;
	vm0 =	vlt.s32 v6, v5;
	v7 =	vxor.u32 $0x80000000, v6  }
0x450: {  	v6 =	vmov s31;
	v9 =	vadd.s32 s0, v55;
	v56 =	vsel vm0, $0x1, v2;
	(xrf0) =	vmax.scan.msk.u32 $0xffff, v7  }
0x451: {  	s26 =	simm.s32 $0x10;
	v7 =	vmov s24;
	vm15 =	vlt.s32 v9, v6;
	v9 =	vxor.u32 $0x80000000, v9;
	(xrf0) =	vadd.scan.msk.s32 $0xffff, v56  }
0x452: {  	v11 =	vld [tilespmem:s26+$0x4200];
	vm1 =	vlt.s32 v8, v7;
	v8 =	vsel vm15, $0x1, v2;
	(xrf0) =	vmax.scan.msk.u32 $0xffff, v9  }
0x453: {  	(xrf0) =	vadd.scan.msk.s32 $0xffff, v8;
	v8 =	vld [tilespmem:s26+$0x1C200]  }
0x454: {  	v12 =	vsel vm1, $0x1, v2  }
0x455: {  	(xrf0) =	vadd.scan.msk.s32 $0xffff, v12;
	v13, _, _ =	vpop (xrf0)  }
0x456: {  	(v2sf) =	vpush v13, $0xF  }
0x457: {  	v60, _, _ =	vpop (xrf0)  }
0x458: {  	(v2sf) =	vpush v60, $0xF;
	v61, _, _ =	vpop (xrf0);
	v8 =	vadd.s32 v8, v11  }
0x459: {  	(v2sf) =	vpush v61, $0xF;
	v62, _, _ =	vpop (xrf0)  }
0x45a: {  	v57 =	vld [tilespmem:s26+$0x4100];
	v63, _, _ =	vpop (xrf0);
	(v2sf) =	vpush v62, $0xF  }
0x45b: {  	v58 =	vld [tilespmem:s26+$0x1C000];
	(xrf0) =	vadd.scan.msk.s32 $0xffff, v8;
	(v2sf) =	vpush v63, $0xF;
	v8, _, _ =	vpop (xrf0)  }
0x45c: {  	v59 =	vld [tilespmem:s26+$0x1C100];
	(v2sf) =	vpush v8, $0xF  }
0x45d: {  	v14 =	vld [tilespmem:s26+$0x4000];
	_ =	sdelay $0x3  }
0x45e: {  	v10 =	vadd.s32 v59, v57  }
0x45f: {  	v9 =	vadd.s32 v58, v14;
	(xrf0) =	vadd.scan.msk.s32 $0xffff, v10  }
0x460: {  	s6 =	simm.s32 $0x0;
	s2 =	simm.s32 $0x0;
	s24 =	simm.s32 $0x80;
	(xrf0) =	vadd.scan.msk.s32 $0xffff, v9  }
.LBB2_36:
0x461: {  	p1 =	sne.s32 s24, $0x3C0;
	s3 =	smov.u32 s24;
	s24 =	sadd.s32 $0x40, s24  }
0x462: {  	s5 =	spop (v2sf)  }
0x463: {  	v8, _, _ =	vpop (xrf0);
	s5 =	sxor.u32 $0x80000000, s5  }
0x464: {  	v8 =	vadd.s32 s5, v8;
	s5 =	spop (v2sf)  }
0x465: {  	vm0 =	vlt.s32 v8, v7;
	v8 =	vxor.u32 $0x80000000, v8;
	v9, _, _ =	vpop (xrf0);
	s5 =	sxor.u32 $0x80000000, s5;
	s8 =	spop (v2sf)  }
0x466: {  	v9 =	vadd.s32 s5, v9;
	v10, _, _ =	vpop (xrf0);
	(xrf0) =	vmax.scan.msk.u32 $0xffff, v8;
	s5 =	spop (v2sf)  }
0x467: {  	s0 =	sadd.s32 s0, s8;
	vm1 =	vlt.s32 v9, v5;
	v8 =	vxor.u32 $0x80000000, v9;
	s5 =	sxor.u32 $0x80000000, s5;
	s8 =	spop (v2sf)  }
0x468: {  	v11 =	vsel vm0, $0x1, v2;
	v9 =	vadd.s32 s5, v10;
	v10 =	vsel vm1, $0x1, v2;
	(xrf0) =	vmax.scan.msk.u32 $0xffff, v8;
	s6 =	sadd.s32 s6, s8;
	s5 =	spop (v2sf)  }
0x469: {  	vm0 =	vlt.s32 v9, v6;
	v8 =	vxor.u32 $0x80000000, v9;
	(xrf0) =	vadd.scan.msk.s32 $0xffff, v10;
	s2 =	sadd.s32 s2, s5  }
0x46a: {  	v9 =	vsel vm0, $0x1, v2;
	(xrf0) =	vmax.scan.msk.u32 $0xffff, v8  }
0x46b: {  	(xrf0) =	vadd.scan.msk.s32 $0xffff, v9  }
0x46c: {  	(xrf0) =	vadd.scan.msk.s32 $0xffff, v11;
	v8, _, _ =	vpop (xrf0)  }
0x46d: {  	s3 =	sshra.s32 s3, $0x2;
	(v2sf) =	vpush v8, $0xF  }
0x46e: {  	v8 =	vld [tilespmem:s3+$0x4200];
	v9, _, _ =	vpop (xrf0)  }
0x46f: {  	v10 =	vld [tilespmem:s3+$0x4100];
	v11, _, _ =	vpop (xrf0);
	(v2sf) =	vpush v9, $0xF  }
0x470: {  	v9 =	vld [tilespmem:s3+$0x1C000];
	v12, _, _ =	vpop (xrf0);
	(v2sf) =	vpush v11, $0xF  }
0x471: {  	v11 =	vld [tilespmem:s3+$0x1C200];
	v13, _, _ =	vpop (xrf0);
	(v2sf) =	vpush v12, $0xF  }
0x472: {  	v12 =	vld [tilespmem:s3+$0x1C100];
	(v2sf) =	vpush v13, $0xF;
	v13, _, _ =	vpop (xrf0)  }
0x473: {  	v14 =	vld [tilespmem:s3+$0x4000];
	(v2sf) =	vpush v13, $0xF;
	_ =	sdelay $0x2  }
.Ltmp17:
0x474: {  	v8 =	vadd.s32 v11, v8;
	(pc) =	sbr.rel @p1 .LBB2_36-.Ltmp17, $4  }
0x475: {  	v10 =	vadd.s32 v12, v10;
	(xrf0) =	vadd.scan.msk.s32 $0xffff, v8  }
0x476: {  	v8 =	vadd.s32 v9, v14  }
0x477: {  	(xrf0) =	vadd.scan.msk.s32 $0xffff, v10  }
0x478: {  	(xrf0) =	vadd.scan.msk.s32 $0xffff, v8  }
0x479: {  	_ =	sdelay $0x1  }
0x47a: {  	s3 =	spop (v2sf)  }
0x47b: {  	v8, _, _ =	vpop (xrf0);
	s3 =	sxor.u32 $0x80000000, s3;
	s5 =	spop (v2sf)  }
0x47c: {  	v8 =	vadd.s32 s3, v8;
	v9, _, _ =	vpop (xrf0);
	s24 =	sxor.u32 $0x80000000, s5;
	s25 =	spop (v2sf)  }
0x47d: {  	v10 =	vxor.u32 $0x80000000, v8;
	v9 =	vadd.s32 s24, v9;
	s26 =	spop (v2sf)  }
0x47e: {  	(xrf0) =	vmax.scan.msk.u32 $0xffff, v10;
	vm0 =	vlt.s32 v9, v5;
	v5, _, _ =	vpop (xrf0);
	v9 =	vxor.u32 $0x80000000, v9;
	s3 =	sxor.u32 $0x80000000, s26  }
0x47f: {  	v5 =	vadd.s32 s3, v5;
	(xrf0) =	vmax.scan.msk.u32 $0xffff, v9;
	v62 =	vsel vm0, $0x1, v2  }
0x480: {  	vm1 =	vlt.s32 v8, v7;
	vm10 =	vlt.s32 v5, v6;
	v5 =	vxor.u32 $0x80000000, v5;
	(xrf0) =	vadd.scan.msk.s32 $0xffff, v62  }
0x481: {  	(xrf0) =	vmax.scan.msk.u32 $0xffff, v5;
	v5 =	vsel vm1, $0x1, v2  }
0x482: {  	v6 =	vsel vm10, $0x1, v2  }
0x483: {  	(xrf0) =	vadd.scan.msk.s32 $0xffff, v6  }
0x484: {  	(xrf0) =	vadd.scan.msk.s32 $0xffff, v5;
	v5, _, _ =	vpop (xrf0)  }
0x485: {  	(v2sf) =	vpush v5, $0xF;
	v5, _, _ =	vpop (xrf0)  }
0x486: {  	v6, _, _ =	vpop (xrf0);
	(v2sf) =	vpush v5, $0xF  }
0x487: {  	v5, _, _ =	vpop (xrf0);
	(v2sf) =	vpush v6, $0xF  }
0x488: {  	(v2sf) =	vpush v5, $0xF  }
0x489: {  	v6, _, _ =	vpop (xrf0)  }
0x48a: {  	(v2sf) =	vpush v6, $0xF;
	v5, _, _ =	vpop (xrf0)  }
0x48b: {  	(v2sf) =	vpush v5, $0xF;
	_ =	sdelay $0x6  }
0x48c: {  	s31 =	spop (v2sf)  }
0x48d: {  	s8 =	spop (v2sf)  }
0x48e: {  	s17 =	spop (v2sf)  }
0x48f: {  	s23 =	sshll.u32 s21, $0x13;
	s17 =	spop (v2sf)  }
0x490: {  	s0 =	sadd.s32 s0, s25;
	s3 =	sadd.s32 s6, s31;
	s6 =	spop (v2sf)  }
0x491: {  	s24 =	sshll.u32 s28, $0x8;
	s2 =	sadd.s32 s2, s8;
	s8 =	spop (v2sf)  }
0x492: {  	s0 =	sadd.s32 s0, s6;
	s6 =	sshll.u32 s19, $0x13;
	s19 =	sshll.u32 s30, $0x8  }
0x493: {  	s25 =	sshll.u32 s20, $0x13;
	s17 =	spop (v2sf);
	s6 =	sor.u32 s6, s19  }
0x494: {  	s3 =	sadd.s32 s3, s17;
	s22 =	spop (v2sf);
	s17 =	sshll.u32 s29, $0x8  }
0x495: {  	s29 =	rddreg [dreg:$0x8];
	s3 =	sor.u32 s3, s6;
	s6 =	sor.u32 s23, s24  }
0x496: {  	vm11 =	vcmask $0x300;
	vm12 =	vcmask $0x704;
	s2 =	sadd.s32 s2, s22;
	s26 =	sor.u32 s25, s17;
	v5 =	vmov s3;
	s0 =	sor.u32 s0, s6  }
0x497: {  	v7 =	vmov s29;
	s28 =	sor.u32 s2, s26;
	v5 =	vbroadcast v5, $0x0;
	v6 =	vmov s0  }
0x498: {  	v7 =	vnsel vm11, $0x0, v7;
	v63 =	vmov s28;
	v6 =	vbroadcast v6, $0x0  }
0x499: {  	vm13 =	vcmask $0x714;
	v8 =	vbroadcast v63, $0x0;
	v5 =	vsel vm12, v5, v7  }
0x49a: {  	vm14 =	vcmask $0xB14;
	v5 =	vsel vm13, v5, v6  }
0x49b: {  	vm15 =	veq.s32 v0, $0x4;
	s30 =	rddreg [dreg:$0x7];
	v5 =	vsel vm14, v5, v8  }
0x49c: {  	v5 =	vsel vm15, s30, v5  }
0x49d: {  	s2 =	simm.s32 @!p0 $0x1D800;
	s3 =	rddreg [dreg:$0x5];
	s0 =	simm.s32 @!p0 $0x0;
	[tilespmem:$0x1D800] =	vst v5  }
0x49e: {  	[hbm4b:s3+s0] =	stream.linear.scatter @!p0 [tilespmem:s2], [sflag:$0x3], $0x80, $0x38;
	[tilespmem:$0x1F080] =	vst v63  }
0x49f: {  	s0 =	simm.s32 @!p0 $0x3  }
0x4a0: {  	_ =	swait.ge @!p0 [sflag:s0], $0x80  }
0x4a1: {  	s1 =	sadd.s32 $0x1, s1;
	s31 =	rddreg [dreg:$0x6]  }
0x4a2: {  	p1 =	sne.s32 s1, s31  }
.Ltmp18:
0x4a3: {  	_ = 	snop;
	(pc) =	sbr.rel @p1 .LBB2_1-.Ltmp18, $3  }
0x4a4: {  	_ =	sdelay $0x1  }
0x4a5: {  	[sflag:s0] =	ssyncset.done @!p0 $0x0  }
0x4a6: {  	[sflag:s0] =	ssyncadd.s32 @!p0 $0xFFFFFF80  }
0x4a7: {  	_ =	sfence.sel $0x180000  }
0x4a8: {  	[bflag:$0x0] =	sbarrier.arrive $0xFFFF  }
0x4a9: {  	_ =	strace $0x90000047  }
0x4aa: {  	s0 =	stileid.u32;
	[bflag:$0x2] =	sbarrier.arrive $0xFFFF  }
0x4ab: {  	p0 =	sne.s32 s0, $0x0;
	s0 =	rddreg [dreg:$0x2]  }
0x4ac: {  	s0 =	sadd.s32 @!p0 $0x100000, s0  }
0x4ad: {  	[sflag:s0] =	ssyncadd.tile.s32 @!p0 $0x1;
	_ =	shalt  }
.Lfunc_end2:
_tile_overlayer_lowered:
.L_overlay_start_2:
0x4ae: {  	(tag) =	ssettag $0x2  }
0x4af: {  	s0 =	rddreg [dreg:$0x0];
	s2 =	stileid.u32  }
0x4b0: {  	s1 =	rddreg [dreg:$0x1];
	p0 =	sne.s32 s2, $0x0  }
0x4b1: {  	s3 =	rddreg [dreg:$0x2];
	[bflag:$0x3] =	sbarrier.arrive $0xFFFF;
	s2 =	simm.s32 @!p0 $0x1C03  }
0x4b2: {  	[timem:s3], [sflag:s2] =	dma.local @!p0 [hbm:s0], s1  }
0x4b3: {  	s0 =	simm.s32 @!p0 $0x3  }
0x4b4: {  	_ =	swait.ge @!p0 [sflag:s0], s1  }
0x4b5: {  	s1 =	ssub.s32 @!p0 $0x0, s1;
	[sflag:s0] =	ssyncset.done @!p0 $0x0  }
0x4b6: {  	[sflag:s0] =	ssyncadd.s32 @!p0 s1  }
0x4b7: {  	[bflag:$0x3] =	sbarrier.arrive $0xFFFF  }
0x4b8: {  	_ =	shalt  }

</sc_bundles>
